<compile_context>
chip_gen: v7x
topology: tpu7x:2x2x1
jax: 0.10.2.dev20260603
libtpu: 0.0.44.dev20260713+nightly
codegen_flags: <defaults>
</compile_context>

<pallas_src>
import functools

import jax
import jax.numpy as jnp
from jax import lax
from jax.experimental import pallas as pl
from jax.experimental.pallas import tpu as pltpu
from jax.experimental.pallas import tpu_sc as plsc

N = 10000
E = 320000
F = 128
H = 256
T = 16
M = 8
C = 40

NPAD = 10240
CHUNK = 80
CPT = (E // 32) // CHUNK
NBUF = 5
NC = 2
NS = 16
ROWS_PER_TILE = NPAD // NS

_mesh = plsc.VectorSubcoreMesh(core_axis_name="c", subcore_axis_name="s")
_sc_params = pltpu.CompilerParams(needs_layout_passes=False,
                                  use_tc_tiling_on_sc=False)


@functools.partial(
    pl.kernel,
    out_type=jax.ShapeDtypeStruct((32, NPAD), jnp.float32),
    mesh=_mesh,
    compiler_params=_sc_params,
    scratch_types=[
        pltpu.VMEM((E // 32,), jnp.int32),
        pltpu.VMEM((NPAD,), jnp.float32),
    ],
)
def _sc_degree(dst_hbm, out_hbm, dst_v, hist_v):
    wid = lax.axis_index("s") * NC + lax.axis_index("c")
    zero = jnp.zeros((16,), jnp.float32)
    one = jnp.ones((16,), jnp.float32)

    def _zero(i, _):
        hist_v[pl.ds(i * 16, 16)] = zero
        return _

    lax.fori_loop(0, NPAD // 16, _zero, 0)
    pltpu.sync_copy(dst_hbm.at[wid], dst_v)

    def _count(i, _):
        idx = dst_v[pl.ds(i * 16, 16)]
        plsc.addupdate_scatter(hist_v, [idx], one)
        return _

    lax.fori_loop(0, (E // 32) // 16, _count, 0)
    pltpu.sync_copy(hist_v, out_hbm.at[wid])



CPT_ALL = (E // NS) // CHUNK
HCPT = CPT_ALL // 2


@functools.partial(
    pl.kernel,
    out_type=jax.ShapeDtypeStruct((2 * NPAD, F // 2), jnp.float32),
    mesh=_mesh,
    compiler_params=_sc_params,
    scratch_types=[
        pltpu.VMEM((HCPT, CHUNK), jnp.int32),
        pltpu.VMEM((HCPT, CHUNK), jnp.int32),
        [pltpu.VMEM((CHUNK, F // 2), jnp.float32)] * NBUF,
        pltpu.VMEM_SHARED((NPAD, F // 2), jnp.float32),
        pltpu.VMEM_SHARED((NPAD, F // 2), jnp.float32),
        [pltpu.SemaphoreType.DMA] * NBUF,
    ],
)
def _sc_agg_cols(xs0_hbm, xs1_hbm, src_hbm, dst_hbm, out_hbm, src_v, dst_v,
                 rows, xs_sh, acc, sems):
    cid = lax.axis_index("c")
    sid = lax.axis_index("s")

    zero = jnp.zeros((16,), jnp.float32)

    def _zrow(i, _):
        def _zcol(j, __):
            rows[0][i, pl.ds(j * 16, 16)] = zero
            return __

        return lax.fori_loop(0, (F // 2) // 16, _zcol, _)

    lax.fori_loop(0, CHUNK, _zrow, 0)

    def _zacc(k, _):
        pltpu.sync_copy(
            rows[0].at[pl.ds(0, 40)],
            acc.at[pl.ds(sid * ROWS_PER_TILE + k * 40, 40)])
        return _

    lax.fori_loop(0, ROWS_PER_TILE // 40, _zacc, 0)

    @pl.when(cid == 0)
    def _():
        pltpu.sync_copy(xs0_hbm.at[pl.ds(sid * ROWS_PER_TILE, ROWS_PER_TILE)],
                        xs_sh.at[pl.ds(sid * ROWS_PER_TILE, ROWS_PER_TILE)])

    @pl.when(cid == 1)
    def _():
        pltpu.sync_copy(xs1_hbm.at[pl.ds(sid * ROWS_PER_TILE, ROWS_PER_TILE)],
                        xs_sh.at[pl.ds(sid * ROWS_PER_TILE, ROWS_PER_TILE)])

    plsc.subcore_barrier()

    for h in range(2):
        pltpu.sync_copy(
            src_hbm.at[pl.ds(sid * CPT_ALL + h * HCPT, HCPT)], src_v)
        pltpu.sync_copy(
            dst_hbm.at[pl.ds(sid * CPT_ALL + h * HCPT, HCPT)], dst_v)

        for b in range(NBUF):
            pltpu.async_copy(xs_sh.at[src_v.at[b]], rows[b], sems[b])

        def _edge_group(c, carry):
            for b in range(NBUF):
                k = NBUF * c + b
                pltpu.make_async_copy(xs_sh.at[src_v.at[k]], rows[b],
                                      sems[b]).wait()
                pltpu.sync_copy(rows[b], acc.at[dst_v.at[k]], add=True)

                @pl.when(k + NBUF < HCPT)
                def _():
                    pltpu.async_copy(xs_sh.at[src_v.at[k + NBUF]],
                                     rows[b], sems[b])

            return carry

        lax.fori_loop(0, HCPT // NBUF, _edge_group, 0)

    plsc.subcore_barrier()
    pltpu.sync_copy(
        acc.at[pl.ds(sid * ROWS_PER_TILE, ROWS_PER_TILE)],
        out_hbm.at[pl.ds(cid * NPAD + sid * ROWS_PER_TILE, ROWS_PER_TILE)])


@functools.partial(
    pl.kernel,
    out_type=jax.ShapeDtypeStruct((2 * NPAD, 48), jnp.float32),
    mesh=_mesh,
    compiler_params=_sc_params,
    scratch_types=[
        pltpu.VMEM((CPT, CHUNK), jnp.int32),
        pltpu.VMEM((CPT, CHUNK), jnp.int32),
        [pltpu.VMEM((CHUNK, 48), jnp.float32)] * NBUF,
        pltpu.VMEM_SHARED((NPAD, 48), jnp.float32),
        pltpu.VMEM_SHARED((NPAD, 48), jnp.float32),
        [pltpu.SemaphoreType.DMA] * NBUF,
    ],
)
def _sc_agg_us(us_hbm, src_hbm, dst_hbm, out_hbm, src_v, dst_v, rows,
               us_sh, acc, sems):
    cid = lax.axis_index("c")
    sid = lax.axis_index("s")
    wid = sid * NC + cid

    zero = jnp.zeros((16,), jnp.float32)

    def _zrow(i, _):
        def _zcol(j, __):
            rows[0][i, pl.ds(j * 16, 16)] = zero
            return __

        return lax.fori_loop(0, 48 // 16, _zcol, _)

    lax.fori_loop(0, CHUNK, _zrow, 0)

    def _zacc(k, _):
        pltpu.sync_copy(
            rows[0].at[pl.ds(0, 40)],
            acc.at[pl.ds(sid * ROWS_PER_TILE + k * 40, 40)])
        return _

    lax.fori_loop(0, ROWS_PER_TILE // 40, _zacc, 0)

    pltpu.sync_copy(us_hbm.at[pl.ds(sid * ROWS_PER_TILE, ROWS_PER_TILE)],
                    us_sh.at[pl.ds(sid * ROWS_PER_TILE, ROWS_PER_TILE)])

    pltpu.sync_copy(src_hbm.at[wid], src_v)
    pltpu.sync_copy(dst_hbm.at[wid], dst_v)
    plsc.subcore_barrier()

    for b in range(NBUF):
        pltpu.async_copy(us_sh.at[src_v.at[b]], rows[b], sems[b])

    def _edge_group(c, carry):
        for b in range(NBUF):
            k = NBUF * c + b
            pltpu.make_async_copy(us_sh.at[src_v.at[k]], rows[b],
                                  sems[b]).wait()
            pltpu.sync_copy(rows[b], acc.at[dst_v.at[k]], add=True)

            @pl.when(k + NBUF < CPT)
            def _():
                pltpu.async_copy(us_sh.at[src_v.at[k + NBUF]],
                                 rows[b], sems[b])

        return carry

    lax.fori_loop(0, CPT // NBUF, _edge_group, 0)
    plsc.subcore_barrier()

    pltpu.sync_copy(
        acc.at[pl.ds(sid * ROWS_PER_TILE, ROWS_PER_TILE)],
        out_hbm.at[pl.ds(cid * NPAD + sid * ROWS_PER_TILE, ROWS_PER_TILE)])


def _tc_prep_body(degp_ref, x_ref, xs0_ref, xs1_ref, dinv_ref, degn_ref):
    deg_row = jnp.sum(degp_ref[...], axis=0, keepdims=True) + 1.0
    deg = jnp.transpose(deg_row)
    dinv = lax.rsqrt(jnp.maximum(deg, 1.0))
    valid = lax.broadcasted_iota(jnp.int32, (NPAD, 1), 0) < N
    degm = jnp.where(valid, deg, 0.0)
    degn = degm / jnp.max(degm)
    xs = x_ref[...] * dinv
    xs0_ref[...] = xs[:, :F // 2]
    xs1_ref[...] = xs[:, F // 2:]
    dinv_ref[...] = dinv
    degn_ref[...] = degn


def _tc_prep(deg_part_t, x_pad):
    return pl.pallas_call(
        _tc_prep_body,
        grid=(1,),
        in_specs=[
            pl.BlockSpec((32, NPAD), lambda i: (0, 0)),
            pl.BlockSpec((NPAD, F), lambda i: (0, 0)),
        ],
        out_specs=(
            pl.BlockSpec((NPAD, F // 2), lambda i: (0, 0)),
            pl.BlockSpec((NPAD, F // 2), lambda i: (0, 0)),
            pl.BlockSpec((NPAD, 1), lambda i: (0, 0)),
            pl.BlockSpec((NPAD, 1), lambda i: (0, 0)),
        ),
        out_shape=(
            jax.ShapeDtypeStruct((NPAD, F // 2), jnp.float32),
            jax.ShapeDtypeStruct((NPAD, F // 2), jnp.float32),
            jax.ShapeDtypeStruct((NPAD, 1), jnp.float32),
            jax.ShapeDtypeStruct((NPAD, 1), jnp.float32),
        ),
    )(deg_part_t, x_pad)


_BD = 1024


def _tc_dense_body(un0_ref, un1_ref, x_ref, dinv_ref, degn_ref, wl_ref,
                   w1_ref, b1_ref, tmt_ref, qt_ref, ta_ref, w2_ref,
                   xl_ref, us_ref):
    dinv = dinv_ref[...]
    un = jnp.concatenate([un0_ref[...], un1_ref[...]], axis=1)
    agg = dinv * (un + dinv * x_ref[...])
    h = jnp.dot(agg, wl_ref[...], preferred_element_type=jnp.float32)
    z = jnp.maximum(
        jnp.dot(agg, w1_ref[...], preferred_element_type=jnp.float32)
        + b1_ref[...], 0.0)

    tmt = tmt_ref[...]
    dot2 = jnp.dot(h, tmt, preferred_element_type=jnp.float32)
    hn2 = jnp.sum(h * h, axis=1, keepdims=True)
    tn2 = jnp.sum(tmt * tmt, axis=0, keepdims=True)

    qt = qt_ref[...]
    qs = qt - jnp.max(qt, axis=0, keepdims=True)
    eq = jnp.exp(qs)
    logq = jnp.log(eq / jnp.sum(eq, axis=0, keepdims=True) + 1e-12)

    neg_c = [
        2.0 * dot2[:, m * T:(m + 1) * T] - hn2 - tn2[:, m * T:(m + 1) * T]
        + logq[m:m + 1, :]
        for m in range(M)
    ]
    mx = neg_c[0]
    for m in range(1, M):
        mx = jnp.maximum(mx, neg_c[m])
    ssum = jnp.zeros_like(mx)
    for m in range(M):
        ssum = ssum + jnp.exp(neg_c[m] - mx)
    featdist = -(mx + jnp.log(ssum))

    a_sig = jax.nn.sigmoid(ta_ref[...])
    tdeg = jnp.mean(a_sig, axis=0, keepdims=True)
    struct = (degn_ref[...] - tdeg) ** 2
    y = 0.5 * featdist + 0.5 * struct

    xl = jnp.concatenate([z, y], axis=1)
    xl_ref[...] = xl
    us_ref[...] = dinv * jnp.dot(xl, w2_ref[...],
                                 preferred_element_type=jnp.float32)


def _tc_dense(part1, x_pad, dinv, degn, Wl, W1, b1r, tmT, qT, ta2, W2p):
    nb = NPAD // _BD
    row = lambda i: (i, 0)
    rep = lambda i: (0, 0)
    return pl.pallas_call(
        _tc_dense_body,
        grid=(nb,),
        in_specs=[
            pl.BlockSpec((_BD, F // 2), row),
            pl.BlockSpec((_BD, F // 2), lambda i: (i + nb, 0)),
            pl.BlockSpec((_BD, F), row),
            pl.BlockSpec((_BD, 1), row),
            pl.BlockSpec((_BD, 1), row),
            pl.BlockSpec((F, H), rep),
            pl.BlockSpec((F, H), rep),
            pl.BlockSpec((1, H), rep),
            pl.BlockSpec((H, M * T), rep),
            pl.BlockSpec((M, T), rep),
            pl.BlockSpec((M * M, T), rep),
            pl.BlockSpec((H + T, 48), rep),
        ],
        out_specs=(
            pl.BlockSpec((_BD, H + T), row),
            pl.BlockSpec((_BD, 48), row),
        ),
        out_shape=(
            jax.ShapeDtypeStruct((N, H + T), jnp.float32),
            jax.ShapeDtypeStruct((NPAD, 48), jnp.float32),
        ),
    )(part1, part1, x_pad, dinv, degn, Wl, W1, b1r, tmT, qT, ta2, W2p)


def _tc_final_body(p0_ref, p1_ref, us_ref, dinv_ref, b2_ref, out_ref):
    v = (dinv_ref[...] * (p0_ref[...] + p1_ref[...] + us_ref[...])
         + b2_ref[...])
    out_ref[...] = v[:, :C]


def _tc_final(part2, us, dinv, b2p):
    nb = NPAD // _BD
    row = lambda i: (i, 0)
    return pl.pallas_call(
        _tc_final_body,
        grid=(nb,),
        in_specs=[
            pl.BlockSpec((_BD, 48), row),
            pl.BlockSpec((_BD, 48), lambda i: (i + nb, 0)),
            pl.BlockSpec((_BD, 48), row),
            pl.BlockSpec((_BD, 1), row),
            pl.BlockSpec((1, 48), lambda i: (0, 0)),
        ],
        out_specs=pl.BlockSpec((_BD, C), row),
        out_shape=jax.ShapeDtypeStruct((N, C), jnp.float32),
    )(part2, part2, us, dinv, b2p)


def kernel(x, edge_index, Wl, bl, W1, b1, W2, b2, templates, template_adj,
           q_logits):
    src = edge_index[0]
    dst = edge_index[1]
    srcp = src.reshape(32, CPT, CHUNK)
    dstp = dst.reshape(32, CPT, CHUNK)
    srcc = src.reshape(NS * CPT_ALL, CHUNK)
    dstc = dst.reshape(NS * CPT_ALL, CHUNK)
    dst2 = dst.reshape(32, E // 32)

    tmT = jnp.transpose(templates, (1, 0, 2)).reshape(M * T, H).T
    qT = q_logits.T
    ta2 = template_adj.reshape(T, M * M).T
    W2p = jnp.pad(W2, ((0, 0), (0, 48 - C)))
    b1r = b1.reshape(1, H)
    b2p = jnp.pad(b2, (0, 48 - C)).reshape(1, 48)

    deg_part = _sc_degree(dst2)
    xs0, xs1, dinv, degn = _tc_prep(deg_part, x)
    part1 = _sc_agg_cols(xs0, xs1, srcc, dstc)
    xl, us = _tc_dense(part1, x, dinv, degn, Wl, W1, b1r, tmT, qT, ta2,
                       W2p)
    part2 = _sc_agg_us(us, srcp, dstp)
    out = _tc_final(part2, us, dinv, b2p)
    return (out, xl)

# --- scband reference (transcript-rebuilt; emitter-appended) ---
"""Pipeline reference for scband-ltfgw-gcn-74345883894239 (READ-ONLY COPY).

The authoritative reference and input builder live on the scoring server;
editing this copy changes nothing except your own understanding.
"""

import jax, jax.numpy as jnp
import numpy as np

N = 10000
E = 320000
F = 128
H = 256
T = 16
M = 8
C = 40
ALPHA = 0.5


def setup_inputs(seed: int = 0):
    key = jax.random.key(seed)
    ks = jax.random.split(key, 10)
    x = jax.random.normal(ks[0], (N, F), dtype=jnp.float32)
    edge_index = jax.random.randint(ks[1], (2, E), 0, N, dtype=jnp.int32)
    Wl = jax.random.normal(ks[2], (F, H), dtype=jnp.float32) / np.sqrt(F)
    bl = jnp.zeros((H,), jnp.float32)
    W1 = jax.random.normal(ks[3], (F, H), dtype=jnp.float32) / np.sqrt(F)
    b1 = jnp.zeros((H,), jnp.float32)
    W2 = jax.random.normal(ks[4], (H + T, C), dtype=jnp.float32) / np.sqrt(H + T)
    b2 = jnp.zeros((C,), jnp.float32)
    templates = 0.0 + 1.0 * jax.random.normal(ks[5], (T, M, H), dtype=jnp.float32)
    template_adj = jax.random.normal(ks[6], (T, M, M), dtype=jnp.float32)
    q_logits = jnp.zeros((T, M), jnp.float32)
    return {"x": x, "edge_index": edge_index, "Wl": Wl, "bl": bl, "W1": W1, "b1": b1,
            "W2": W2, "b2": b2, "templates": templates, "template_adj": template_adj,
            "q_logits": q_logits}


def _norm_agg(h, src, dst, n):
    loop = jnp.arange(n)
    s = jnp.concatenate([src, loop])
    d = jnp.concatenate([dst, loop])
    deg = jnp.zeros((n,), h.dtype).at[d].add(1.0)
    dinv = jax.lax.rsqrt(jnp.maximum(deg, 1.0))
    coef = dinv[s] * dinv[d]
    agg = jnp.zeros((n, h.shape[1]), h.dtype).at[d].add(h[s] * coef[:, None])
    return agg, deg


def _gcn_conv(h, W, b, src, dst, n):
    agg, _ = _norm_agg(h @ W, src, dst, n)
    return agg + b


def _ltfgw(y, src, dst, n, templates, template_adj, q_logits):
    # k-hop (k=1) normalized neighborhood aggregation of node embeddings
    h, deg = _norm_agg(y, src, dst, n)
    q = jax.nn.softmax(q_logits, axis=-1)
    # feature cost between each node embedding and every template node (squared L2)
    hn2 = jnp.sum(h * h, axis=-1)
    tn2 = jnp.sum(templates * templates, axis=-1)
    dot = jnp.einsum('nd,tmd->ntm', h, templates)
    c = hn2[:, None, None] + tn2[None, :, :] - 2.0 * dot
    # soft-min optimal transport surrogate weighted by learned template node weights
    featdist = -jax.nn.logsumexp(-c + jnp.log(q + 1e-12)[None, :, :], axis=-1)
    # structure term: node degree statistic vs template connectivity statistic
    A = jax.nn.sigmoid(template_adj)
    tdeg = jnp.mean(A, axis=(1, 2))
    degn = deg / jnp.max(deg)
    struct = (degn[:, None] - tdeg[None, :]) ** 2
    # fixed FGW trade-off alpha0 = 0.5
    return ALPHA * featdist + (1.0 - ALPHA) * struct


def reference(x, edge_index, Wl, bl, W1, b1, W2, b2, templates, template_adj, q_logits):
    src = edge_index[0]
    dst = edge_index[1]
    n = x.shape[0]
    # skip_connection branch
    y = x @ Wl + bl
    y = _ltfgw(y, src, dst, n, templates, template_adj, q_logits)
    z = _gcn_conv(x, W1, b1, src, dst, n)
    z = jax.nn.relu(z)
    x_latent = jnp.hstack([z, y])
    # dropout p=0.0 -> identity in eval
    out = _gcn_conv(x_latent, W2, b2, src, dst, n)
    return (out, x_latent)

if __name__ == "__main__":
    import jax
    _d = setup_inputs()
    print(jax.jit(kernel)(*tuple(_d.values())))

</pallas_src>

<mosaic_0001>
#map = affine_map<(d0, d1) -> (0, 0)>
module attributes {stable_mosaic.version = 14 : i64} {
  func.func @_sc_degree(%arg0: i32, %arg1: i32, %arg2: memref<32x10000xi32, #tpu.memory_space<hbm>>, %arg3: memref<32x10240xf32, #tpu.memory_space<hbm>>, %arg4: memref<10000xi32, #tpu.memory_space<vmem>>, %arg5: memref<10240xf32, #tpu.memory_space<vmem>>) attributes {dimension_semantics = [#tpu.dimension_semantics<core_parallel>, #tpu.dimension_semantics<subcore_parallel>], iteration_bounds = array<i64: 2, 16>, scalar_prefetch = 0 : i64, scratch_operands = 2 : i64, tpu.core_type = #tpu.core_type<sc_vector_subcore>, window_params = [{transform_indices = #map}, {transform_indices = #map}]} {
    %mul3A = arith.constant 2 : i32
    %mul3A_0 = arith.muli %arg1, %mul3A : i32
    %add3A = arith.addi %mul3A_0, %arg0 : i32
    %broadcast_in_dim3A = arith.constant 0.000000e+00 : f32
    %broadcast_in_dim3A_1 = vector.broadcast %broadcast_in_dim3A : f32 to vector<16xf32>
    %broadcast_in_dim3A_2 = arith.constant 1.000000e+00 : f32
    %broadcast_in_dim3A_3 = vector.broadcast %broadcast_in_dim3A_2 : f32 to vector<16xf32>
    %scan3A = arith.constant 0 : i32
    %scan3A_4 = arith.constant 0 : i32
    %scan3A_5 = arith.constant 640 : i32
    %scan3A_6 = arith.addi %scan3A_4, %scan3A_5 : i32
    %scan3A_7 = arith.constant 1 : i32
    scf.for %scan3A_15 = %scan3A_4 to %scan3A_6 step %scan3A_7  : i32 {
      %mul3A_16 = arith.constant 16 : i32
      %mul3A_17 = arith.muli %scan3A_15, %mul3A_16 : i32
      %swap3A = arith.index_cast %mul3A_17 : i32 to index
      %swap3A_18 = tpu.vector_load %arg5[%swap3A] {strides = array<i32>} : memref<10240xf32, #tpu.memory_space<vmem>>, vector<16xf32>,
      tpu.vector_store %arg5[%swap3A], %broadcast_in_dim3A_1 {strides = array<i32>} : memref<10240xf32, #tpu.memory_space<vmem>>, vector<16xf32>,
    }
    %scan3A_8 = arith.constant 640 : i32
    "tpu.region"() ({
      %run_scoped3A = tpu.sem_alloc : memref<!tpu.dma_semaphore, #tpu.memory_space<semaphore_mem>>
      %dma_start3A = arith.constant 0 : i32
      %dma_start3A_15 = tpu.memref_slice %arg2[%add3A, %dma_start3A] : memref<32x10000xi32, #tpu.memory_space<hbm>> -> memref<1x10000xi32, #tpu.memory_space<hbm>>
      %dma_start3A_16 = tpu.memref_squeeze %dma_start3A_15 : memref<1x10000xi32, #tpu.memory_space<hbm>> -> memref<10000xi32, #tpu.memory_space<hbm>>
      %dma_start3A_17 = arith.constant 0 : i32
      %dma_start3A_18 = tpu.memref_slice %arg2[%add3A, %dma_start3A_17] : memref<32x10000xi32, #tpu.memory_space<hbm>> -> memref<1x10000xi32, #tpu.memory_space<hbm>>
      %dma_start3A_19 = tpu.memref_squeeze %dma_start3A_18 : memref<1x10000xi32, #tpu.memory_space<hbm>> -> memref<10000xi32, #tpu.memory_space<hbm>>
      tpu.enqueue_dma source(%dma_start3A_19 : memref<10000xi32, #tpu.memory_space<hbm>>) target(%arg4 : memref<10000xi32, #tpu.memory_space<vmem>>) target_semaphore(%run_scoped3A : memref<!tpu.dma_semaphore, #tpu.memory_space<semaphore_mem>>)
      %dma_wait3A = arith.constant 0 : i32
      %dma_wait3A_20 = tpu.memref_slice %arg2[%add3A, %dma_wait3A] : memref<32x10000xi32, #tpu.memory_space<hbm>> -> memref<1x10000xi32, #tpu.memory_space<hbm>>
      %dma_wait3A_21 = tpu.memref_squeeze %dma_wait3A_20 : memref<1x10000xi32, #tpu.memory_space<hbm>> -> memref<10000xi32, #tpu.memory_space<hbm>>
      %dma_wait3A_22 = arith.constant 0 : i32
      %dma_wait3A_23 = tpu.memref_slice %arg2[%add3A, %dma_wait3A_22] : memref<32x10000xi32, #tpu.memory_space<hbm>> -> memref<1x10000xi32, #tpu.memory_space<hbm>>
      %dma_wait3A_24 = tpu.memref_squeeze %dma_wait3A_23 : memref<1x10000xi32, #tpu.memory_space<hbm>> -> memref<10000xi32, #tpu.memory_space<hbm>>
      tpu.wait_dma2 semaphore(%run_scoped3A : memref<!tpu.dma_semaphore, #tpu.memory_space<semaphore_mem>>) src(%dma_wait3A_24 : memref<10000xi32, #tpu.memory_space<hbm>>) dst(%arg4 : memref<10000xi32, #tpu.memory_space<vmem>>)
      tpu.yield
    }) : () -> ()
    %scan3A_9 = arith.constant 0 : i32
    %scan3A_10 = arith.constant 0 : i32
    %scan3A_11 = arith.constant 625 : i32
    %scan3A_12 = arith.addi %scan3A_10, %scan3A_11 : i32
    %scan3A_13 = arith.constant 1 : i32
    scf.for %scan3A_15 = %scan3A_10 to %scan3A_12 step %scan3A_13  : i32 {
      %mul3A_16 = arith.constant 16 : i32
      %mul3A_17 = arith.muli %scan3A_15, %mul3A_16 : i32
      %get3A = arith.index_cast %mul3A_17 : i32 to index
      %get3A_18 = tpu.vector_load %arg4[%get3A] {strides = array<i32>} : memref<10000xi32, #tpu.memory_space<vmem>>, vector<16xi32>,
      tpu.vector_store_idx %arg5[%get3A_18], %broadcast_in_dim3A_3 {add = true} : memref<10240xf32, #tpu.memory_space<vmem>>[vector<16xi32>], vector<16xf32>,
    }
    %scan3A_14 = arith.constant 625 : i32
    "tpu.region"() ({
      %run_scoped3A = tpu.sem_alloc : memref<!tpu.dma_semaphore, #tpu.memory_space<semaphore_mem>>
      %dma_start3A = arith.constant 0 : i32
      %dma_start3A_15 = tpu.memref_slice %arg3[%add3A, %dma_start3A] : memref<32x10240xf32, #tpu.memory_space<hbm>> -> memref<1x10240xf32, #tpu.memory_space<hbm>>
      %dma_start3A_16 = tpu.memref_squeeze %dma_start3A_15 : memref<1x10240xf32, #tpu.memory_space<hbm>> -> memref<10240xf32, #tpu.memory_space<hbm>>
      %dma_start3A_17 = arith.constant 0 : i32
      %dma_start3A_18 = tpu.memref_slice %arg3[%add3A, %dma_start3A_17] : memref<32x10240xf32, #tpu.memory_space<hbm>> -> memref<1x10240xf32, #tpu.memory_space<hbm>>
      %dma_start3A_19 = tpu.memref_squeeze %dma_start3A_18 : memref<1x10240xf32, #tpu.memory_space<hbm>> -> memref<10240xf32, #tpu.memory_space<hbm>>
      tpu.enqueue_dma source(%arg5 : memref<10240xf32, #tpu.memory_space<vmem>>) target(%dma_start3A_19 : memref<10240xf32, #tpu.memory_space<hbm>>) target_semaphore(%run_scoped3A : memref<!tpu.dma_semaphore, #tpu.memory_space<semaphore_mem>>)
      %dma_wait3A = arith.constant 0 : i32
      %dma_wait3A_20 = tpu.memref_slice %arg3[%add3A, %dma_wait3A] : memref<32x10240xf32, #tpu.memory_space<hbm>> -> memref<1x10240xf32, #tpu.memory_space<hbm>>
      %dma_wait3A_21 = tpu.memref_squeeze %dma_wait3A_20 : memref<1x10240xf32, #tpu.memory_space<hbm>> -> memref<10240xf32, #tpu.memory_space<hbm>>
      %dma_wait3A_22 = arith.constant 0 : i32
      %dma_wait3A_23 = tpu.memref_slice %arg3[%add3A, %dma_wait3A_22] : memref<32x10240xf32, #tpu.memory_space<hbm>> -> memref<1x10240xf32, #tpu.memory_space<hbm>>
      %dma_wait3A_24 = tpu.memref_squeeze %dma_wait3A_23 : memref<1x10240xf32, #tpu.memory_space<hbm>> -> memref<10240xf32, #tpu.memory_space<hbm>>
      tpu.wait_dma2 semaphore(%run_scoped3A : memref<!tpu.dma_semaphore, #tpu.memory_space<semaphore_mem>>) src(%arg5 : memref<10240xf32, #tpu.memory_space<vmem>>) dst(%dma_wait3A_24 : memref<10240xf32, #tpu.memory_space<hbm>>)
      tpu.yield
    }) : () -> ()
    return
  }
}

#map = affine_map<(d0, d1) -> (0, 0)>
module attributes {stable_mosaic.version = 14 : i64} {
  func.func @_sc_agg_cols(%arg0: i32, %arg1: i32, %arg2: memref<10240x64xf32, #tpu.memory_space<hbm>>, %arg3: memref<10240x64xf32, #tpu.memory_space<hbm>>, %arg4: memref<4000x80xi32, #tpu.memory_space<hbm>>, %arg5: memref<4000x80xi32, #tpu.memory_space<hbm>>, %arg6: memref<20480x64xf32, #tpu.memory_space<hbm>>, %arg7: memref<125x80xi32, #tpu.memory_space<vmem>>, %arg8: memref<125x80xi32, #tpu.memory_space<vmem>>, %arg9: memref<80x64xf32, #tpu.memory_space<vmem>>, %arg10: memref<80x64xf32, #tpu.memory_space<vmem>>, %arg11: memref<80x64xf32, #tpu.memory_space<vmem>>, %arg12: memref<80x64xf32, #tpu.memory_space<vmem>>, %arg13: memref<80x64xf32, #tpu.memory_space<vmem>>, %arg14: memref<10240x64xf32, #tpu.memory_space<vmem_shared>>, %arg15: memref<10240x64xf32, #tpu.memory_space<vmem_shared>>, %arg16: memref<!tpu.dma_semaphore, #tpu.memory_space<semaphore_mem>>, %arg17: memref<!tpu.dma_semaphore, #tpu.memory_space<semaphore_mem>>, %arg18: memref<!tpu.dma_semaphore, #tpu.memory_space<semaphore_mem>>, %arg19: memref<!tpu.dma_semaphore, #tpu.memory_space<semaphore_mem>>, %arg20: memref<!tpu.dma_semaphore, #tpu.memory_space<semaphore_mem>>) attributes {dimension_semantics = [#tpu.dimension_semantics<core_parallel>, #tpu.dimension_semantics<subcore_parallel>], iteration_bounds = array<i64: 2, 16>, scalar_prefetch = 0 : i64, scratch_operands = 14 : i64, tpu.core_type = #tpu.core_type<sc_vector_subcore>, window_params = [{transform_indices = #map}, {transform_indices = #map}, {transform_indices = #map}, {transform_indices = #map}, {transform_indices = #map}]} {
    %broadcast_in_dim3A = arith.constant 0.000000e+00 : f32
    %broadcast_in_dim3A_0 = vector.broadcast %broadcast_in_dim3A : f32 to vector<16xf32>
    %scan3A = arith.constant 0 : i32
    %scan3A_1 = arith.constant 0 : i32
    %scan3A_2 = arith.constant 80 : i32
    %scan3A_3 = arith.addi %scan3A_1, %scan3A_2 : i32
    %scan3A_4 = arith.constant 1 : i32
    scf.for %scan3A_122 = %scan3A_1 to %scan3A_3 step %scan3A_4  : i32 {
      %scan3A_123 = arith.constant 0 : i32
      %scan3A_124 = arith.constant 4 : i32
      %scan3A_125 = arith.addi %scan3A_123, %scan3A_124 : i32
      %scan3A_126 = arith.constant 1 : i32
      scf.for %scan3A_128 = %scan3A_123 to %scan3A_125 step %scan3A_126  : i32 {
        %mul3A_129 = arith.constant 16 : i32
        %mul3A_130 = arith.muli %scan3A_128, %mul3A_129 : i32
        %swap3A = arith.index_cast %scan3A_122 : i32 to index
        %swap3A_131 = arith.index_cast %mul3A_130 : i32 to index
        %swap3A_132 = tpu.vector_load %arg9[%swap3A, %swap3A_131] {strides = array<i32>} : memref<80x64xf32, #tpu.memory_space<vmem>>, vector<16xf32>,
        tpu.vector_store %arg9[%swap3A, %swap3A_131], %broadcast_in_dim3A_0 {strides = array<i32>} : memref<80x64xf32, #tpu.memory_space<vmem>>, vector<16xf32>,
      }
      %scan3A_127 = arith.constant 4 : i32
    }
    %scan3A_5 = arith.constant 80 : i32
    %scan3A_6 = arith.constant 0 : i32
    %scan3A_7 = arith.constant 0 : i32
    %scan3A_8 = arith.constant 16 : i32
    %scan3A_9 = arith.addi %scan3A_7, %scan3A_8 : i32
    %scan3A_10 = arith.constant 1 : i32
    scf.for %scan3A_122 = %scan3A_7 to %scan3A_9 step %scan3A_10  : i32 {
      %mul3A_123 = arith.constant 640 : i32
      %mul3A_124 = arith.muli %arg1, %mul3A_123 : i32
      %mul3A_125 = arith.constant 40 : i32
      %mul3A_126 = arith.muli %scan3A_122, %mul3A_125 : i32
      %add3A_127 = arith.addi %mul3A_124, %mul3A_126 : i32
      "tpu.region"() ({
        %run_scoped3A = tpu.sem_alloc : memref<!tpu.dma_semaphore, #tpu.memory_space<semaphore_mem>>
        %dma_start3A_128 = arith.constant 0 : i32
        %dma_start3A_129 = arith.constant 0 : i32
        %dma_start3A_130 = tpu.memref_slice %arg9[%dma_start3A_128, %dma_start3A_129] : memref<80x64xf32, #tpu.memory_space<vmem>> -> memref<40x64xf32, #tpu.memory_space<vmem>>
        %dma_start3A_131 = arith.constant 0 : i32
        %dma_start3A_132 = tpu.memref_slice %arg15[%add3A_127, %dma_start3A_131] : memref<10240x64xf32, #tpu.memory_space<vmem_shared>> -> memref<40x64xf32, #tpu.memory_space<vmem_shared>>
        %dma_start3A_133 = arith.constant 0 : i32
        %dma_start3A_134 = tpu.memref_slice %arg15[%add3A_127, %dma_start3A_133] : memref<10240x64xf32, #tpu.memory_space<vmem_shared>> -> memref<40x64xf32, #tpu.memory_space<vmem_shared>>
        %dma_start3A_135 = arith.constant 0 : i32
        %dma_start3A_136 = arith.constant 0 : i32
        %dma_start3A_137 = tpu.memref_slice %arg9[%dma_start3A_135, %dma_start3A_136] : memref<80x64xf32, #tpu.memory_space<vmem>> -> memref<40x64xf32, #tpu.memory_space<vmem>>
        tpu.enqueue_dma source(%dma_start3A_137 : memref<40x64xf32, #tpu.memory_space<vmem>>) target(%dma_start3A_134 : memref<40x64xf32, #tpu.memory_space<vmem_shared>>) target_semaphore(%run_scoped3A : memref<!tpu.dma_semaphore, #tpu.memory_space<semaphore_mem>>)
        %dma_wait3A = arith.constant 0 : i32
        %dma_wait3A_138 = arith.constant 0 : i32
        %dma_wait3A_139 = tpu.memref_slice %arg9[%dma_wait3A, %dma_wait3A_138] : memref<80x64xf32, #tpu.memory_space<vmem>> -> memref<40x64xf32, #tpu.memory_space<vmem>>
        %dma_wait3A_140 = arith.constant 0 : i32
        %dma_wait3A_141 = tpu.memref_slice %arg15[%add3A_127, %dma_wait3A_140] : memref<10240x64xf32, #tpu.memory_space<vmem_shared>> -> memref<40x64xf32, #tpu.memory_space<vmem_shared>>
        %dma_wait3A_142 = arith.constant 0 : i32
        %dma_wait3A_143 = tpu.memref_slice %arg15[%add3A_127, %dma_wait3A_142] : memref<10240x64xf32, #tpu.memory_space<vmem_shared>> -> memref<40x64xf32, #tpu.memory_space<vmem_shared>>
        %dma_wait3A_144 = arith.constant 0 : i32
        %dma_wait3A_145 = arith.constant 0 : i32
        %dma_wait3A_146 = tpu.memref_slice %arg9[%dma_wait3A_144, %dma_wait3A_145] : memref<80x64xf32, #tpu.memory_space<vmem>> -> memref<40x64xf32, #tpu.memory_space<vmem>>
        tpu.wait_dma2 semaphore(%run_scoped3A : memref<!tpu.dma_semaphore, #tpu.memory_space<semaphore_mem>>) src(%dma_wait3A_146 : memref<40x64xf32, #tpu.memory_space<vmem>>) dst(%dma_wait3A_143 : memref<40x64xf32, #tpu.memory_space<vmem_shared>>)
        tpu.yield
      }) : () -> ()
    }
    %scan3A_11 = arith.constant 16 : i32
    %eq3A = arith.constant 0 : i32
    %eq3A_12 = arith.cmpi eq, %arg0, %eq3A : i32
    %convert_element_type3A = arith.extui %eq3A_12 : i1 to i32
    %cond3A = arith.constant 0 : i32
    %cond3A_13 = arith.cmpi ne, %convert_element_type3A, %cond3A : i32
    scf.if %cond3A_13 {
      %mul3A_122 = arith.constant 640 : i32
      %mul3A_123 = arith.muli %arg1, %mul3A_122 : i32
      %mul3A_124 = arith.constant 640 : i32
      %mul3A_125 = arith.muli %arg1, %mul3A_124 : i32
      "tpu.region"() ({
        %run_scoped3A = tpu.sem_alloc : memref<!tpu.dma_semaphore, #tpu.memory_space<semaphore_mem>>
        %dma_start3A_126 = arith.constant 0 : i32
        %dma_start3A_127 = tpu.memref_slice %arg14[%mul3A_125, %dma_start3A_126] : memref<10240x64xf32, #tpu.memory_space<vmem_shared>> -> memref<640x64xf32, #tpu.memory_space<vmem_shared>>
        %dma_start3A_128 = arith.constant 0 : i32
        %dma_start3A_129 = tpu.memref_slice %arg2[%mul3A_123, %dma_start3A_128] : memref<10240x64xf32, #tpu.memory_space<hbm>> -> memref<640x64xf32, #tpu.memory_space<hbm>>
        tpu.enqueue_dma source(%dma_start3A_129 : memref<640x64xf32, #tpu.memory_space<hbm>>) target(%dma_start3A_127 : memref<640x64xf32, #tpu.memory_space<vmem_shared>>) target_semaphore(%run_scoped3A : memref<!tpu.dma_semaphore, #tpu.memory_space<semaphore_mem>>)
        %dma_wait3A = arith.constant 0 : i32
        %dma_wait3A_130 = tpu.memref_slice %arg14[%mul3A_125, %dma_wait3A] : memref<10240x64xf32, #tpu.memory_space<vmem_shared>> -> memref<640x64xf32, #tpu.memory_space<vmem_shared>>
        %dma_wait3A_131 = arith.constant 0 : i32
        %dma_wait3A_132 = tpu.memref_slice %arg2[%mul3A_123, %dma_wait3A_131] : memref<10240x64xf32, #tpu.memory_space<hbm>> -> memref<640x64xf32, #tpu.memory_space<hbm>>
        tpu.wait_dma2 semaphore(%run_scoped3A : memref<!tpu.dma_semaphore, #tpu.memory_space<semaphore_mem>>) src(%dma_wait3A_132 : memref<640x64xf32, #tpu.memory_space<hbm>>) dst(%dma_wait3A_130 : memref<640x64xf32, #tpu.memory_space<vmem_shared>>)
        tpu.yield
      }) : () -> ()
    } else {
    }
    %eq3A_14 = arith.constant 1 : i32
    %eq3A_15 = arith.cmpi eq, %arg0, %eq3A_14 : i32
    %convert_element_type3A_16 = arith.extui %eq3A_15 : i1 to i32
    %cond3A_17 = arith.constant 0 : i32
    %cond3A_18 = arith.cmpi ne, %convert_element_type3A_16, %cond3A_17 : i32
    scf.if %cond3A_18 {
      %mul3A_122 = arith.constant 640 : i32
      %mul3A_123 = arith.muli %arg1, %mul3A_122 : i32
      %mul3A_124 = arith.constant 640 : i32
      %mul3A_125 = arith.muli %arg1, %mul3A_124 : i32
      "tpu.region"() ({
        %run_scoped3A = tpu.sem_alloc : memref<!tpu.dma_semaphore, #tpu.memory_space<semaphore_mem>>
        %dma_start3A_126 = arith.constant 0 : i32
        %dma_start3A_127 = tpu.memref_slice %arg14[%mul3A_125, %dma_start3A_126] : memref<10240x64xf32, #tpu.memory_space<vmem_shared>> -> memref<640x64xf32, #tpu.memory_space<vmem_shared>>
        %dma_start3A_128 = arith.constant 0 : i32
        %dma_start3A_129 = tpu.memref_slice %arg3[%mul3A_123, %dma_start3A_128] : memref<10240x64xf32, #tpu.memory_space<hbm>> -> memref<640x64xf32, #tpu.memory_space<hbm>>
        tpu.enqueue_dma source(%dma_start3A_129 : memref<640x64xf32, #tpu.memory_space<hbm>>) target(%dma_start3A_127 : memref<640x64xf32, #tpu.memory_space<vmem_shared>>) target_semaphore(%run_scoped3A : memref<!tpu.dma_semaphore, #tpu.memory_space<semaphore_mem>>)
        %dma_wait3A = arith.constant 0 : i32
        %dma_wait3A_130 = tpu.memref_slice %arg14[%mul3A_125, %dma_wait3A] : memref<10240x64xf32, #tpu.memory_space<vmem_shared>> -> memref<640x64xf32, #tpu.memory_space<vmem_shared>>
        %dma_wait3A_131 = arith.constant 0 : i32
        %dma_wait3A_132 = tpu.memref_slice %arg3[%mul3A_123, %dma_wait3A_131] : memref<10240x64xf32, #tpu.memory_space<hbm>> -> memref<640x64xf32, #tpu.memory_space<hbm>>
        tpu.wait_dma2 semaphore(%run_scoped3A : memref<!tpu.dma_semaphore, #tpu.memory_space<semaphore_mem>>) src(%dma_wait3A_132 : memref<640x64xf32, #tpu.memory_space<hbm>>) dst(%dma_wait3A_130 : memref<640x64xf32, #tpu.memory_space<vmem_shared>>)
        tpu.yield
      }) : () -> ()
    } else {
    }
    %barrier3A = arith.constant 0 : index
    tpu.barrier barrier_id(%barrier3A)
    %mul3A = arith.constant 250 : i32
    %mul3A_19 = arith.muli %arg1, %mul3A : i32
    %add3A = arith.constant 0 : i32
    %add3A_20 = arith.addi %mul3A_19, %add3A : i32
    "tpu.region"() ({
      %run_scoped3A = tpu.sem_alloc : memref<!tpu.dma_semaphore, #tpu.memory_space<semaphore_mem>>
      %dma_start3A_122 = arith.constant 0 : i32
      %dma_start3A_123 = tpu.memref_slice %arg4[%add3A_20, %dma_start3A_122] : memref<4000x80xi32, #tpu.memory_space<hbm>> -> memref<125x80xi32, #tpu.memory_space<hbm>>
      %dma_start3A_124 = arith.constant 0 : i32
      %dma_start3A_125 = tpu.memref_slice %arg4[%add3A_20, %dma_start3A_124] : memref<4000x80xi32, #tpu.memory_space<hbm>> -> memref<125x80xi32, #tpu.memory_space<hbm>>
      tpu.enqueue_dma source(%dma_start3A_125 : memref<125x80xi32, #tpu.memory_space<hbm>>) target(%arg7 : memref<125x80xi32, #tpu.memory_space<vmem>>) target_semaphore(%run_scoped3A : memref<!tpu.dma_semaphore, #tpu.memory_space<semaphore_mem>>)
      %dma_wait3A = arith.constant 0 : i32
      %dma_wait3A_126 = tpu.memref_slice %arg4[%add3A_20, %dma_wait3A] : memref<4000x80xi32, #tpu.memory_space<hbm>> -> memref<125x80xi32, #tpu.memory_space<hbm>>
      %dma_wait3A_127 = arith.constant 0 : i32
      %dma_wait3A_128 = tpu.memref_slice %arg4[%add3A_20, %dma_wait3A_127] : memref<4000x80xi32, #tpu.memory_space<hbm>> -> memref<125x80xi32, #tpu.memory_space<hbm>>
      tpu.wait_dma2 semaphore(%run_scoped3A : memref<!tpu.dma_semaphore, #tpu.memory_space<semaphore_mem>>) src(%dma_wait3A_128 : memref<125x80xi32, #tpu.memory_space<hbm>>) dst(%arg7 : memref<125x80xi32, #tpu.memory_space<vmem>>)
      tpu.yield
    }) : () -> ()
    %mul3A_21 = arith.constant 250 : i32
    %mul3A_22 = arith.muli %arg1, %mul3A_21 : i32
    %add3A_23 = arith.constant 0 : i32
    %add3A_24 = arith.addi %mul3A_22, %add3A_23 : i32
    "tpu.region"() ({
      %run_scoped3A = tpu.sem_alloc : memref<!tpu.dma_semaphore, #tpu.memory_space<semaphore_mem>>
      %dma_start3A_122 = arith.constant 0 : i32
      %dma_start3A_123 = tpu.memref_slice %arg5[%add3A_24, %dma_start3A_122] : memref<4000x80xi32, #tpu.memory_space<hbm>> -> memref<125x80xi32, #tpu.memory_space<hbm>>
      %dma_start3A_124 = arith.constant 0 : i32
      %dma_start3A_125 = tpu.memref_slice %arg5[%add3A_24, %dma_start3A_124] : memref<4000x80xi32, #tpu.memory_space<hbm>> -> memref<125x80xi32, #tpu.memory_space<hbm>>
      tpu.enqueue_dma source(%dma_start3A_125 : memref<125x80xi32, #tpu.memory_space<hbm>>) target(%arg8 : memref<125x80xi32, #tpu.memory_space<vmem>>) target_semaphore(%run_scoped3A : memref<!tpu.dma_semaphore, #tpu.memory_space<semaphore_mem>>)
      %dma_wait3A = arith.constant 0 : i32
      %dma_wait3A_126 = tpu.memref_slice %arg5[%add3A_24, %dma_wait3A] : memref<4000x80xi32, #tpu.memory_space<hbm>> -> memref<125x80xi32, #tpu.memory_space<hbm>>
      %dma_wait3A_127 = arith.constant 0 : i32
      %dma_wait3A_128 = tpu.memref_slice %arg5[%add3A_24, %dma_wait3A_127] : memref<4000x80xi32, #tpu.memory_space<hbm>> -> memref<125x80xi32, #tpu.memory_space<hbm>>
      tpu.wait_dma2 semaphore(%run_scoped3A : memref<!tpu.dma_semaphore, #tpu.memory_space<semaphore_mem>>) src(%dma_wait3A_128 : memref<125x80xi32, #tpu.memory_space<hbm>>) dst(%arg8 : memref<125x80xi32, #tpu.memory_space<vmem>>)
      tpu.yield
    }) : () -> ()
    %dma_start3A = arith.constant 0 : i32
    %dma_start3A_25 = arith.constant 0 : i32
    %dma_start3A_26 = tpu.memref_slice %arg7[%dma_start3A, %dma_start3A_25] : memref<125x80xi32, #tpu.memory_space<vmem>> -> memref<1x80xi32, #tpu.memory_space<vmem>>
    %dma_start3A_27 = tpu.memref_squeeze %dma_start3A_26 : memref<1x80xi32, #tpu.memory_space<vmem>> -> memref<80xi32, #tpu.memory_space<vmem>>
    %dma_start3A_28 = arith.constant 0 : i32
    %dma_start3A_29 = arith.constant 0 : i32
    %dma_start3A_30 = tpu.memref_slice %arg14[%dma_start3A_28, %dma_start3A_29] : memref<10240x64xf32, #tpu.memory_space<vmem_shared>> -> memref<10240x64xf32, #tpu.memory_space<vmem_shared>>
    tpu.enqueue_indirect_dma source(%dma_start3A_30 : memref<10240x64xf32, #tpu.memory_space<vmem_shared>>) target(%arg9 : memref<80x64xf32, #tpu.memory_space<vmem>>) offsets(%dma_start3A_27 : memref<80xi32, #tpu.memory_space<vmem>>) semaphore(%arg16 : memref<!tpu.dma_semaphore, #tpu.memory_space<semaphore_mem>>)
    %dma_start3A_31 = arith.constant 1 : i32
    %dma_start3A_32 = arith.constant 0 : i32
    %dma_start3A_33 = tpu.memref_slice %arg7[%dma_start3A_31, %dma_start3A_32] : memref<125x80xi32, #tpu.memory_space<vmem>> -> memref<1x80xi32, #tpu.memory_space<vmem>>
    %dma_start3A_34 = tpu.memref_squeeze %dma_start3A_33 : memref<1x80xi32, #tpu.memory_space<vmem>> -> memref<80xi32, #tpu.memory_space<vmem>>
    %dma_start3A_35 = arith.constant 0 : i32
    %dma_start3A_36 = arith.constant 0 : i32
    %dma_start3A_37 = tpu.memref_slice %arg14[%dma_start3A_35, %dma_start3A_36] : memref<10240x64xf32, #tpu.memory_space<vmem_shared>> -> memref<10240x64xf32, #tpu.memory_space<vmem_shared>>
    tpu.enqueue_indirect_dma source(%dma_start3A_37 : memref<10240x64xf32, #tpu.memory_space<vmem_shared>>) target(%arg10 : memref<80x64xf32, #tpu.memory_space<vmem>>) offsets(%dma_start3A_34 : memref<80xi32, #tpu.memory_space<vmem>>) semaphore(%arg17 : memref<!tpu.dma_semaphore, #tpu.memory_space<semaphore_mem>>)
    %dma_start3A_38 = arith.constant 2 : i32
    %dma_start3A_39 = arith.constant 0 : i32
    %dma_start3A_40 = tpu.memref_slice %arg7[%dma_start3A_38, %dma_start3A_39] : memref<125x80xi32, #tpu.memory_space<vmem>> -> memref<1x80xi32, #tpu.memory_space<vmem>>
    %dma_start3A_41 = tpu.memref_squeeze %dma_start3A_40 : memref<1x80xi32, #tpu.memory_space<vmem>> -> memref<80xi32, #tpu.memory_space<vmem>>
    %dma_start3A_42 = arith.constant 0 : i32
    %dma_start3A_43 = arith.constant 0 : i32
    %dma_start3A_44 = tpu.memref_slice %arg14[%dma_start3A_42, %dma_start3A_43] : memref<10240x64xf32, #tpu.memory_space<vmem_shared>> -> memref<10240x64xf32, #tpu.memory_space<vmem_shared>>
    tpu.enqueue_indirect_dma source(%dma_start3A_44 : memref<10240x64xf32, #tpu.memory_space<vmem_shared>>) target(%arg11 : memref<80x64xf32, #tpu.memory_space<vmem>>) offsets(%dma_start3A_41 : memref<80xi32, #tpu.memory_space<vmem>>) semaphore(%arg18 : memref<!tpu.dma_semaphore, #tpu.memory_space<semaphore_mem>>)
    %dma_start3A_45 = arith.constant 3 : i32
    %dma_start3A_46 = arith.constant 0 : i32
    %dma_start3A_47 = tpu.memref_slice %arg7[%dma_start3A_45, %dma_start3A_46] : memref<125x80xi32, #tpu.memory_space<vmem>> -> memref<1x80xi32, #tpu.memory_space<vmem>>
    %dma_start3A_48 = tpu.memref_squeeze %dma_start3A_47 : memref<1x80xi32, #tpu.memory_space<vmem>> -> memref<80xi32, #tpu.memory_space<vmem>>
    %dma_start3A_49 = arith.constant 0 : i32
    %dma_start3A_50 = arith.constant 0 : i32
    %dma_start3A_51 = tpu.memref_slice %arg14[%dma_start3A_49, %dma_start3A_50] : memref<10240x64xf32, #tpu.memory_space<vmem_shared>> -> memref<10240x64xf32, #tpu.memory_space<vmem_shared>>
    tpu.enqueue_indirect_dma source(%dma_start3A_51 : memref<10240x64xf32, #tpu.memory_space<vmem_shared>>) target(%arg12 : memref<80x64xf32, #tpu.memory_space<vmem>>) offsets(%dma_start3A_48 : memref<80xi32, #tpu.memory_space<vmem>>) semaphore(%arg19 : memref<!tpu.dma_semaphore, #tpu.memory_space<semaphore_mem>>)
    %dma_start3A_52 = arith.constant 4 : i32
    %dma_start3A_53 = arith.constant 0 : i32
    %dma_start3A_54 = tpu.memref_slice %arg7[%dma_start3A_52, %dma_start3A_53] : memref<125x80xi32, #tpu.memory_space<vmem>> -> memref<1x80xi32, #tpu.memory_space<vmem>>
    %dma_start3A_55 = tpu.memref_squeeze %dma_start3A_54 : memref<1x80xi32, #tpu.memory_space<vmem>> -> memref<80xi32, #tpu.memory_space<vmem>>
    %dma_start3A_56 = arith.constant 0 : i32
    %dma_start3A_57 = arith.constant 0 : i32
    %dma_start3A_58 = tpu.memref_slice %arg14[%dma_start3A_56, %dma_start3A_57] : memref<10240x64xf32, #tpu.memory_space<vmem_shared>> -> memref<10240x64xf32, #tpu.memory_space<vmem_shared>>
    tpu.enqueue_indirect_dma source(%dma_start3A_58 : memref<10240x64xf32, #tpu.memory_space<vmem_shared>>) target(%arg13 : memref<80x64xf32, #tpu.memory_space<vmem>>) offsets(%dma_start3A_55 : memref<80xi32, #tpu.memory_space<vmem>>) semaphore(%arg20 : memref<!tpu.dma_semaphore, #tpu.memory_space<semaphore_mem>>)
    %scan3A_59 = arith.constant 0 : i32
    %scan3A_60 = arith.constant 0 : i32
    %scan3A_61 = arith.constant 25 : i32
    %scan3A_62 = arith.addi %scan3A_60, %scan3A_61 : i32
    %scan3A_63 = arith.constant 1 : i32
    scf.for %scan3A_122 = %scan3A_60 to %scan3A_62 step %scan3A_63  : i32 {
      %mul3A_123 = arith.constant 5 : i32
      %mul3A_124 = arith.muli %mul3A_123, %scan3A_122 : i32
      %add3A_125 = arith.constant 0 : i32
      %add3A_126 = arith.addi %mul3A_124, %add3A_125 : i32
      %dma_wait3A = arith.constant 0 : i32
      %dma_wait3A_127 = tpu.memref_slice %arg7[%add3A_126, %dma_wait3A] : memref<125x80xi32, #tpu.memory_space<vmem>> -> memref<1x80xi32, #tpu.memory_space<vmem>>
      %dma_wait3A_128 = tpu.memref_squeeze %dma_wait3A_127 : memref<1x80xi32, #tpu.memory_space<vmem>> -> memref<80xi32, #tpu.memory_space<vmem>>
      %dma_wait3A_129 = arith.constant 0 : i32
      %dma_wait3A_130 = arith.constant 0 : i32
      %dma_wait3A_131 = tpu.memref_slice %arg14[%dma_wait3A_129, %dma_wait3A_130] : memref<10240x64xf32, #tpu.memory_space<vmem_shared>> -> memref<10240x64xf32, #tpu.memory_space<vmem_shared>>
      tpu.wait_indirect_dma semaphore(%arg16 : memref<!tpu.dma_semaphore, #tpu.memory_space<semaphore_mem>>) src(%dma_wait3A_131 : memref<10240x64xf32, #tpu.memory_space<vmem_shared>>) dst(%arg9 : memref<80x64xf32, #tpu.memory_space<vmem>>)
      "tpu.region"() ({
        %run_scoped3A = tpu.sem_alloc : memref<!tpu.dma_semaphore, #tpu.memory_space<semaphore_mem>>
        %dma_start3A_206 = arith.constant 0 : i32
        %dma_start3A_207 = tpu.memref_slice %arg8[%add3A_126, %dma_start3A_206] : memref<125x80xi32, #tpu.memory_space<vmem>> -> memref<1x80xi32, #tpu.memory_space<vmem>>
        %dma_start3A_208 = tpu.memref_squeeze %dma_start3A_207 : memref<1x80xi32, #tpu.memory_space<vmem>> -> memref<80xi32, #tpu.memory_space<vmem>>
        %dma_start3A_209 = arith.constant 0 : i32
        %dma_start3A_210 = arith.constant 0 : i32
        %dma_start3A_211 = tpu.memref_slice %arg15[%dma_start3A_209, %dma_start3A_210] : memref<10240x64xf32, #tpu.memory_space<vmem_shared>> -> memref<10240x64xf32, #tpu.memory_space<vmem_shared>>
        tpu.enqueue_indirect_dma source(%arg9 : memref<80x64xf32, #tpu.memory_space<vmem>>) target(%dma_start3A_211 : memref<10240x64xf32, #tpu.memory_space<vmem_shared>>) offsets(%dma_start3A_208 : memref<80xi32, #tpu.memory_space<vmem>>) semaphore(%run_scoped3A : memref<!tpu.dma_semaphore, #tpu.memory_space<semaphore_mem>>) {add = true}
        %dma_wait3A_212 = arith.constant 0 : i32
        %dma_wait3A_213 = tpu.memref_slice %arg8[%add3A_126, %dma_wait3A_212] : memref<125x80xi32, #tpu.memory_space<vmem>> -> memref<1x80xi32, #tpu.memory_space<vmem>>
        %dma_wait3A_214 = tpu.memref_squeeze %dma_wait3A_213 : memref<1x80xi32, #tpu.memory_space<vmem>> -> memref<80xi32, #tpu.memory_space<vmem>>
        %dma_wait3A_215 = arith.constant 0 : i32
        %dma_wait3A_216 = arith.constant 0 : i32
        %dma_wait3A_217 = tpu.memref_slice %arg15[%dma_wait3A_215, %dma_wait3A_216] : memref<10240x64xf32, #tpu.memory_space<vmem_shared>> -> memref<10240x64xf32, #tpu.memory_space<vmem_shared>>
        tpu.wait_indirect_dma semaphore(%run_scoped3A : memref<!tpu.dma_semaphore, #tpu.memory_space<semaphore_mem>>) src(%arg9 : memref<80x64xf32, #tpu.memory_space<vmem>>) dst(%dma_wait3A_217 : memref<10240x64xf32, #tpu.memory_space<vmem_shared>>)
        tpu.yield
      }) : () -> ()
      %add3A_132 = arith.constant 5 : i32
      %add3A_133 = arith.addi %add3A_126, %add3A_132 : i32
      %lt3A = arith.constant 125 : i32
      %lt3A_134 = arith.cmpi slt, %add3A_133, %lt3A : i32
      %convert_element_type3A_135 = arith.extui %lt3A_134 : i1 to i32
      %cond3A_136 = arith.constant 0 : i32
      %cond3A_137 = arith.cmpi ne, %convert_element_type3A_135, %cond3A_136 : i32
      scf.if %cond3A_137 {
        %add3A_206 = arith.constant 5 : i32
        %add3A_207 = arith.addi %add3A_126, %add3A_206 : i32
        %dma_start3A_208 = arith.constant 0 : i32
        %dma_start3A_209 = tpu.memref_slice %arg7[%add3A_207, %dma_start3A_208] : memref<125x80xi32, #tpu.memory_space<vmem>> -> memref<1x80xi32, #tpu.memory_space<vmem>>
        %dma_start3A_210 = tpu.memref_squeeze %dma_start3A_209 : memref<1x80xi32, #tpu.memory_space<vmem>> -> memref<80xi32, #tpu.memory_space<vmem>>
        %dma_start3A_211 = arith.constant 0 : i32
        %dma_start3A_212 = arith.constant 0 : i32
        %dma_start3A_213 = tpu.memref_slice %arg14[%dma_start3A_211, %dma_start3A_212] : memref<10240x64xf32, #tpu.memory_space<vmem_shared>> -> memref<10240x64xf32, #tpu.memory_space<vmem_shared>>
        tpu.enqueue_indirect_dma source(%dma_start3A_213 : memref<10240x64xf32, #tpu.memory_space<vmem_shared>>) target(%arg9 : memref<80x64xf32, #tpu.memory_space<vmem>>) offsets(%dma_start3A_210 : memref<80xi32, #tpu.memory_space<vmem>>) semaphore(%arg16 : memref<!tpu.dma_semaphore, #tpu.memory_space<semaphore_mem>>)
      } else {
      }
      %mul3A_138 = arith.constant 5 : i32
      %mul3A_139 = arith.muli %mul3A_138, %scan3A_122 : i32
      %add3A_140 = arith.constant 1 : i32
      %add3A_141 = arith.addi %mul3A_139, %add3A_140 : i32
      %dma_wait3A_142 = arith.constant 0 : i32
      %dma_wait3A_143 = tpu.memref_slice %arg7[%add3A_141, %dma_wait3A_142] : memref<125x80xi32, #tpu.memory_space<vmem>> -> memref<1x80xi32, #tpu.memory_space<vmem>>
      %dma_wait3A_144 = tpu.memref_squeeze %dma_wait3A_143 : memref<1x80xi32, #tpu.memory_space<vmem>> -> memref<80xi32, #tpu.memory_space<vmem>>
      %dma_wait3A_145 = arith.constant 0 : i32
      %dma_wait3A_146 = arith.constant 0 : i32
      %dma_wait3A_147 = tpu.memref_slice %arg14[%dma_wait3A_145, %dma_wait3A_146] : memref<10240x64xf32, #tpu.memory_space<vmem_shared>> -> memref<10240x64xf32, #tpu.memory_space<vmem_shared>>
      tpu.wait_indirect_dma semaphore(%arg17 : memref<!tpu.dma_semaphore, #tpu.memory_space<semaphore_mem>>) src(%dma_wait3A_147 : memref<10240x64xf32, #tpu.memory_space<vmem_shared>>) dst(%arg10 : memref<80x64xf32, #tpu.memory_space<vmem>>)
      "tpu.region"() ({
        %run_scoped3A = tpu.sem_alloc : memref<!tpu.dma_semaphore, #tpu.memory_space<semaphore_mem>>
        %dma_start3A_206 = arith.constant 0 : i32
        %dma_start3A_207 = tpu.memref_slice %arg8[%add3A_141, %dma_start3A_206] : memref<125x80xi32, #tpu.memory_space<vmem>> -> memref<1x80xi32, #tpu.memory_space<vmem>>
        %dma_start3A_208 = tpu.memref_squeeze %dma_start3A_207 : memref<1x80xi32, #tpu.memory_space<vmem>> -> memref<80xi32, #tpu.memory_space<vmem>>
        %dma_start3A_209 = arith.constant 0 : i32
        %dma_start3A_210 = arith.constant 0 : i32
        %dma_start3A_211 = tpu.memref_slice %arg15[%dma_start3A_209, %dma_start3A_210] : memref<10240x64xf32, #tpu.memory_space<vmem_shared>> -> memref<10240x64xf32, #tpu.memory_space<vmem_shared>>
        tpu.enqueue_indirect_dma source(%arg10 : memref<80x64xf32, #tpu.memory_space<vmem>>) target(%dma_start3A_211 : memref<10240x64xf32, #tpu.memory_space<vmem_shared>>) offsets(%dma_start3A_208 : memref<80xi32, #tpu.memory_space<vmem>>) semaphore(%run_scoped3A : memref<!tpu.dma_semaphore, #tpu.memory_space<semaphore_mem>>) {add = true}
        %dma_wait3A_212 = arith.constant 0 : i32
        %dma_wait3A_213 = tpu.memref_slice %arg8[%add3A_141, %dma_wait3A_212] : memref<125x80xi32, #tpu.memory_space<vmem>> -> memref<1x80xi32, #tpu.memory_space<vmem>>
        %dma_wait3A_214 = tpu.memref_squeeze %dma_wait3A_213 : memref<1x80xi32, #tpu.memory_space<vmem>> -> memref<80xi32, #tpu.memory_space<vmem>>
        %dma_wait3A_215 = arith.constant 0 : i32
        %dma_wait3A_216 = arith.constant 0 : i32
        %dma_wait3A_217 = tpu.memref_slice %arg15[%dma_wait3A_215, %dma_wait3A_216] : memref<10240x64xf32, #tpu.memory_space<vmem_shared>> -> memref<10240x64xf32, #tpu.memory_space<vmem_shared>>
        tpu.wait_indirect_dma semaphore(%run_scoped3A : memref<!tpu.dma_semaphore, #tpu.memory_space<semaphore_mem>>) src(%arg10 : memref<80x64xf32, #tpu.memory_space<vmem>>) dst(%dma_wait3A_217 : memref<10240x64xf32, #tpu.memory_space<vmem_shared>>)
        tpu.yield
      }) : () -> ()
      %add3A_148 = arith.constant 5 : i32
      %add3A_149 = arith.addi %add3A_141, %add3A_148 : i32
      %lt3A_150 = arith.constant 125 : i32
      %lt3A_151 = arith.cmpi slt, %add3A_149, %lt3A_150 : i32
      %convert_element_type3A_152 = arith.extui %lt3A_151 : i1 to i32
      %cond3A_153 = arith.constant 0 : i32
      %cond3A_154 = arith.cmpi ne, %convert_element_type3A_152, %cond3A_153 : i32
      scf.if %cond3A_154 {
        %add3A_206 = arith.constant 5 : i32
        %add3A_207 = arith.addi %add3A_141, %add3A_206 : i32
        %dma_start3A_208 = arith.constant 0 : i32
        %dma_start3A_209 = tpu.memref_slice %arg7[%add3A_207, %dma_start3A_208] : memref<125x80xi32, #tpu.memory_space<vmem>> -> memref<1x80xi32, #tpu.memory_space<vmem>>
        %dma_start3A_210 = tpu.memref_squeeze %dma_start3A_209 : memref<1x80xi32, #tpu.memory_space<vmem>> -> memref<80xi32, #tpu.memory_space<vmem>>
        %dma_start3A_211 = arith.constant 0 : i32
        %dma_start3A_212 = arith.constant 0 : i32
        %dma_start3A_213 = tpu.memref_slice %arg14[%dma_start3A_211, %dma_start3A_212] : memref<10240x64xf32, #tpu.memory_space<vmem_shared>> -> memref<10240x64xf32, #tpu.memory_space<vmem_shared>>
        tpu.enqueue_indirect_dma source(%dma_start3A_213 : memref<10240x64xf32, #tpu.memory_space<vmem_shared>>) target(%arg10 : memref<80x64xf32, #tpu.memory_space<vmem>>) offsets(%dma_start3A_210 : memref<80xi32, #tpu.memory_space<vmem>>) semaphore(%arg17 : memref<!tpu.dma_semaphore, #tpu.memory_space<semaphore_mem>>)
      } else {
      }
      %mul3A_155 = arith.constant 5 : i32
      %mul3A_156 = arith.muli %mul3A_155, %scan3A_122 : i32
      %add3A_157 = arith.constant 2 : i32
      %add3A_158 = arith.addi %mul3A_156, %add3A_157 : i32
      %dma_wait3A_159 = arith.constant 0 : i32
      %dma_wait3A_160 = tpu.memref_slice %arg7[%add3A_158, %dma_wait3A_159] : memref<125x80xi32, #tpu.memory_space<vmem>> -> memref<1x80xi32, #tpu.memory_space<vmem>>
      %dma_wait3A_161 = tpu.memref_squeeze %dma_wait3A_160 : memref<1x80xi32, #tpu.memory_space<vmem>> -> memref<80xi32, #tpu.memory_space<vmem>>
      %dma_wait3A_162 = arith.constant 0 : i32
      %dma_wait3A_163 = arith.constant 0 : i32
      %dma_wait3A_164 = tpu.memref_slice %arg14[%dma_wait3A_162, %dma_wait3A_163] : memref<10240x64xf32, #tpu.memory_space<vmem_shared>> -> memref<10240x64xf32, #tpu.memory_space<vmem_shared>>
      tpu.wait_indirect_dma semaphore(%arg18 : memref<!tpu.dma_semaphore, #tpu.memory_space<semaphore_mem>>) src(%dma_wait3A_164 : memref<10240x64xf32, #tpu.memory_space<vmem_shared>>) dst(%arg11 : memref<80x64xf32, #tpu.memory_space<vmem>>)
      "tpu.region"() ({
        %run_scoped3A = tpu.sem_alloc : memref<!tpu.dma_semaphore, #tpu.memory_space<semaphore_mem>>
        %dma_start3A_206 = arith.constant 0 : i32
        %dma_start3A_207 = tpu.memref_slice %arg8[%add3A_158, %dma_start3A_206] : memref<125x80xi32, #tpu.memory_space<vmem>> -> memref<1x80xi32, #tpu.memory_space<vmem>>
        %dma_start3A_208 = tpu.memref_squeeze %dma_start3A_207 : memref<1x80xi32, #tpu.memory_space<vmem>> -> memref<80xi32, #tpu.memory_space<vmem>>
        %dma_start3A_209 = arith.constant 0 : i32
        %dma_start3A_210 = arith.constant 0 : i32
        %dma_start3A_211 = tpu.memref_slice %arg15[%dma_start3A_209, %dma_start3A_210] : memref<10240x64xf32, #tpu.memory_space<vmem_shared>> -> memref<10240x64xf32, #tpu.memory_space<vmem_shared>>
        tpu.enqueue_indirect_dma source(%arg11 : memref<80x64xf32, #tpu.memory_space<vmem>>) target(%dma_start3A_211 : memref<10240x64xf32, #tpu.memory_space<vmem_shared>>) offsets(%dma_start3A_208 : memref<80xi32, #tpu.memory_space<vmem>>) semaphore(%run_scoped3A : memref<!tpu.dma_semaphore, #tpu.memory_space<semaphore_mem>>) {add = true}
        %dma_wait3A_212 = arith.constant 0 : i32
        %dma_wait3A_213 = tpu.memref_slice %arg8[%add3A_158, %dma_wait3A_212] : memref<125x80xi32, #tpu.memory_space<vmem>> -> memref<1x80xi32, #tpu.memory_space<vmem>>
        %dma_wait3A_214 = tpu.memref_squeeze %dma_wait3A_213 : memref<1x80xi32, #tpu.memory_space<vmem>> -> memref<80xi32, #tpu.memory_space<vmem>>
        %dma_wait3A_215 = arith.constant 0 : i32
        %dma_wait3A_216 = arith.constant 0 : i32
        %dma_wait3A_217 = tpu.memref_slice %arg15[%dma_wait3A_215, %dma_wait3A_216] : memref<10240x64xf32, #tpu.memory_space<vmem_shared>> -> memref<10240x64xf32, #tpu.memory_space<vmem_shared>>
        tpu.wait_indirect_dma semaphore(%run_scoped3A : memref<!tpu.dma_semaphore, #tpu.memory_space<semaphore_mem>>) src(%arg11 : memref<80x64xf32, #tpu.memory_space<vmem>>) dst(%dma_wait3A_217 : memref<10240x64xf32, #tpu.memory_space<vmem_shared>>)
        tpu.yield
      }) : () -> ()
      %add3A_165 = arith.constant 5 : i32
      %add3A_166 = arith.addi %add3A_158, %add3A_165 : i32
      %lt3A_167 = arith.constant 125 : i32
      %lt3A_168 = arith.cmpi slt, %add3A_166, %lt3A_167 : i32
      %convert_element_type3A_169 = arith.extui %lt3A_168 : i1 to i32
      %cond3A_170 = arith.constant 0 : i32
      %cond3A_171 = arith.cmpi ne, %convert_element_type3A_169, %cond3A_170 : i32
      scf.if %cond3A_171 {
        %add3A_206 = arith.constant 5 : i32
        %add3A_207 = arith.addi %add3A_158, %add3A_206 : i32
        %dma_start3A_208 = arith.constant 0 : i32
        %dma_start3A_209 = tpu.memref_slice %arg7[%add3A_207, %dma_start3A_208] : memref<125x80xi32, #tpu.memory_space<vmem>> -> memref<1x80xi32, #tpu.memory_space<vmem>>
        %dma_start3A_210 = tpu.memref_squeeze %dma_start3A_209 : memref<1x80xi32, #tpu.memory_space<vmem>> -> memref<80xi32, #tpu.memory_space<vmem>>
        %dma_start3A_211 = arith.constant 0 : i32
        %dma_start3A_212 = arith.constant 0 : i32
        %dma_start3A_213 = tpu.memref_slice %arg14[%dma_start3A_211, %dma_start3A_212] : memref<10240x64xf32, #tpu.memory_space<vmem_shared>> -> memref<10240x64xf32, #tpu.memory_space<vmem_shared>>
        tpu.enqueue_indirect_dma source(%dma_start3A_213 : memref<10240x64xf32, #tpu.memory_space<vmem_shared>>) target(%arg11 : memref<80x64xf32, #tpu.memory_space<vmem>>) offsets(%dma_start3A_210 : memref<80xi32, #tpu.memory_space<vmem>>) semaphore(%arg18 : memref<!tpu.dma_semaphore, #tpu.memory_space<semaphore_mem>>)
      } else {
      }
      %mul3A_172 = arith.constant 5 : i32
      %mul3A_173 = arith.muli %mul3A_172, %scan3A_122 : i32
      %add3A_174 = arith.constant 3 : i32
      %add3A_175 = arith.addi %mul3A_173, %add3A_174 : i32
      %dma_wait3A_176 = arith.constant 0 : i32
      %dma_wait3A_177 = tpu.memref_slice %arg7[%add3A_175, %dma_wait3A_176] : memref<125x80xi32, #tpu.memory_space<vmem>> -> memref<1x80xi32, #tpu.memory_space<vmem>>
      %dma_wait3A_178 = tpu.memref_squeeze %dma_wait3A_177 : memref<1x80xi32, #tpu.memory_space<vmem>> -> memref<80xi32, #tpu.memory_space<vmem>>
      %dma_wait3A_179 = arith.constant 0 : i32
      %dma_wait3A_180 = arith.constant 0 : i32
      %dma_wait3A_181 = tpu.memref_slice %arg14[%dma_wait3A_179, %dma_wait3A_180] : memref<10240x64xf32, #tpu.memory_space<vmem_shared>> -> memref<10240x64xf32, #tpu.memory_space<vmem_shared>>
      tpu.wait_indirect_dma semaphore(%arg19 : memref<!tpu.dma_semaphore, #tpu.memory_space<semaphore_mem>>) src(%dma_wait3A_181 : memref<10240x64xf32, #tpu.memory_space<vmem_shared>>) dst(%arg12 : memref<80x64xf32, #tpu.memory_space<vmem>>)
      "tpu.region"() ({
        %run_scoped3A = tpu.sem_alloc : memref<!tpu.dma_semaphore, #tpu.memory_space<semaphore_mem>>
        %dma_start3A_206 = arith.constant 0 : i32
        %dma_start3A_207 = tpu.memref_slice %arg8[%add3A_175, %dma_start3A_206] : memref<125x80xi32, #tpu.memory_space<vmem>> -> memref<1x80xi32, #tpu.memory_space<vmem>>
        %dma_start3A_208 = tpu.memref_squeeze %dma_start3A_207 : memref<1x80xi32, #tpu.memory_space<vmem>> -> memref<80xi32, #tpu.memory_space<vmem>>
        %dma_start3A_209 = arith.constant 0 : i32
        %dma_start3A_210 = arith.constant 0 : i32
        %dma_start3A_211 = tpu.memref_slice %arg15[%dma_start3A_209, %dma_start3A_210] : memref<10240x64xf32, #tpu.memory_space<vmem_shared>> -> memref<10240x64xf32, #tpu.memory_space<vmem_shared>>
        tpu.enqueue_indirect_dma source(%arg12 : memref<80x64xf32, #tpu.memory_space<vmem>>) target(%dma_start3A_211 : memref<10240x64xf32, #tpu.memory_space<vmem_shared>>) offsets(%dma_start3A_208 : memref<80xi32, #tpu.memory_space<vmem>>) semaphore(%run_scoped3A : memref<!tpu.dma_semaphore, #tpu.memory_space<semaphore_mem>>) {add = true}
        %dma_wait3A_212 = arith.constant 0 : i32
        %dma_wait3A_213 = tpu.memref_slice %arg8[%add3A_175, %dma_wait3A_212] : memref<125x80xi32, #tpu.memory_space<vmem>> -> memref<1x80xi32, #tpu.memory_space<vmem>>
        %dma_wait3A_214 = tpu.memref_squeeze %dma_wait3A_213 : memref<1x80xi32, #tpu.memory_space<vmem>> -> memref<80xi32, #tpu.memory_space<vmem>>
        %dma_wait3A_215 = arith.constant 0 : i32
        %dma_wait3A_216 = arith.constant 0 : i32
        %dma_wait3A_217 = tpu.memref_slice %arg15[%dma_wait3A_215, %dma_wait3A_216] : memref<10240x64xf32, #tpu.memory_space<vmem_shared>> -> memref<10240x64xf32, #tpu.memory_space<vmem_shared>>
        tpu.wait_indirect_dma semaphore(%run_scoped3A : memref<!tpu.dma_semaphore, #tpu.memory_space<semaphore_mem>>) src(%arg12 : memref<80x64xf32, #tpu.memory_space<vmem>>) dst(%dma_wait3A_217 : memref<10240x64xf32, #tpu.memory_space<vmem_shared>>)
        tpu.yield
      }) : () -> ()
      %add3A_182 = arith.constant 5 : i32
      %add3A_183 = arith.addi %add3A_175, %add3A_182 : i32
      %lt3A_184 = arith.constant 125 : i32
      %lt3A_185 = arith.cmpi slt, %add3A_183, %lt3A_184 : i32
      %convert_element_type3A_186 = arith.extui %lt3A_185 : i1 to i32
      %cond3A_187 = arith.constant 0 : i32
      %cond3A_188 = arith.cmpi ne, %convert_element_type3A_186, %cond3A_187 : i32
      scf.if %cond3A_188 {
        %add3A_206 = arith.constant 5 : i32
        %add3A_207 = arith.addi %add3A_175, %add3A_206 : i32
        %dma_start3A_208 = arith.constant 0 : i32
        %dma_start3A_209 = tpu.memref_slice %arg7[%add3A_207, %dma_start3A_208] : memref<125x80xi32, #tpu.memory_space<vmem>> -> memref<1x80xi32, #tpu.memory_space<vmem>>
        %dma_start3A_210 = tpu.memref_squeeze %dma_start3A_209 : memref<1x80xi32, #tpu.memory_space<vmem>> -> memref<80xi32, #tpu.memory_space<vmem>>
        %dma_start3A_211 = arith.constant 0 : i32
        %dma_start3A_212 = arith.constant 0 : i32
        %dma_start3A_213 = tpu.memref_slice %arg14[%dma_start3A_211, %dma_start3A_212] : memref<10240x64xf32, #tpu.memory_space<vmem_shared>> -> memref<10240x64xf32, #tpu.memory_space<vmem_shared>>
        tpu.enqueue_indirect_dma source(%dma_start3A_213 : memref<10240x64xf32, #tpu.memory_space<vmem_shared>>) target(%arg12 : memref<80x64xf32, #tpu.memory_space<vmem>>) offsets(%dma_start3A_210 : memref<80xi32, #tpu.memory_space<vmem>>) semaphore(%arg19 : memref<!tpu.dma_semaphore, #tpu.memory_space<semaphore_mem>>)
      } else {
      }
      %mul3A_189 = arith.constant 5 : i32
      %mul3A_190 = arith.muli %mul3A_189, %scan3A_122 : i32
      %add3A_191 = arith.constant 4 : i32
      %add3A_192 = arith.addi %mul3A_190, %add3A_191 : i32
      %dma_wait3A_193 = arith.constant 0 : i32
      %dma_wait3A_194 = tpu.memref_slice %arg7[%add3A_192, %dma_wait3A_193] : memref<125x80xi32, #tpu.memory_space<vmem>> -> memref<1x80xi32, #tpu.memory_space<vmem>>
      %dma_wait3A_195 = tpu.memref_squeeze %dma_wait3A_194 : memref<1x80xi32, #tpu.memory_space<vmem>> -> memref<80xi32, #tpu.memory_space<vmem>>
      %dma_wait3A_196 = arith.constant 0 : i32
      %dma_wait3A_197 = arith.constant 0 : i32
      %dma_wait3A_198 = tpu.memref_slice %arg14[%dma_wait3A_196, %dma_wait3A_197] : memref<10240x64xf32, #tpu.memory_space<vmem_shared>> -> memref<10240x64xf32, #tpu.memory_space<vmem_shared>>
      tpu.wait_indirect_dma semaphore(%arg20 : memref<!tpu.dma_semaphore, #tpu.memory_space<semaphore_mem>>) src(%dma_wait3A_198 : memref<10240x64xf32, #tpu.memory_space<vmem_shared>>) dst(%arg13 : memref<80x64xf32, #tpu.memory_space<vmem>>)
      "tpu.region"() ({
        %run_scoped3A = tpu.sem_alloc : memref<!tpu.dma_semaphore, #tpu.memory_space<semaphore_mem>>
        %dma_start3A_206 = arith.constant 0 : i32
        %dma_start3A_207 = tpu.memref_slice %arg8[%add3A_192, %dma_start3A_206] : memref<125x80xi32, #tpu.memory_space<vmem>> -> memref<1x80xi32, #tpu.memory_space<vmem>>
        %dma_start3A_208 = tpu.memref_squeeze %dma_start3A_207 : memref<1x80xi32, #tpu.memory_space<vmem>> -> memref<80xi32, #tpu.memory_space<vmem>>
        %dma_start3A_209 = arith.constant 0 : i32
        %dma_start3A_210 = arith.constant 0 : i32
        %dma_start3A_211 = tpu.memref_slice %arg15[%dma_start3A_209, %dma_start3A_210] : memref<10240x64xf32, #tpu.memory_space<vmem_shared>> -> memref<10240x64xf32, #tpu.memory_space<vmem_shared>>
        tpu.enqueue_indirect_dma source(%arg13 : memref<80x64xf32, #tpu.memory_space<vmem>>) target(%dma_start3A_211 : memref<10240x64xf32, #tpu.memory_space<vmem_shared>>) offsets(%dma_start3A_208 : memref<80xi32, #tpu.memory_space<vmem>>) semaphore(%run_scoped3A : memref<!tpu.dma_semaphore, #tpu.memory_space<semaphore_mem>>) {add = true}
        %dma_wait3A_212 = arith.constant 0 : i32
        %dma_wait3A_213 = tpu.memref_slice %arg8[%add3A_192, %dma_wait3A_212] : memref<125x80xi32, #tpu.memory_space<vmem>> -> memref<1x80xi32, #tpu.memory_space<vmem>>
        %dma_wait3A_214 = tpu.memref_squeeze %dma_wait3A_213 : memref<1x80xi32, #tpu.memory_space<vmem>> -> memref<80xi32, #tpu.memory_space<vmem>>
        %dma_wait3A_215 = arith.constant 0 : i32
        %dma_wait3A_216 = arith.constant 0 : i32
        %dma_wait3A_217 = tpu.memref_slice %arg15[%dma_wait3A_215, %dma_wait3A_216] : memref<10240x64xf32, #tpu.memory_space<vmem_shared>> -> memref<10240x64xf32, #tpu.memory_space<vmem_shared>>
        tpu.wait_indirect_dma semaphore(%run_scoped3A : memref<!tpu.dma_semaphore, #tpu.memory_space<semaphore_mem>>) src(%arg13 : memref<80x64xf32, #tpu.memory_space<vmem>>) dst(%dma_wait3A_217 : memref<10240x64xf32, #tpu.memory_space<vmem_shared>>)
        tpu.yield
      }) : () -> ()
      %add3A_199 = arith.constant 5 : i32
      %add3A_200 = arith.addi %add3A_192, %add3A_199 : i32
      %lt3A_201 = arith.constant 125 : i32
      %lt3A_202 = arith.cmpi slt, %add3A_200, %lt3A_201 : i32
      %convert_element_type3A_203 = arith.extui %lt3A_202 : i1 to i32
      %cond3A_204 = arith.constant 0 : i32
      %cond3A_205 = arith.cmpi ne, %convert_element_type3A_203, %cond3A_204 : i32
      scf.if %cond3A_205 {
        %add3A_206 = arith.constant 5 : i32
        %add3A_207 = arith.addi %add3A_192, %add3A_206 : i32
        %dma_start3A_208 = arith.constant 0 : i32
        %dma_start3A_209 = tpu.memref_slice %arg7[%add3A_207, %dma_start3A_208] : memref<125x80xi32, #tpu.memory_space<vmem>> -> memref<1x80xi32, #tpu.memory_space<vmem>>
        %dma_start3A_210 = tpu.memref_squeeze %dma_start3A_209 : memref<1x80xi32, #tpu.memory_space<vmem>> -> memref<80xi32, #tpu.memory_space<vmem>>
        %dma_start3A_211 = arith.constant 0 : i32
        %dma_start3A_212 = arith.constant 0 : i32
        %dma_start3A_213 = tpu.memref_slice %arg14[%dma_start3A_211, %dma_start3A_212] : memref<10240x64xf32, #tpu.memory_space<vmem_shared>> -> memref<10240x64xf32, #tpu.memory_space<vmem_shared>>
        tpu.enqueue_indirect_dma source(%dma_start3A_213 : memref<10240x64xf32, #tpu.memory_space<vmem_shared>>) target(%arg13 : memref<80x64xf32, #tpu.memory_space<vmem>>) offsets(%dma_start3A_210 : memref<80xi32, #tpu.memory_space<vmem>>) semaphore(%arg20 : memref<!tpu.dma_semaphore, #tpu.memory_space<semaphore_mem>>)
      } else {
      }
    }
    %scan3A_64 = arith.constant 25 : i32
    %mul3A_65 = arith.constant 250 : i32
    %mul3A_66 = arith.muli %arg1, %mul3A_65 : i32
    %add3A_67 = arith.constant 125 : i32
    %add3A_68 = arith.addi %mul3A_66, %add3A_67 : i32
    "tpu.region"() ({
      %run_scoped3A = tpu.sem_alloc : memref<!tpu.dma_semaphore, #tpu.memory_space<semaphore_mem>>
      %dma_start3A_122 = arith.constant 0 : i32
      %dma_start3A_123 = tpu.memref_slice %arg4[%add3A_68, %dma_start3A_122] : memref<4000x80xi32, #tpu.memory_space<hbm>> -> memref<125x80xi32, #tpu.memory_space<hbm>>
      %dma_start3A_124 = arith.constant 0 : i32
      %dma_start3A_125 = tpu.memref_slice %arg4[%add3A_68, %dma_start3A_124] : memref<4000x80xi32, #tpu.memory_space<hbm>> -> memref<125x80xi32, #tpu.memory_space<hbm>>
      tpu.enqueue_dma source(%dma_start3A_125 : memref<125x80xi32, #tpu.memory_space<hbm>>) target(%arg7 : memref<125x80xi32, #tpu.memory_space<vmem>>) target_semaphore(%run_scoped3A : memref<!tpu.dma_semaphore, #tpu.memory_space<semaphore_mem>>)
      %dma_wait3A = arith.constant 0 : i32
      %dma_wait3A_126 = tpu.memref_slice %arg4[%add3A_68, %dma_wait3A] : memref<4000x80xi32, #tpu.memory_space<hbm>> -> memref<125x80xi32, #tpu.memory_space<hbm>>
      %dma_wait3A_127 = arith.constant 0 : i32
      %dma_wait3A_128 = tpu.memref_slice %arg4[%add3A_68, %dma_wait3A_127] : memref<4000x80xi32, #tpu.memory_space<hbm>> -> memref<125x80xi32, #tpu.memory_space<hbm>>
      tpu.wait_dma2 semaphore(%run_scoped3A : memref<!tpu.dma_semaphore, #tpu.memory_space<semaphore_mem>>) src(%dma_wait3A_128 : memref<125x80xi32, #tpu.memory_space<hbm>>) dst(%arg7 : memref<125x80xi32, #tpu.memory_space<vmem>>)
      tpu.yield
    }) : () -> ()
    %mul3A_69 = arith.constant 250 : i32
    %mul3A_70 = arith.muli %arg1, %mul3A_69 : i32
    %add3A_71 = arith.constant 125 : i32
    %add3A_72 = arith.addi %mul3A_70, %add3A_71 : i32
    "tpu.region"() ({
      %run_scoped3A = tpu.sem_alloc : memref<!tpu.dma_semaphore, #tpu.memory_space<semaphore_mem>>
      %dma_start3A_122 = arith.constant 0 : i32
      %dma_start3A_123 = tpu.memref_slice %arg5[%add3A_72, %dma_start3A_122] : memref<4000x80xi32, #tpu.memory_space<hbm>> -> memref<125x80xi32, #tpu.memory_space<hbm>>
      %dma_start3A_124 = arith.constant 0 : i32
      %dma_start3A_125 = tpu.memref_slice %arg5[%add3A_72, %dma_start3A_124] : memref<4000x80xi32, #tpu.memory_space<hbm>> -> memref<125x80xi32, #tpu.memory_space<hbm>>
      tpu.enqueue_dma source(%dma_start3A_125 : memref<125x80xi32, #tpu.memory_space<hbm>>) target(%arg8 : memref<125x80xi32, #tpu.memory_space<vmem>>) target_semaphore(%run_scoped3A : memref<!tpu.dma_semaphore, #tpu.memory_space<semaphore_mem>>)
      %dma_wait3A = arith.constant 0 : i32
      %dma_wait3A_126 = tpu.memref_slice %arg5[%add3A_72, %dma_wait3A] : memref<4000x80xi32, #tpu.memory_space<hbm>> -> memref<125x80xi32, #tpu.memory_space<hbm>>
      %dma_wait3A_127 = arith.constant 0 : i32
      %dma_wait3A_128 = tpu.memref_slice %arg5[%add3A_72, %dma_wait3A_127] : memref<4000x80xi32, #tpu.memory_space<hbm>> -> memref<125x80xi32, #tpu.memory_space<hbm>>
      tpu.wait_dma2 semaphore(%run_scoped3A : memref<!tpu.dma_semaphore, #tpu.memory_space<semaphore_mem>>) src(%dma_wait3A_128 : memref<125x80xi32, #tpu.memory_space<hbm>>) dst(%arg8 : memref<125x80xi32, #tpu.memory_space<vmem>>)
      tpu.yield
    }) : () -> ()
    %dma_start3A_73 = arith.constant 0 : i32
    %dma_start3A_74 = arith.constant 0 : i32
    %dma_start3A_75 = tpu.memref_slice %arg7[%dma_start3A_73, %dma_start3A_74] : memref<125x80xi32, #tpu.memory_space<vmem>> -> memref<1x80xi32, #tpu.memory_space<vmem>>
    %dma_start3A_76 = tpu.memref_squeeze %dma_start3A_75 : memref<1x80xi32, #tpu.memory_space<vmem>> -> memref<80xi32, #tpu.memory_space<vmem>>
    %dma_start3A_77 = arith.constant 0 : i32
    %dma_start3A_78 = arith.constant 0 : i32
    %dma_start3A_79 = tpu.memref_slice %arg14[%dma_start3A_77, %dma_start3A_78] : memref<10240x64xf32, #tpu.memory_space<vmem_shared>> -> memref<10240x64xf32, #tpu.memory_space<vmem_shared>>
    tpu.enqueue_indirect_dma source(%dma_start3A_79 : memref<10240x64xf32, #tpu.memory_space<vmem_shared>>) target(%arg9 : memref<80x64xf32, #tpu.memory_space<vmem>>) offsets(%dma_start3A_76 : memref<80xi32, #tpu.memory_space<vmem>>) semaphore(%arg16 : memref<!tpu.dma_semaphore, #tpu.memory_space<semaphore_mem>>)
    %dma_start3A_80 = arith.constant 1 : i32
    %dma_start3A_81 = arith.constant 0 : i32
    %dma_start3A_82 = tpu.memref_slice %arg7[%dma_start3A_80, %dma_start3A_81] : memref<125x80xi32, #tpu.memory_space<vmem>> -> memref<1x80xi32, #tpu.memory_space<vmem>>
    %dma_start3A_83 = tpu.memref_squeeze %dma_start3A_82 : memref<1x80xi32, #tpu.memory_space<vmem>> -> memref<80xi32, #tpu.memory_space<vmem>>
    %dma_start3A_84 = arith.constant 0 : i32
    %dma_start3A_85 = arith.constant 0 : i32
    %dma_start3A_86 = tpu.memref_slice %arg14[%dma_start3A_84, %dma_start3A_85] : memref<10240x64xf32, #tpu.memory_space<vmem_shared>> -> memref<10240x64xf32, #tpu.memory_space<vmem_shared>>
    tpu.enqueue_indirect_dma source(%dma_start3A_86 : memref<10240x64xf32, #tpu.memory_space<vmem_shared>>) target(%arg10 : memref<80x64xf32, #tpu.memory_space<vmem>>) offsets(%dma_start3A_83 : memref<80xi32, #tpu.memory_space<vmem>>) semaphore(%arg17 : memref<!tpu.dma_semaphore, #tpu.memory_space<semaphore_mem>>)
    %dma_start3A_87 = arith.constant 2 : i32
    %dma_start3A_88 = arith.constant 0 : i32
    %dma_start3A_89 = tpu.memref_slice %arg7[%dma_start3A_87, %dma_start3A_88] : memref<125x80xi32, #tpu.memory_space<vmem>> -> memref<1x80xi32, #tpu.memory_space<vmem>>
    %dma_start3A_90 = tpu.memref_squeeze %dma_start3A_89 : memref<1x80xi32, #tpu.memory_space<vmem>> -> memref<80xi32, #tpu.memory_space<vmem>>
    %dma_start3A_91 = arith.constant 0 : i32
    %dma_start3A_92 = arith.constant 0 : i32
    %dma_start3A_93 = tpu.memref_slice %arg14[%dma_start3A_91, %dma_start3A_92] : memref<10240x64xf32, #tpu.memory_space<vmem_shared>> -> memref<10240x64xf32, #tpu.memory_space<vmem_shared>>
    tpu.enqueue_indirect_dma source(%dma_start3A_93 : memref<10240x64xf32, #tpu.memory_space<vmem_shared>>) target(%arg11 : memref<80x64xf32, #tpu.memory_space<vmem>>) offsets(%dma_start3A_90 : memref<80xi32, #tpu.memory_space<vmem>>) semaphore(%arg18 : memref<!tpu.dma_semaphore, #tpu.memory_space<semaphore_mem>>)
    %dma_start3A_94 = arith.constant 3 : i32
    %dma_start3A_95 = arith.constant 0 : i32
    %dma_start3A_96 = tpu.memref_slice %arg7[%dma_start3A_94, %dma_start3A_95] : memref<125x80xi32, #tpu.memory_space<vmem>> -> memref<1x80xi32, #tpu.memory_space<vmem>>
    %dma_start3A_97 = tpu.memref_squeeze %dma_start3A_96 : memref<1x80xi32, #tpu.memory_space<vmem>> -> memref<80xi32, #tpu.memory_space<vmem>>
    %dma_start3A_98 = arith.constant 0 : i32
    %dma_start3A_99 = arith.constant 0 : i32
    %dma_start3A_100 = tpu.memref_slice %arg14[%dma_start3A_98, %dma_start3A_99] : memref<10240x64xf32, #tpu.memory_space<vmem_shared>> -> memref<10240x64xf32, #tpu.memory_space<vmem_shared>>
    tpu.enqueue_indirect_dma source(%dma_start3A_100 : memref<10240x64xf32, #tpu.memory_space<vmem_shared>>) target(%arg12 : memref<80x64xf32, #tpu.memory_space<vmem>>) offsets(%dma_start3A_97 : memref<80xi32, #tpu.memory_space<vmem>>) semaphore(%arg19 : memref<!tpu.dma_semaphore, #tpu.memory_space<semaphore_mem>>)
    %dma_start3A_101 = arith.constant 4 : i32
    %dma_start3A_102 = arith.constant 0 : i32
    %dma_start3A_103 = tpu.memref_slice %arg7[%dma_start3A_101, %dma_start3A_102] : memref<125x80xi32, #tpu.memory_space<vmem>> -> memref<1x80xi32, #tpu.memory_space<vmem>>
    %dma_start3A_104 = tpu.memref_squeeze %dma_start3A_103 : memref<1x80xi32, #tpu.memory_space<vmem>> -> memref<80xi32, #tpu.memory_space<vmem>>
    %dma_start3A_105 = arith.constant 0 : i32
    %dma_start3A_106 = arith.constant 0 : i32
    %dma_start3A_107 = tpu.memref_slice %arg14[%dma_start3A_105, %dma_start3A_106] : memref<10240x64xf32, #tpu.memory_space<vmem_shared>> -> memref<10240x64xf32, #tpu.memory_space<vmem_shared>>
    tpu.enqueue_indirect_dma source(%dma_start3A_107 : memref<10240x64xf32, #tpu.memory_space<vmem_shared>>) target(%arg13 : memref<80x64xf32, #tpu.memory_space<vmem>>) offsets(%dma_start3A_104 : memref<80xi32, #tpu.memory_space<vmem>>) semaphore(%arg20 : memref<!tpu.dma_semaphore, #tpu.memory_space<semaphore_mem>>)
    %scan3A_108 = arith.constant 0 : i32
    %scan3A_109 = arith.constant 0 : i32
    %scan3A_110 = arith.constant 25 : i32
    %scan3A_111 = arith.addi %scan3A_109, %scan3A_110 : i32
    %scan3A_112 = arith.constant 1 : i32
    scf.for %scan3A_122 = %scan3A_109 to %scan3A_111 step %scan3A_112  : i32 {
      %mul3A_123 = arith.constant 5 : i32
      %mul3A_124 = arith.muli %mul3A_123, %scan3A_122 : i32
      %add3A_125 = arith.constant 0 : i32
      %add3A_126 = arith.addi %mul3A_124, %add3A_125 : i32
      %dma_wait3A = arith.constant 0 : i32
      %dma_wait3A_127 = tpu.memref_slice %arg7[%add3A_126, %dma_wait3A] : memref<125x80xi32, #tpu.memory_space<vmem>> -> memref<1x80xi32, #tpu.memory_space<vmem>>
      %dma_wait3A_128 = tpu.memref_squeeze %dma_wait3A_127 : memref<1x80xi32, #tpu.memory_space<vmem>> -> memref<80xi32, #tpu.memory_space<vmem>>
      %dma_wait3A_129 = arith.constant 0 : i32
      %dma_wait3A_130 = arith.constant 0 : i32
      %dma_wait3A_131 = tpu.memref_slice %arg14[%dma_wait3A_129, %dma_wait3A_130] : memref<10240x64xf32, #tpu.memory_space<vmem_shared>> -> memref<10240x64xf32, #tpu.memory_space<vmem_shared>>
      tpu.wait_indirect_dma semaphore(%arg16 : memref<!tpu.dma_semaphore, #tpu.memory_space<semaphore_mem>>) src(%dma_wait3A_131 : memref<10240x64xf32, #tpu.memory_space<vmem_shared>>) dst(%arg9 : memref<80x64xf32, #tpu.memory_space<vmem>>)
      "tpu.region"() ({
        %run_scoped3A = tpu.sem_alloc : memref<!tpu.dma_semaphore, #tpu.memory_space<semaphore_mem>>
        %dma_start3A_206 = arith.constant 0 : i32
        %dma_start3A_207 = tpu.memref_slice %arg8[%add3A_126, %dma_start3A_206] : memref<125x80xi32, #tpu.memory_space<vmem>> -> memref<1x80xi32, #tpu.memory_space<vmem>>
        %dma_start3A_208 = tpu.memref_squeeze %dma_start3A_207 : memref<1x80xi32, #tpu.memory_space<vmem>> -> memref<80xi32, #tpu.memory_space<vmem>>
        %dma_start3A_209 = arith.constant 0 : i32
        %dma_start3A_210 = arith.constant 0 : i32
        %dma_start3A_211 = tpu.memref_slice %arg15[%dma_start3A_209, %dma_start3A_210] : memref<10240x64xf32, #tpu.memory_space<vmem_shared>> -> memref<10240x64xf32, #tpu.memory_space<vmem_shared>>
        tpu.enqueue_indirect_dma source(%arg9 : memref<80x64xf32, #tpu.memory_space<vmem>>) target(%dma_start3A_211 : memref<10240x64xf32, #tpu.memory_space<vmem_shared>>) offsets(%dma_start3A_208 : memref<80xi32, #tpu.memory_space<vmem>>) semaphore(%run_scoped3A : memref<!tpu.dma_semaphore, #tpu.memory_space<semaphore_mem>>) {add = true}
        %dma_wait3A_212 = arith.constant 0 : i32
        %dma_wait3A_213 = tpu.memref_slice %arg8[%add3A_126, %dma_wait3A_212] : memref<125x80xi32, #tpu.memory_space<vmem>> -> memref<1x80xi32, #tpu.memory_space<vmem>>
        %dma_wait3A_214 = tpu.memref_squeeze %dma_wait3A_213 : memref<1x80xi32, #tpu.memory_space<vmem>> -> memref<80xi32, #tpu.memory_space<vmem>>
        %dma_wait3A_215 = arith.constant 0 : i32
        %dma_wait3A_216 = arith.constant 0 : i32
        %dma_wait3A_217 = tpu.memref_slice %arg15[%dma_wait3A_215, %dma_wait3A_216] : memref<10240x64xf32, #tpu.memory_space<vmem_shared>> -> memref<10240x64xf32, #tpu.memory_space<vmem_shared>>
        tpu.wait_indirect_dma semaphore(%run_scoped3A : memref<!tpu.dma_semaphore, #tpu.memory_space<semaphore_mem>>) src(%arg9 : memref<80x64xf32, #tpu.memory_space<vmem>>) dst(%dma_wait3A_217 : memref<10240x64xf32, #tpu.memory_space<vmem_shared>>)
        tpu.yield
      }) : () -> ()
      %add3A_132 = arith.constant 5 : i32
      %add3A_133 = arith.addi %add3A_126, %add3A_132 : i32
      %lt3A = arith.constant 125 : i32
      %lt3A_134 = arith.cmpi slt, %add3A_133, %lt3A : i32
      %convert_element_type3A_135 = arith.extui %lt3A_134 : i1 to i32
      %cond3A_136 = arith.constant 0 : i32
      %cond3A_137 = arith.cmpi ne, %convert_element_type3A_135, %cond3A_136 : i32
      scf.if %cond3A_137 {
        %add3A_206 = arith.constant 5 : i32
        %add3A_207 = arith.addi %add3A_126, %add3A_206 : i32
        %dma_start3A_208 = arith.constant 0 : i32
        %dma_start3A_209 = tpu.memref_slice %arg7[%add3A_207, %dma_start3A_208] : memref<125x80xi32, #tpu.memory_space<vmem>> -> memref<1x80xi32, #tpu.memory_space<vmem>>
        %dma_start3A_210 = tpu.memref_squeeze %dma_start3A_209 : memref<1x80xi32, #tpu.memory_space<vmem>> -> memref<80xi32, #tpu.memory_space<vmem>>
        %dma_start3A_211 = arith.constant 0 : i32
        %dma_start3A_212 = arith.constant 0 : i32
        %dma_start3A_213 = tpu.memref_slice %arg14[%dma_start3A_211, %dma_start3A_212] : memref<10240x64xf32, #tpu.memory_space<vmem_shared>> -> memref<10240x64xf32, #tpu.memory_space<vmem_shared>>
        tpu.enqueue_indirect_dma source(%dma_start3A_213 : memref<10240x64xf32, #tpu.memory_space<vmem_shared>>) target(%arg9 : memref<80x64xf32, #tpu.memory_space<vmem>>) offsets(%dma_start3A_210 : memref<80xi32, #tpu.memory_space<vmem>>) semaphore(%arg16 : memref<!tpu.dma_semaphore, #tpu.memory_space<semaphore_mem>>)
      } else {
      }
      %mul3A_138 = arith.constant 5 : i32
      %mul3A_139 = arith.muli %mul3A_138, %scan3A_122 : i32
      %add3A_140 = arith.constant 1 : i32
      %add3A_141 = arith.addi %mul3A_139, %add3A_140 : i32
      %dma_wait3A_142 = arith.constant 0 : i32
      %dma_wait3A_143 = tpu.memref_slice %arg7[%add3A_141, %dma_wait3A_142] : memref<125x80xi32, #tpu.memory_space<vmem>> -> memref<1x80xi32, #tpu.memory_space<vmem>>
      %dma_wait3A_144 = tpu.memref_squeeze %dma_wait3A_143 : memref<1x80xi32, #tpu.memory_space<vmem>> -> memref<80xi32, #tpu.memory_space<vmem>>
      %dma_wait3A_145 = arith.constant 0 : i32
      %dma_wait3A_146 = arith.constant 0 : i32
      %dma_wait3A_147 = tpu.memref_slice %arg14[%dma_wait3A_145, %dma_wait3A_146] : memref<10240x64xf32, #tpu.memory_space<vmem_shared>> -> memref<10240x64xf32, #tpu.memory_space<vmem_shared>>
      tpu.wait_indirect_dma semaphore(%arg17 : memref<!tpu.dma_semaphore, #tpu.memory_space<semaphore_mem>>) src(%dma_wait3A_147 : memref<10240x64xf32, #tpu.memory_space<vmem_shared>>) dst(%arg10 : memref<80x64xf32, #tpu.memory_space<vmem>>)
      "tpu.region"() ({
        %run_scoped3A = tpu.sem_alloc : memref<!tpu.dma_semaphore, #tpu.memory_space<semaphore_mem>>
        %dma_start3A_206 = arith.constant 0 : i32
        %dma_start3A_207 = tpu.memref_slice %arg8[%add3A_141, %dma_start3A_206] : memref<125x80xi32, #tpu.memory_space<vmem>> -> memref<1x80xi32, #tpu.memory_space<vmem>>
        %dma_start3A_208 = tpu.memref_squeeze %dma_start3A_207 : memref<1x80xi32, #tpu.memory_space<vmem>> -> memref<80xi32, #tpu.memory_space<vmem>>
        %dma_start3A_209 = arith.constant 0 : i32
        %dma_start3A_210 = arith.constant 0 : i32
        %dma_start3A_211 = tpu.memref_slice %arg15[%dma_start3A_209, %dma_start3A_210] : memref<10240x64xf32, #tpu.memory_space<vmem_shared>> -> memref<10240x64xf32, #tpu.memory_space<vmem_shared>>
        tpu.enqueue_indirect_dma source(%arg10 : memref<80x64xf32, #tpu.memory_space<vmem>>) target(%dma_start3A_211 : memref<10240x64xf32, #tpu.memory_space<vmem_shared>>) offsets(%dma_start3A_208 : memref<80xi32, #tpu.memory_space<vmem>>) semaphore(%run_scoped3A : memref<!tpu.dma_semaphore, #tpu.memory_space<semaphore_mem>>) {add = true}
        %dma_wait3A_212 = arith.constant 0 : i32
        %dma_wait3A_213 = tpu.memref_slice %arg8[%add3A_141, %dma_wait3A_212] : memref<125x80xi32, #tpu.memory_space<vmem>> -> memref<1x80xi32, #tpu.memory_space<vmem>>
        %dma_wait3A_214 = tpu.memref_squeeze %dma_wait3A_213 : memref<1x80xi32, #tpu.memory_space<vmem>> -> memref<80xi32, #tpu.memory_space<vmem>>
        %dma_wait3A_215 = arith.constant 0 : i32
        %dma_wait3A_216 = arith.constant 0 : i32
        %dma_wait3A_217 = tpu.memref_slice %arg15[%dma_wait3A_215, %dma_wait3A_216] : memref<10240x64xf32, #tpu.memory_space<vmem_shared>> -> memref<10240x64xf32, #tpu.memory_space<vmem_shared>>
        tpu.wait_indirect_dma semaphore(%run_scoped3A : memref<!tpu.dma_semaphore, #tpu.memory_space<semaphore_mem>>) src(%arg10 : memref<80x64xf32, #tpu.memory_space<vmem>>) dst(%dma_wait3A_217 : memref<10240x64xf32, #tpu.memory_space<vmem_shared>>)
        tpu.yield
      }) : () -> ()
      %add3A_148 = arith.constant 5 : i32
      %add3A_149 = arith.addi %add3A_141, %add3A_148 : i32
      %lt3A_150 = arith.constant 125 : i32
      %lt3A_151 = arith.cmpi slt, %add3A_149, %lt3A_150 : i32
      %convert_element_type3A_152 = arith.extui %lt3A_151 : i1 to i32
      %cond3A_153 = arith.constant 0 : i32
      %cond3A_154 = arith.cmpi ne, %convert_element_type3A_152, %cond3A_153 : i32
      scf.if %cond3A_154 {
        %add3A_206 = arith.constant 5 : i32
        %add3A_207 = arith.addi %add3A_141, %add3A_206 : i32
        %dma_start3A_208 = arith.constant 0 : i32
        %dma_start3A_209 = tpu.memref_slice %arg7[%add3A_207, %dma_start3A_208] : memref<125x80xi32, #tpu.memory_space<vmem>> -> memref<1x80xi32, #tpu.memory_space<vmem>>
        %dma_start3A_210 = tpu.memref_squeeze %dma_start3A_209 : memref<1x80xi32, #tpu.memory_space<vmem>> -> memref<80xi32, #tpu.memory_space<vmem>>
        %dma_start3A_211 = arith.constant 0 : i32
        %dma_start3A_212 = arith.constant 0 : i32
        %dma_start3A_213 = tpu.memref_slice %arg14[%dma_start3A_211, %dma_start3A_212] : memref<10240x64xf32, #tpu.memory_space<vmem_shared>> -> memref<10240x64xf32, #tpu.memory_space<vmem_shared>>
        tpu.enqueue_indirect_dma source(%dma_start3A_213 : memref<10240x64xf32, #tpu.memory_space<vmem_shared>>) target(%arg10 : memref<80x64xf32, #tpu.memory_space<vmem>>) offsets(%dma_start3A_210 : memref<80xi32, #tpu.memory_space<vmem>>) semaphore(%arg17 : memref<!tpu.dma_semaphore, #tpu.memory_space<semaphore_mem>>)
      } else {
      }
      %mul3A_155 = arith.constant 5 : i32
      %mul3A_156 = arith.muli %mul3A_155, %scan3A_122 : i32
      %add3A_157 = arith.constant 2 : i32
      %add3A_158 = arith.addi %mul3A_156, %add3A_157 : i32
      %dma_wait3A_159 = arith.constant 0 : i32
      %dma_wait3A_160 = tpu.memref_slice %arg7[%add3A_158, %dma_wait3A_159] : memref<125x80xi32, #tpu.memory_space<vmem>> -> memref<1x80xi32, #tpu.memory_space<vmem>>
      %dma_wait3A_161 = tpu.memref_squeeze %dma_wait3A_160 : memref<1x80xi32, #tpu.memory_space<vmem>> -> memref<80xi32, #tpu.memory_space<vmem>>
      %dma_wait3A_162 = arith.constant 0 : i32
      %dma_wait3A_163 = arith.constant 0 : i32
      %dma_wait3A_164 = tpu.memref_slice %arg14[%dma_wait3A_162, %dma_wait3A_163] : memref<10240x64xf32, #tpu.memory_space<vmem_shared>> -> memref<10240x64xf32, #tpu.memory_space<vmem_shared>>
      tpu.wait_indirect_dma semaphore(%arg18 : memref<!tpu.dma_semaphore, #tpu.memory_space<semaphore_mem>>) src(%dma_wait3A_164 : memref<10240x64xf32, #tpu.memory_space<vmem_shared>>) dst(%arg11 : memref<80x64xf32, #tpu.memory_space<vmem>>)
      "tpu.region"() ({
        %run_scoped3A = tpu.sem_alloc : memref<!tpu.dma_semaphore, #tpu.memory_space<semaphore_mem>>
        %dma_start3A_206 = arith.constant 0 : i32
        %dma_start3A_207 = tpu.memref_slice %arg8[%add3A_158, %dma_start3A_206] : memref<125x80xi32, #tpu.memory_space<vmem>> -> memref<1x80xi32, #tpu.memory_space<vmem>>
        %dma_start3A_208 = tpu.memref_squeeze %dma_start3A_207 : memref<1x80xi32, #tpu.memory_space<vmem>> -> memref<80xi32, #tpu.memory_space<vmem>>
        %dma_start3A_209 = arith.constant 0 : i32
        %dma_start3A_210 = arith.constant 0 : i32
        %dma_start3A_211 = tpu.memref_slice %arg15[%dma_start3A_209, %dma_start3A_210] : memref<10240x64xf32, #tpu.memory_space<vmem_shared>> -> memref<10240x64xf32, #tpu.memory_space<vmem_shared>>
        tpu.enqueue_indirect_dma source(%arg11 : memref<80x64xf32, #tpu.memory_space<vmem>>) target(%dma_start3A_211 : memref<10240x64xf32, #tpu.memory_space<vmem_shared>>) offsets(%dma_start3A_208 : memref<80xi32, #tpu.memory_space<vmem>>) semaphore(%run_scoped3A : memref<!tpu.dma_semaphore, #tpu.memory_space<semaphore_mem>>) {add = true}
        %dma_wait3A_212 = arith.constant 0 : i32
        %dma_wait3A_213 = tpu.memref_slice %arg8[%add3A_158, %dma_wait3A_212] : memref<125x80xi32, #tpu.memory_space<vmem>> -> memref<1x80xi32, #tpu.memory_space<vmem>>
        %dma_wait3A_214 = tpu.memref_squeeze %dma_wait3A_213 : memref<1x80xi32, #tpu.memory_space<vmem>> -> memref<80xi32, #tpu.memory_space<vmem>>
        %dma_wait3A_215 = arith.constant 0 : i32
        %dma_wait3A_216 = arith.constant 0 : i32
        %dma_wait3A_217 = tpu.memref_slice %arg15[%dma_wait3A_215, %dma_wait3A_216] : memref<10240x64xf32, #tpu.memory_space<vmem_shared>> -> memref<10240x64xf32, #tpu.memory_space<vmem_shared>>
        tpu.wait_indirect_dma semaphore(%run_scoped3A : memref<!tpu.dma_semaphore, #tpu.memory_space<semaphore_mem>>) src(%arg11 : memref<80x64xf32, #tpu.memory_space<vmem>>) dst(%dma_wait3A_217 : memref<10240x64xf32, #tpu.memory_space<vmem_shared>>)
        tpu.yield
      }) : () -> ()
      %add3A_165 = arith.constant 5 : i32
      %add3A_166 = arith.addi %add3A_158, %add3A_165 : i32
      %lt3A_167 = arith.constant 125 : i32
      %lt3A_168 = arith.cmpi slt, %add3A_166, %lt3A_167 : i32
      %convert_element_type3A_169 = arith.extui %lt3A_168 : i1 to i32
      %cond3A_170 = arith.constant 0 : i32
      %cond3A_171 = arith.cmpi ne, %convert_element_type3A_169, %cond3A_170 : i32
      scf.if %cond3A_171 {
        %add3A_206 = arith.constant 5 : i32
        %add3A_207 = arith.addi %add3A_158, %add3A_206 : i32
        %dma_start3A_208 = arith.constant 0 : i32
        %dma_start3A_209 = tpu.memref_slice %arg7[%add3A_207, %dma_start3A_208] : memref<125x80xi32, #tpu.memory_space<vmem>> -> memref<1x80xi32, #tpu.memory_space<vmem>>
        %dma_start3A_210 = tpu.memref_squeeze %dma_start3A_209 : memref<1x80xi32, #tpu.memory_space<vmem>> -> memref<80xi32, #tpu.memory_space<vmem>>
        %dma_start3A_211 = arith.constant 0 : i32
        %dma_start3A_212 = arith.constant 0 : i32
        %dma_start3A_213 = tpu.memref_slice %arg14[%dma_start3A_211, %dma_start3A_212] : memref<10240x64xf32, #tpu.memory_space<vmem_shared>> -> memref<10240x64xf32, #tpu.memory_space<vmem_shared>>
        tpu.enqueue_indirect_dma source(%dma_start3A_213 : memref<10240x64xf32, #tpu.memory_space<vmem_shared>>) target(%arg11 : memref<80x64xf32, #tpu.memory_space<vmem>>) offsets(%dma_start3A_210 : memref<80xi32, #tpu.memory_space<vmem>>) semaphore(%arg18 : memref<!tpu.dma_semaphore, #tpu.memory_space<semaphore_mem>>)
      } else {
      }
      %mul3A_172 = arith.constant 5 : i32
      %mul3A_173 = arith.muli %mul3A_172, %scan3A_122 : i32
      %add3A_174 = arith.constant 3 : i32
      %add3A_175 = arith.addi %mul3A_173, %add3A_174 : i32
      %dma_wait3A_176 = arith.constant 0 : i32
      %dma_wait3A_177 = tpu.memref_slice %arg7[%add3A_175, %dma_wait3A_176] : memref<125x80xi32, #tpu.memory_space<vmem>> -> memref<1x80xi32, #tpu.memory_space<vmem>>
      %dma_wait3A_178 = tpu.memref_squeeze %dma_wait3A_177 : memref<1x80xi32, #tpu.memory_space<vmem>> -> memref<80xi32, #tpu.memory_space<vmem>>
      %dma_wait3A_179 = arith.constant 0 : i32
      %dma_wait3A_180 = arith.constant 0 : i32
      %dma_wait3A_181 = tpu.memref_slice %arg14[%dma_wait3A_179, %dma_wait3A_180] : memref<10240x64xf32, #tpu.memory_space<vmem_shared>> -> memref<10240x64xf32, #tpu.memory_space<vmem_shared>>
      tpu.wait_indirect_dma semaphore(%arg19 : memref<!tpu.dma_semaphore, #tpu.memory_space<semaphore_mem>>) src(%dma_wait3A_181 : memref<10240x64xf32, #tpu.memory_space<vmem_shared>>) dst(%arg12 : memref<80x64xf32, #tpu.memory_space<vmem>>)
      "tpu.region"() ({
        %run_scoped3A = tpu.sem_alloc : memref<!tpu.dma_semaphore, #tpu.memory_space<semaphore_mem>>
        %dma_start3A_206 = arith.constant 0 : i32
        %dma_start3A_207 = tpu.memref_slice %arg8[%add3A_175, %dma_start3A_206] : memref<125x80xi32, #tpu.memory_space<vmem>> -> memref<1x80xi32, #tpu.memory_space<vmem>>
        %dma_start3A_208 = tpu.memref_squeeze %dma_start3A_207 : memref<1x80xi32, #tpu.memory_space<vmem>> -> memref<80xi32, #tpu.memory_space<vmem>>
        %dma_start3A_209 = arith.constant 0 : i32
        %dma_start3A_210 = arith.constant 0 : i32
        %dma_start3A_211 = tpu.memref_slice %arg15[%dma_start3A_209, %dma_start3A_210] : memref<10240x64xf32, #tpu.memory_space<vmem_shared>> -> memref<10240x64xf32, #tpu.memory_space<vmem_shared>>
        tpu.enqueue_indirect_dma source(%arg12 : memref<80x64xf32, #tpu.memory_space<vmem>>) target(%dma_start3A_211 : memref<10240x64xf32, #tpu.memory_space<vmem_shared>>) offsets(%dma_start3A_208 : memref<80xi32, #tpu.memory_space<vmem>>) semaphore(%run_scoped3A : memref<!tpu.dma_semaphore, #tpu.memory_space<semaphore_mem>>) {add = true}
        %dma_wait3A_212 = arith.constant 0 : i32
        %dma_wait3A_213 = tpu.memref_slice %arg8[%add3A_175, %dma_wait3A_212] : memref<125x80xi32, #tpu.memory_space<vmem>> -> memref<1x80xi32, #tpu.memory_space<vmem>>
        %dma_wait3A_214 = tpu.memref_squeeze %dma_wait3A_213 : memref<1x80xi32, #tpu.memory_space<vmem>> -> memref<80xi32, #tpu.memory_space<vmem>>
        %dma_wait3A_215 = arith.constant 0 : i32
        %dma_wait3A_216 = arith.constant 0 : i32
        %dma_wait3A_217 = tpu.memref_slice %arg15[%dma_wait3A_215, %dma_wait3A_216] : memref<10240x64xf32, #tpu.memory_space<vmem_shared>> -> memref<10240x64xf32, #tpu.memory_space<vmem_shared>>
        tpu.wait_indirect_dma semaphore(%run_scoped3A : memref<!tpu.dma_semaphore, #tpu.memory_space<semaphore_mem>>) src(%arg12 : memref<80x64xf32, #tpu.memory_space<vmem>>) dst(%dma_wait3A_217 : memref<10240x64xf32, #tpu.memory_space<vmem_shared>>)
        tpu.yield
      }) : () -> ()
      %add3A_182 = arith.constant 5 : i32
      %add3A_183 = arith.addi %add3A_175, %add3A_182 : i32
      %lt3A_184 = arith.constant 125 : i32
      %lt3A_185 = arith.cmpi slt, %add3A_183, %lt3A_184 : i32
      %convert_element_type3A_186 = arith.extui %lt3A_185 : i1 to i32
      %cond3A_187 = arith.constant 0 : i32
      %cond3A_188 = arith.cmpi ne, %convert_element_type3A_186, %cond3A_187 : i32
      scf.if %cond3A_188 {
        %add3A_206 = arith.constant 5 : i32
        %add3A_207 = arith.addi %add3A_175, %add3A_206 : i32
        %dma_start3A_208 = arith.constant 0 : i32
        %dma_start3A_209 = tpu.memref_slice %arg7[%add3A_207, %dma_start3A_208] : memref<125x80xi32, #tpu.memory_space<vmem>> -> memref<1x80xi32, #tpu.memory_space<vmem>>
        %dma_start3A_210 = tpu.memref_squeeze %dma_start3A_209 : memref<1x80xi32, #tpu.memory_space<vmem>> -> memref<80xi32, #tpu.memory_space<vmem>>
        %dma_start3A_211 = arith.constant 0 : i32
        %dma_start3A_212 = arith.constant 0 : i32
        %dma_start3A_213 = tpu.memref_slice %arg14[%dma_start3A_211, %dma_start3A_212] : memref<10240x64xf32, #tpu.memory_space<vmem_shared>> -> memref<10240x64xf32, #tpu.memory_space<vmem_shared>>
        tpu.enqueue_indirect_dma source(%dma_start3A_213 : memref<10240x64xf32, #tpu.memory_space<vmem_shared>>) target(%arg12 : memref<80x64xf32, #tpu.memory_space<vmem>>) offsets(%dma_start3A_210 : memref<80xi32, #tpu.memory_space<vmem>>) semaphore(%arg19 : memref<!tpu.dma_semaphore, #tpu.memory_space<semaphore_mem>>)
      } else {
      }
      %mul3A_189 = arith.constant 5 : i32
      %mul3A_190 = arith.muli %mul3A_189, %scan3A_122 : i32
      %add3A_191 = arith.constant 4 : i32
      %add3A_192 = arith.addi %mul3A_190, %add3A_191 : i32
      %dma_wait3A_193 = arith.constant 0 : i32
      %dma_wait3A_194 = tpu.memref_slice %arg7[%add3A_192, %dma_wait3A_193] : memref<125x80xi32, #tpu.memory_space<vmem>> -> memref<1x80xi32, #tpu.memory_space<vmem>>
      %dma_wait3A_195 = tpu.memref_squeeze %dma_wait3A_194 : memref<1x80xi32, #tpu.memory_space<vmem>> -> memref<80xi32, #tpu.memory_space<vmem>>
      %dma_wait3A_196 = arith.constant 0 : i32
      %dma_wait3A_197 = arith.constant 0 : i32
      %dma_wait3A_198 = tpu.memref_slice %arg14[%dma_wait3A_196, %dma_wait3A_197] : memref<10240x64xf32, #tpu.memory_space<vmem_shared>> -> memref<10240x64xf32, #tpu.memory_space<vmem_shared>>
      tpu.wait_indirect_dma semaphore(%arg20 : memref<!tpu.dma_semaphore, #tpu.memory_space<semaphore_mem>>) src(%dma_wait3A_198 : memref<10240x64xf32, #tpu.memory_space<vmem_shared>>) dst(%arg13 : memref<80x64xf32, #tpu.memory_space<vmem>>)
      "tpu.region"() ({
        %run_scoped3A = tpu.sem_alloc : memref<!tpu.dma_semaphore, #tpu.memory_space<semaphore_mem>>
        %dma_start3A_206 = arith.constant 0 : i32
        %dma_start3A_207 = tpu.memref_slice %arg8[%add3A_192, %dma_start3A_206] : memref<125x80xi32, #tpu.memory_space<vmem>> -> memref<1x80xi32, #tpu.memory_space<vmem>>
        %dma_start3A_208 = tpu.memref_squeeze %dma_start3A_207 : memref<1x80xi32, #tpu.memory_space<vmem>> -> memref<80xi32, #tpu.memory_space<vmem>>
        %dma_start3A_209 = arith.constant 0 : i32
        %dma_start3A_210 = arith.constant 0 : i32
        %dma_start3A_211 = tpu.memref_slice %arg15[%dma_start3A_209, %dma_start3A_210] : memref<10240x64xf32, #tpu.memory_space<vmem_shared>> -> memref<10240x64xf32, #tpu.memory_space<vmem_shared>>
        tpu.enqueue_indirect_dma source(%arg13 : memref<80x64xf32, #tpu.memory_space<vmem>>) target(%dma_start3A_211 : memref<10240x64xf32, #tpu.memory_space<vmem_shared>>) offsets(%dma_start3A_208 : memref<80xi32, #tpu.memory_space<vmem>>) semaphore(%run_scoped3A : memref<!tpu.dma_semaphore, #tpu.memory_space<semaphore_mem>>) {add = true}
        %dma_wait3A_212 = arith.constant 0 : i32
        %dma_wait3A_213 = tpu.memref_slice %arg8[%add3A_192, %dma_wait3A_212] : memref<125x80xi32, #tpu.memory_space<vmem>> -> memref<1x80xi32, #tpu.memory_space<vmem>>
        %dma_wait3A_214 = tpu.memref_squeeze %dma_wait3A_213 : memref<1x80xi32, #tpu.memory_space<vmem>> -> memref<80xi32, #tpu.memory_space<vmem>>
        %dma_wait3A_215 = arith.constant 0 : i32
        %dma_wait3A_216 = arith.constant 0 : i32
        %dma_wait3A_217 = tpu.memref_slice %arg15[%dma_wait3A_215, %dma_wait3A_216] : memref<10240x64xf32, #tpu.memory_space<vmem_shared>> -> memref<10240x64xf32, #tpu.memory_space<vmem_shared>>
        tpu.wait_indirect_dma semaphore(%run_scoped3A : memref<!tpu.dma_semaphore, #tpu.memory_space<semaphore_mem>>) src(%arg13 : memref<80x64xf32, #tpu.memory_space<vmem>>) dst(%dma_wait3A_217 : memref<10240x64xf32, #tpu.memory_space<vmem_shared>>)
        tpu.yield
      }) : () -> ()
      %add3A_199 = arith.constant 5 : i32
      %add3A_200 = arith.addi %add3A_192, %add3A_199 : i32
      %lt3A_201 = arith.constant 125 : i32
      %lt3A_202 = arith.cmpi slt, %add3A_200, %lt3A_201 : i32
      %convert_element_type3A_203 = arith.extui %lt3A_202 : i1 to i32
      %cond3A_204 = arith.constant 0 : i32
      %cond3A_205 = arith.cmpi ne, %convert_element_type3A_203, %cond3A_204 : i32
      scf.if %cond3A_205 {
        %add3A_206 = arith.constant 5 : i32
        %add3A_207 = arith.addi %add3A_192, %add3A_206 : i32
        %dma_start3A_208 = arith.constant 0 : i32
        %dma_start3A_209 = tpu.memref_slice %arg7[%add3A_207, %dma_start3A_208] : memref<125x80xi32, #tpu.memory_space<vmem>> -> memref<1x80xi32, #tpu.memory_space<vmem>>
        %dma_start3A_210 = tpu.memref_squeeze %dma_start3A_209 : memref<1x80xi32, #tpu.memory_space<vmem>> -> memref<80xi32, #tpu.memory_space<vmem>>
        %dma_start3A_211 = arith.constant 0 : i32
        %dma_start3A_212 = arith.constant 0 : i32
        %dma_start3A_213 = tpu.memref_slice %arg14[%dma_start3A_211, %dma_start3A_212] : memref<10240x64xf32, #tpu.memory_space<vmem_shared>> -> memref<10240x64xf32, #tpu.memory_space<vmem_shared>>
        tpu.enqueue_indirect_dma source(%dma_start3A_213 : memref<10240x64xf32, #tpu.memory_space<vmem_shared>>) target(%arg13 : memref<80x64xf32, #tpu.memory_space<vmem>>) offsets(%dma_start3A_210 : memref<80xi32, #tpu.memory_space<vmem>>) semaphore(%arg20 : memref<!tpu.dma_semaphore, #tpu.memory_space<semaphore_mem>>)
      } else {
      }
    }
    %scan3A_113 = arith.constant 25 : i32
    %barrier3A_114 = arith.constant 0 : index
    tpu.barrier barrier_id(%barrier3A_114)
    %mul3A_115 = arith.constant 640 : i32
    %mul3A_116 = arith.muli %arg1, %mul3A_115 : i32
    %mul3A_117 = arith.constant 10240 : i32
    %mul3A_118 = arith.muli %arg0, %mul3A_117 : i32
    %mul3A_119 = arith.constant 640 : i32
    %mul3A_120 = arith.muli %arg1, %mul3A_119 : i32
    %add3A_121 = arith.addi %mul3A_118, %mul3A_120 : i32
    "tpu.region"() ({
      %run_scoped3A = tpu.sem_alloc : memref<!tpu.dma_semaphore, #tpu.memory_space<semaphore_mem>>
      %dma_start3A_122 = arith.constant 0 : i32
      %dma_start3A_123 = tpu.memref_slice %arg6[%add3A_121, %dma_start3A_122] : memref<20480x64xf32, #tpu.memory_space<hbm>> -> memref<640x64xf32, #tpu.memory_space<hbm>>
      %dma_start3A_124 = arith.constant 0 : i32
      %dma_start3A_125 = tpu.memref_slice %arg15[%mul3A_116, %dma_start3A_124] : memref<10240x64xf32, #tpu.memory_space<vmem_shared>> -> memref<640x64xf32, #tpu.memory_space<vmem_shared>>
      tpu.enqueue_dma source(%dma_start3A_125 : memref<640x64xf32, #tpu.memory_space<vmem_shared>>) target(%dma_start3A_123 : memref<640x64xf32, #tpu.memory_space<hbm>>) target_semaphore(%run_scoped3A : memref<!tpu.dma_semaphore, #tpu.memory_space<semaphore_mem>>)
      %dma_wait3A = arith.constant 0 : i32
      %dma_wait3A_126 = tpu.memref_slice %arg6[%add3A_121, %dma_wait3A] : memref<20480x64xf32, #tpu.memory_space<hbm>> -> memref<640x64xf32, #tpu.memory_space<hbm>>
      %dma_wait3A_127 = arith.constant 0 : i32
      %dma_wait3A_128 = tpu.memref_slice %arg15[%mul3A_116, %dma_wait3A_127] : memref<10240x64xf32, #tpu.memory_space<vmem_shared>> -> memref<640x64xf32, #tpu.memory_space<vmem_shared>>
      tpu.wait_dma2 semaphore(%run_scoped3A : memref<!tpu.dma_semaphore, #tpu.memory_space<semaphore_mem>>) src(%dma_wait3A_128 : memref<640x64xf32, #tpu.memory_space<vmem_shared>>) dst(%dma_wait3A_126 : memref<640x64xf32, #tpu.memory_space<hbm>>)
      tpu.yield
    }) : () -> ()
    return
  }
}

#map = affine_map<(d0, d1) -> (0, 0)>
#map1 = affine_map<(d0, d1) -> (0, 0, 0)>
module attributes {stable_mosaic.version = 14 : i64} {
  func.func @_sc_agg_us(%arg0: i32, %arg1: i32, %arg2: memref<10240x48xf32, #tpu.memory_space<hbm>>, %arg3: memref<32x125x80xi32, #tpu.memory_space<hbm>>, %arg4: memref<32x125x80xi32, #tpu.memory_space<hbm>>, %arg5: memref<20480x48xf32, #tpu.memory_space<hbm>>, %arg6: memref<125x80xi32, #tpu.memory_space<vmem>>, %arg7: memref<125x80xi32, #tpu.memory_space<vmem>>, %arg8: memref<80x48xf32, #tpu.memory_space<vmem>>, %arg9: memref<80x48xf32, #tpu.memory_space<vmem>>, %arg10: memref<80x48xf32, #tpu.memory_space<vmem>>, %arg11: memref<80x48xf32, #tpu.memory_space<vmem>>, %arg12: memref<80x48xf32, #tpu.memory_space<vmem>>, %arg13: memref<10240x48xf32, #tpu.memory_space<vmem_shared>>, %arg14: memref<10240x48xf32, #tpu.memory_space<vmem_shared>>, %arg15: memref<!tpu.dma_semaphore, #tpu.memory_space<semaphore_mem>>, %arg16: memref<!tpu.dma_semaphore, #tpu.memory_space<semaphore_mem>>, %arg17: memref<!tpu.dma_semaphore, #tpu.memory_space<semaphore_mem>>, %arg18: memref<!tpu.dma_semaphore, #tpu.memory_space<semaphore_mem>>, %arg19: memref<!tpu.dma_semaphore, #tpu.memory_space<semaphore_mem>>) attributes {dimension_semantics = [#tpu.dimension_semantics<core_parallel>, #tpu.dimension_semantics<subcore_parallel>], iteration_bounds = array<i64: 2, 16>, scalar_prefetch = 0 : i64, scratch_operands = 14 : i64, tpu.core_type = #tpu.core_type<sc_vector_subcore>, window_params = [{transform_indices = #map}, {transform_indices = #map1}, {transform_indices = #map1}, {transform_indices = #map}]} {
    %mul3A = arith.constant 2 : i32
    %mul3A_0 = arith.muli %arg1, %mul3A : i32
    %add3A = arith.addi %mul3A_0, %arg0 : i32
    %broadcast_in_dim3A = arith.constant 0.000000e+00 : f32
    %broadcast_in_dim3A_1 = vector.broadcast %broadcast_in_dim3A : f32 to vector<16xf32>
    %scan3A = arith.constant 0 : i32
    %scan3A_2 = arith.constant 0 : i32
    %scan3A_3 = arith.constant 80 : i32
    %scan3A_4 = arith.addi %scan3A_2, %scan3A_3 : i32
    %scan3A_5 = arith.constant 1 : i32
    scf.for %scan3A_65 = %scan3A_2 to %scan3A_4 step %scan3A_5  : i32 {
      %scan3A_66 = arith.constant 0 : i32
      %scan3A_67 = arith.constant 3 : i32
      %scan3A_68 = arith.addi %scan3A_66, %scan3A_67 : i32
      %scan3A_69 = arith.constant 1 : i32
      scf.for %scan3A_71 = %scan3A_66 to %scan3A_68 step %scan3A_69  : i32 {
        %mul3A_72 = arith.constant 16 : i32
        %mul3A_73 = arith.muli %scan3A_71, %mul3A_72 : i32
        %swap3A = arith.index_cast %scan3A_65 : i32 to index
        %swap3A_74 = arith.index_cast %mul3A_73 : i32 to index
        %swap3A_75 = tpu.vector_load %arg8[%swap3A, %swap3A_74] {strides = array<i32>} : memref<80x48xf32, #tpu.memory_space<vmem>>, vector<16xf32>,
        tpu.vector_store %arg8[%swap3A, %swap3A_74], %broadcast_in_dim3A_1 {strides = array<i32>} : memref<80x48xf32, #tpu.memory_space<vmem>>, vector<16xf32>,
      }
      %scan3A_70 = arith.constant 3 : i32
    }
    %scan3A_6 = arith.constant 80 : i32
    %scan3A_7 = arith.constant 0 : i32
    %scan3A_8 = arith.constant 0 : i32
    %scan3A_9 = arith.constant 16 : i32
    %scan3A_10 = arith.addi %scan3A_8, %scan3A_9 : i32
    %scan3A_11 = arith.constant 1 : i32
    scf.for %scan3A_65 = %scan3A_8 to %scan3A_10 step %scan3A_11  : i32 {
      %mul3A_66 = arith.constant 640 : i32
      %mul3A_67 = arith.muli %arg1, %mul3A_66 : i32
      %mul3A_68 = arith.constant 40 : i32
      %mul3A_69 = arith.muli %scan3A_65, %mul3A_68 : i32
      %add3A_70 = arith.addi %mul3A_67, %mul3A_69 : i32
      "tpu.region"() ({
        %run_scoped3A = tpu.sem_alloc : memref<!tpu.dma_semaphore, #tpu.memory_space<semaphore_mem>>
        %dma_start3A_71 = arith.constant 0 : i32
        %dma_start3A_72 = arith.constant 0 : i32
        %dma_start3A_73 = tpu.memref_slice %arg8[%dma_start3A_71, %dma_start3A_72] : memref<80x48xf32, #tpu.memory_space<vmem>> -> memref<40x48xf32, #tpu.memory_space<vmem>>
        %dma_start3A_74 = arith.constant 0 : i32
        %dma_start3A_75 = tpu.memref_slice %arg14[%add3A_70, %dma_start3A_74] : memref<10240x48xf32, #tpu.memory_space<vmem_shared>> -> memref<40x48xf32, #tpu.memory_space<vmem_shared>>
        %dma_start3A_76 = arith.constant 0 : i32
        %dma_start3A_77 = tpu.memref_slice %arg14[%add3A_70, %dma_start3A_76] : memref<10240x48xf32, #tpu.memory_space<vmem_shared>> -> memref<40x48xf32, #tpu.memory_space<vmem_shared>>
        %dma_start3A_78 = arith.constant 0 : i32
        %dma_start3A_79 = arith.constant 0 : i32
        %dma_start3A_80 = tpu.memref_slice %arg8[%dma_start3A_78, %dma_start3A_79] : memref<80x48xf32, #tpu.memory_space<vmem>> -> memref<40x48xf32, #tpu.memory_space<vmem>>
        tpu.enqueue_dma source(%dma_start3A_80 : memref<40x48xf32, #tpu.memory_space<vmem>>) target(%dma_start3A_77 : memref<40x48xf32, #tpu.memory_space<vmem_shared>>) target_semaphore(%run_scoped3A : memref<!tpu.dma_semaphore, #tpu.memory_space<semaphore_mem>>)
        %dma_wait3A = arith.constant 0 : i32
        %dma_wait3A_81 = arith.constant 0 : i32
        %dma_wait3A_82 = tpu.memref_slice %arg8[%dma_wait3A, %dma_wait3A_81] : memref<80x48xf32, #tpu.memory_space<vmem>> -> memref<40x48xf32, #tpu.memory_space<vmem>>
        %dma_wait3A_83 = arith.constant 0 : i32
        %dma_wait3A_84 = tpu.memref_slice %arg14[%add3A_70, %dma_wait3A_83] : memref<10240x48xf32, #tpu.memory_space<vmem_shared>> -> memref<40x48xf32, #tpu.memory_space<vmem_shared>>
        %dma_wait3A_85 = arith.constant 0 : i32
        %dma_wait3A_86 = tpu.memref_slice %arg14[%add3A_70, %dma_wait3A_85] : memref<10240x48xf32, #tpu.memory_space<vmem_shared>> -> memref<40x48xf32, #tpu.memory_space<vmem_shared>>
        %dma_wait3A_87 = arith.constant 0 : i32
        %dma_wait3A_88 = arith.constant 0 : i32
        %dma_wait3A_89 = tpu.memref_slice %arg8[%dma_wait3A_87, %dma_wait3A_88] : memref<80x48xf32, #tpu.memory_space<vmem>> -> memref<40x48xf32, #tpu.memory_space<vmem>>
        tpu.wait_dma2 semaphore(%run_scoped3A : memref<!tpu.dma_semaphore, #tpu.memory_space<semaphore_mem>>) src(%dma_wait3A_89 : memref<40x48xf32, #tpu.memory_space<vmem>>) dst(%dma_wait3A_86 : memref<40x48xf32, #tpu.memory_space<vmem_shared>>)
        tpu.yield
      }) : () -> ()
    }
    %scan3A_12 = arith.constant 16 : i32
    %mul3A_13 = arith.constant 640 : i32
    %mul3A_14 = arith.muli %arg1, %mul3A_13 : i32
    %mul3A_15 = arith.constant 640 : i32
    %mul3A_16 = arith.muli %arg1, %mul3A_15 : i32
    "tpu.region"() ({
      %run_scoped3A = tpu.sem_alloc : memref<!tpu.dma_semaphore, #tpu.memory_space<semaphore_mem>>
      %dma_start3A_65 = arith.constant 0 : i32
      %dma_start3A_66 = tpu.memref_slice %arg13[%mul3A_16, %dma_start3A_65] : memref<10240x48xf32, #tpu.memory_space<vmem_shared>> -> memref<640x48xf32, #tpu.memory_space<vmem_shared>>
      %dma_start3A_67 = arith.constant 0 : i32
      %dma_start3A_68 = tpu.memref_slice %arg2[%mul3A_14, %dma_start3A_67] : memref<10240x48xf32, #tpu.memory_space<hbm>> -> memref<640x48xf32, #tpu.memory_space<hbm>>
      tpu.enqueue_dma source(%dma_start3A_68 : memref<640x48xf32, #tpu.memory_space<hbm>>) target(%dma_start3A_66 : memref<640x48xf32, #tpu.memory_space<vmem_shared>>) target_semaphore(%run_scoped3A : memref<!tpu.dma_semaphore, #tpu.memory_space<semaphore_mem>>)
      %dma_wait3A = arith.constant 0 : i32
      %dma_wait3A_69 = tpu.memref_slice %arg13[%mul3A_16, %dma_wait3A] : memref<10240x48xf32, #tpu.memory_space<vmem_shared>> -> memref<640x48xf32, #tpu.memory_space<vmem_shared>>
      %dma_wait3A_70 = arith.constant 0 : i32
      %dma_wait3A_71 = tpu.memref_slice %arg2[%mul3A_14, %dma_wait3A_70] : memref<10240x48xf32, #tpu.memory_space<hbm>> -> memref<640x48xf32, #tpu.memory_space<hbm>>
      tpu.wait_dma2 semaphore(%run_scoped3A : memref<!tpu.dma_semaphore, #tpu.memory_space<semaphore_mem>>) src(%dma_wait3A_71 : memref<640x48xf32, #tpu.memory_space<hbm>>) dst(%dma_wait3A_69 : memref<640x48xf32, #tpu.memory_space<vmem_shared>>)
      tpu.yield
    }) : () -> ()
    "tpu.region"() ({
      %run_scoped3A = tpu.sem_alloc : memref<!tpu.dma_semaphore, #tpu.memory_space<semaphore_mem>>
      %dma_start3A_65 = arith.constant 0 : i32
      %dma_start3A_66 = arith.constant 0 : i32
      %dma_start3A_67 = tpu.memref_slice %arg3[%add3A, %dma_start3A_65, %dma_start3A_66] : memref<32x125x80xi32, #tpu.memory_space<hbm>> -> memref<1x125x80xi32, #tpu.memory_space<hbm>>
      %dma_start3A_68 = tpu.memref_squeeze %dma_start3A_67 : memref<1x125x80xi32, #tpu.memory_space<hbm>> -> memref<125x80xi32, #tpu.memory_space<hbm>>
      %dma_start3A_69 = arith.constant 0 : i32
      %dma_start3A_70 = arith.constant 0 : i32
      %dma_start3A_71 = tpu.memref_slice %arg3[%add3A, %dma_start3A_69, %dma_start3A_70] : memref<32x125x80xi32, #tpu.memory_space<hbm>> -> memref<1x125x80xi32, #tpu.memory_space<hbm>>
      %dma_start3A_72 = tpu.memref_squeeze %dma_start3A_71 : memref<1x125x80xi32, #tpu.memory_space<hbm>> -> memref<125x80xi32, #tpu.memory_space<hbm>>
      tpu.enqueue_dma source(%dma_start3A_72 : memref<125x80xi32, #tpu.memory_space<hbm>>) target(%arg6 : memref<125x80xi32, #tpu.memory_space<vmem>>) target_semaphore(%run_scoped3A : memref<!tpu.dma_semaphore, #tpu.memory_space<semaphore_mem>>)
      %dma_wait3A = arith.constant 0 : i32
      %dma_wait3A_73 = arith.constant 0 : i32
      %dma_wait3A_74 = tpu.memref_slice %arg3[%add3A, %dma_wait3A, %dma_wait3A_73] : memref<32x125x80xi32, #tpu.memory_space<hbm>> -> memref<1x125x80xi32, #tpu.memory_space<hbm>>
      %dma_wait3A_75 = tpu.memref_squeeze %dma_wait3A_74 : memref<1x125x80xi32, #tpu.memory_space<hbm>> -> memref<125x80xi32, #tpu.memory_space<hbm>>
      %dma_wait3A_76 = arith.constant 0 : i32
      %dma_wait3A_77 = arith.constant 0 : i32
      %dma_wait3A_78 = tpu.memref_slice %arg3[%add3A, %dma_wait3A_76, %dma_wait3A_77] : memref<32x125x80xi32, #tpu.memory_space<hbm>> -> memref<1x125x80xi32, #tpu.memory_space<hbm>>
      %dma_wait3A_79 = tpu.memref_squeeze %dma_wait3A_78 : memref<1x125x80xi32, #tpu.memory_space<hbm>> -> memref<125x80xi32, #tpu.memory_space<hbm>>
      tpu.wait_dma2 semaphore(%run_scoped3A : memref<!tpu.dma_semaphore, #tpu.memory_space<semaphore_mem>>) src(%dma_wait3A_79 : memref<125x80xi32, #tpu.memory_space<hbm>>) dst(%arg6 : memref<125x80xi32, #tpu.memory_space<vmem>>)
      tpu.yield
    }) : () -> ()
    "tpu.region"() ({
      %run_scoped3A = tpu.sem_alloc : memref<!tpu.dma_semaphore, #tpu.memory_space<semaphore_mem>>
      %dma_start3A_65 = arith.constant 0 : i32
      %dma_start3A_66 = arith.constant 0 : i32
      %dma_start3A_67 = tpu.memref_slice %arg4[%add3A, %dma_start3A_65, %dma_start3A_66] : memref<32x125x80xi32, #tpu.memory_space<hbm>> -> memref<1x125x80xi32, #tpu.memory_space<hbm>>
      %dma_start3A_68 = tpu.memref_squeeze %dma_start3A_67 : memref<1x125x80xi32, #tpu.memory_space<hbm>> -> memref<125x80xi32, #tpu.memory_space<hbm>>
      %dma_start3A_69 = arith.constant 0 : i32
      %dma_start3A_70 = arith.constant 0 : i32
      %dma_start3A_71 = tpu.memref_slice %arg4[%add3A, %dma_start3A_69, %dma_start3A_70] : memref<32x125x80xi32, #tpu.memory_space<hbm>> -> memref<1x125x80xi32, #tpu.memory_space<hbm>>
      %dma_start3A_72 = tpu.memref_squeeze %dma_start3A_71 : memref<1x125x80xi32, #tpu.memory_space<hbm>> -> memref<125x80xi32, #tpu.memory_space<hbm>>
      tpu.enqueue_dma source(%dma_start3A_72 : memref<125x80xi32, #tpu.memory_space<hbm>>) target(%arg7 : memref<125x80xi32, #tpu.memory_space<vmem>>) target_semaphore(%run_scoped3A : memref<!tpu.dma_semaphore, #tpu.memory_space<semaphore_mem>>)
      %dma_wait3A = arith.constant 0 : i32
      %dma_wait3A_73 = arith.constant 0 : i32
      %dma_wait3A_74 = tpu.memref_slice %arg4[%add3A, %dma_wait3A, %dma_wait3A_73] : memref<32x125x80xi32, #tpu.memory_space<hbm>> -> memref<1x125x80xi32, #tpu.memory_space<hbm>>
      %dma_wait3A_75 = tpu.memref_squeeze %dma_wait3A_74 : memref<1x125x80xi32, #tpu.memory_space<hbm>> -> memref<125x80xi32, #tpu.memory_space<hbm>>
      %dma_wait3A_76 = arith.constant 0 : i32
      %dma_wait3A_77 = arith.constant 0 : i32
      %dma_wait3A_78 = tpu.memref_slice %arg4[%add3A, %dma_wait3A_76, %dma_wait3A_77] : memref<32x125x80xi32, #tpu.memory_space<hbm>> -> memref<1x125x80xi32, #tpu.memory_space<hbm>>
      %dma_wait3A_79 = tpu.memref_squeeze %dma_wait3A_78 : memref<1x125x80xi32, #tpu.memory_space<hbm>> -> memref<125x80xi32, #tpu.memory_space<hbm>>
      tpu.wait_dma2 semaphore(%run_scoped3A : memref<!tpu.dma_semaphore, #tpu.memory_space<semaphore_mem>>) src(%dma_wait3A_79 : memref<125x80xi32, #tpu.memory_space<hbm>>) dst(%arg7 : memref<125x80xi32, #tpu.memory_space<vmem>>)
      tpu.yield
    }) : () -> ()
    %barrier3A = arith.constant 0 : index
    tpu.barrier barrier_id(%barrier3A)
    %dma_start3A = arith.constant 0 : i32
    %dma_start3A_17 = arith.constant 0 : i32
    %dma_start3A_18 = tpu.memref_slice %arg6[%dma_start3A, %dma_start3A_17] : memref<125x80xi32, #tpu.memory_space<vmem>> -> memref<1x80xi32, #tpu.memory_space<vmem>>
    %dma_start3A_19 = tpu.memref_squeeze %dma_start3A_18 : memref<1x80xi32, #tpu.memory_space<vmem>> -> memref<80xi32, #tpu.memory_space<vmem>>
    %dma_start3A_20 = arith.constant 0 : i32
    %dma_start3A_21 = arith.constant 0 : i32
    %dma_start3A_22 = tpu.memref_slice %arg13[%dma_start3A_20, %dma_start3A_21] : memref<10240x48xf32, #tpu.memory_space<vmem_shared>> -> memref<10240x48xf32, #tpu.memory_space<vmem_shared>>
    tpu.enqueue_indirect_dma source(%dma_start3A_22 : memref<10240x48xf32, #tpu.memory_space<vmem_shared>>) target(%arg8 : memref<80x48xf32, #tpu.memory_space<vmem>>) offsets(%dma_start3A_19 : memref<80xi32, #tpu.memory_space<vmem>>) semaphore(%arg15 : memref<!tpu.dma_semaphore, #tpu.memory_space<semaphore_mem>>)
    %dma_start3A_23 = arith.constant 1 : i32
    %dma_start3A_24 = arith.constant 0 : i32
    %dma_start3A_25 = tpu.memref_slice %arg6[%dma_start3A_23, %dma_start3A_24] : memref<125x80xi32, #tpu.memory_space<vmem>> -> memref<1x80xi32, #tpu.memory_space<vmem>>
    %dma_start3A_26 = tpu.memref_squeeze %dma_start3A_25 : memref<1x80xi32, #tpu.memory_space<vmem>> -> memref<80xi32, #tpu.memory_space<vmem>>
    %dma_start3A_27 = arith.constant 0 : i32
    %dma_start3A_28 = arith.constant 0 : i32
    %dma_start3A_29 = tpu.memref_slice %arg13[%dma_start3A_27, %dma_start3A_28] : memref<10240x48xf32, #tpu.memory_space<vmem_shared>> -> memref<10240x48xf32, #tpu.memory_space<vmem_shared>>
    tpu.enqueue_indirect_dma source(%dma_start3A_29 : memref<10240x48xf32, #tpu.memory_space<vmem_shared>>) target(%arg9 : memref<80x48xf32, #tpu.memory_space<vmem>>) offsets(%dma_start3A_26 : memref<80xi32, #tpu.memory_space<vmem>>) semaphore(%arg16 : memref<!tpu.dma_semaphore, #tpu.memory_space<semaphore_mem>>)
    %dma_start3A_30 = arith.constant 2 : i32
    %dma_start3A_31 = arith.constant 0 : i32
    %dma_start3A_32 = tpu.memref_slice %arg6[%dma_start3A_30, %dma_start3A_31] : memref<125x80xi32, #tpu.memory_space<vmem>> -> memref<1x80xi32, #tpu.memory_space<vmem>>
    %dma_start3A_33 = tpu.memref_squeeze %dma_start3A_32 : memref<1x80xi32, #tpu.memory_space<vmem>> -> memref<80xi32, #tpu.memory_space<vmem>>
    %dma_start3A_34 = arith.constant 0 : i32
    %dma_start3A_35 = arith.constant 0 : i32
    %dma_start3A_36 = tpu.memref_slice %arg13[%dma_start3A_34, %dma_start3A_35] : memref<10240x48xf32, #tpu.memory_space<vmem_shared>> -> memref<10240x48xf32, #tpu.memory_space<vmem_shared>>
    tpu.enqueue_indirect_dma source(%dma_start3A_36 : memref<10240x48xf32, #tpu.memory_space<vmem_shared>>) target(%arg10 : memref<80x48xf32, #tpu.memory_space<vmem>>) offsets(%dma_start3A_33 : memref<80xi32, #tpu.memory_space<vmem>>) semaphore(%arg17 : memref<!tpu.dma_semaphore, #tpu.memory_space<semaphore_mem>>)
    %dma_start3A_37 = arith.constant 3 : i32
    %dma_start3A_38 = arith.constant 0 : i32
    %dma_start3A_39 = tpu.memref_slice %arg6[%dma_start3A_37, %dma_start3A_38] : memref<125x80xi32, #tpu.memory_space<vmem>> -> memref<1x80xi32, #tpu.memory_space<vmem>>
    %dma_start3A_40 = tpu.memref_squeeze %dma_start3A_39 : memref<1x80xi32, #tpu.memory_space<vmem>> -> memref<80xi32, #tpu.memory_space<vmem>>
    %dma_start3A_41 = arith.constant 0 : i32
    %dma_start3A_42 = arith.constant 0 : i32
    %dma_start3A_43 = tpu.memref_slice %arg13[%dma_start3A_41, %dma_start3A_42] : memref<10240x48xf32, #tpu.memory_space<vmem_shared>> -> memref<10240x48xf32, #tpu.memory_space<vmem_shared>>
    tpu.enqueue_indirect_dma source(%dma_start3A_43 : memref<10240x48xf32, #tpu.memory_space<vmem_shared>>) target(%arg11 : memref<80x48xf32, #tpu.memory_space<vmem>>) offsets(%dma_start3A_40 : memref<80xi32, #tpu.memory_space<vmem>>) semaphore(%arg18 : memref<!tpu.dma_semaphore, #tpu.memory_space<semaphore_mem>>)
    %dma_start3A_44 = arith.constant 4 : i32
    %dma_start3A_45 = arith.constant 0 : i32
    %dma_start3A_46 = tpu.memref_slice %arg6[%dma_start3A_44, %dma_start3A_45] : memref<125x80xi32, #tpu.memory_space<vmem>> -> memref<1x80xi32, #tpu.memory_space<vmem>>
    %dma_start3A_47 = tpu.memref_squeeze %dma_start3A_46 : memref<1x80xi32, #tpu.memory_space<vmem>> -> memref<80xi32, #tpu.memory_space<vmem>>
    %dma_start3A_48 = arith.constant 0 : i32
    %dma_start3A_49 = arith.constant 0 : i32
    %dma_start3A_50 = tpu.memref_slice %arg13[%dma_start3A_48, %dma_start3A_49] : memref<10240x48xf32, #tpu.memory_space<vmem_shared>> -> memref<10240x48xf32, #tpu.memory_space<vmem_shared>>
    tpu.enqueue_indirect_dma source(%dma_start3A_50 : memref<10240x48xf32, #tpu.memory_space<vmem_shared>>) target(%arg12 : memref<80x48xf32, #tpu.memory_space<vmem>>) offsets(%dma_start3A_47 : memref<80xi32, #tpu.memory_space<vmem>>) semaphore(%arg19 : memref<!tpu.dma_semaphore, #tpu.memory_space<semaphore_mem>>)
    %scan3A_51 = arith.constant 0 : i32
    %scan3A_52 = arith.constant 0 : i32
    %scan3A_53 = arith.constant 25 : i32
    %scan3A_54 = arith.addi %scan3A_52, %scan3A_53 : i32
    %scan3A_55 = arith.constant 1 : i32
    scf.for %scan3A_65 = %scan3A_52 to %scan3A_54 step %scan3A_55  : i32 {
      %mul3A_66 = arith.constant 5 : i32
      %mul3A_67 = arith.muli %mul3A_66, %scan3A_65 : i32
      %add3A_68 = arith.constant 0 : i32
      %add3A_69 = arith.addi %mul3A_67, %add3A_68 : i32
      %dma_wait3A = arith.constant 0 : i32
      %dma_wait3A_70 = tpu.memref_slice %arg6[%add3A_69, %dma_wait3A] : memref<125x80xi32, #tpu.memory_space<vmem>> -> memref<1x80xi32, #tpu.memory_space<vmem>>
      %dma_wait3A_71 = tpu.memref_squeeze %dma_wait3A_70 : memref<1x80xi32, #tpu.memory_space<vmem>> -> memref<80xi32, #tpu.memory_space<vmem>>
      %dma_wait3A_72 = arith.constant 0 : i32
      %dma_wait3A_73 = arith.constant 0 : i32
      %dma_wait3A_74 = tpu.memref_slice %arg13[%dma_wait3A_72, %dma_wait3A_73] : memref<10240x48xf32, #tpu.memory_space<vmem_shared>> -> memref<10240x48xf32, #tpu.memory_space<vmem_shared>>
      tpu.wait_indirect_dma semaphore(%arg15 : memref<!tpu.dma_semaphore, #tpu.memory_space<semaphore_mem>>) src(%dma_wait3A_74 : memref<10240x48xf32, #tpu.memory_space<vmem_shared>>) dst(%arg8 : memref<80x48xf32, #tpu.memory_space<vmem>>)
      "tpu.region"() ({
        %run_scoped3A = tpu.sem_alloc : memref<!tpu.dma_semaphore, #tpu.memory_space<semaphore_mem>>
        %dma_start3A_147 = arith.constant 0 : i32
        %dma_start3A_148 = tpu.memref_slice %arg7[%add3A_69, %dma_start3A_147] : memref<125x80xi32, #tpu.memory_space<vmem>> -> memref<1x80xi32, #tpu.memory_space<vmem>>
        %dma_start3A_149 = tpu.memref_squeeze %dma_start3A_148 : memref<1x80xi32, #tpu.memory_space<vmem>> -> memref<80xi32, #tpu.memory_space<vmem>>
        %dma_start3A_150 = arith.constant 0 : i32
        %dma_start3A_151 = arith.constant 0 : i32
        %dma_start3A_152 = tpu.memref_slice %arg14[%dma_start3A_150, %dma_start3A_151] : memref<10240x48xf32, #tpu.memory_space<vmem_shared>> -> memref<10240x48xf32, #tpu.memory_space<vmem_shared>>
        tpu.enqueue_indirect_dma source(%arg8 : memref<80x48xf32, #tpu.memory_space<vmem>>) target(%dma_start3A_152 : memref<10240x48xf32, #tpu.memory_space<vmem_shared>>) offsets(%dma_start3A_149 : memref<80xi32, #tpu.memory_space<vmem>>) semaphore(%run_scoped3A : memref<!tpu.dma_semaphore, #tpu.memory_space<semaphore_mem>>) {add = true}
        %dma_wait3A_153 = arith.constant 0 : i32
        %dma_wait3A_154 = tpu.memref_slice %arg7[%add3A_69, %dma_wait3A_153] : memref<125x80xi32, #tpu.memory_space<vmem>> -> memref<1x80xi32, #tpu.memory_space<vmem>>
        %dma_wait3A_155 = tpu.memref_squeeze %dma_wait3A_154 : memref<1x80xi32, #tpu.memory_space<vmem>> -> memref<80xi32, #tpu.memory_space<vmem>>
        %dma_wait3A_156 = arith.constant 0 : i32
        %dma_wait3A_157 = arith.constant 0 : i32
        %dma_wait3A_158 = tpu.memref_slice %arg14[%dma_wait3A_156, %dma_wait3A_157] : memref<10240x48xf32, #tpu.memory_space<vmem_shared>> -> memref<10240x48xf32, #tpu.memory_space<vmem_shared>>
        tpu.wait_indirect_dma semaphore(%run_scoped3A : memref<!tpu.dma_semaphore, #tpu.memory_space<semaphore_mem>>) src(%arg8 : memref<80x48xf32, #tpu.memory_space<vmem>>) dst(%dma_wait3A_158 : memref<10240x48xf32, #tpu.memory_space<vmem_shared>>)
        tpu.yield
      }) : () -> ()
      %add3A_75 = arith.constant 5 : i32
      %add3A_76 = arith.addi %add3A_69, %add3A_75 : i32
      %lt3A = arith.constant 125 : i32
      %lt3A_77 = arith.cmpi slt, %add3A_76, %lt3A : i32
      %convert_element_type3A = arith.extui %lt3A_77 : i1 to i32
      %cond3A = arith.constant 0 : i32
      %cond3A_78 = arith.cmpi ne, %convert_element_type3A, %cond3A : i32
      scf.if %cond3A_78 {
        %add3A_147 = arith.constant 5 : i32
        %add3A_148 = arith.addi %add3A_69, %add3A_147 : i32
        %dma_start3A_149 = arith.constant 0 : i32
        %dma_start3A_150 = tpu.memref_slice %arg6[%add3A_148, %dma_start3A_149] : memref<125x80xi32, #tpu.memory_space<vmem>> -> memref<1x80xi32, #tpu.memory_space<vmem>>
        %dma_start3A_151 = tpu.memref_squeeze %dma_start3A_150 : memref<1x80xi32, #tpu.memory_space<vmem>> -> memref<80xi32, #tpu.memory_space<vmem>>
        %dma_start3A_152 = arith.constant 0 : i32
        %dma_start3A_153 = arith.constant 0 : i32
        %dma_start3A_154 = tpu.memref_slice %arg13[%dma_start3A_152, %dma_start3A_153] : memref<10240x48xf32, #tpu.memory_space<vmem_shared>> -> memref<10240x48xf32, #tpu.memory_space<vmem_shared>>
        tpu.enqueue_indirect_dma source(%dma_start3A_154 : memref<10240x48xf32, #tpu.memory_space<vmem_shared>>) target(%arg8 : memref<80x48xf32, #tpu.memory_space<vmem>>) offsets(%dma_start3A_151 : memref<80xi32, #tpu.memory_space<vmem>>) semaphore(%arg15 : memref<!tpu.dma_semaphore, #tpu.memory_space<semaphore_mem>>)
      } else {
      }
      %mul3A_79 = arith.constant 5 : i32
      %mul3A_80 = arith.muli %mul3A_79, %scan3A_65 : i32
      %add3A_81 = arith.constant 1 : i32
      %add3A_82 = arith.addi %mul3A_80, %add3A_81 : i32
      %dma_wait3A_83 = arith.constant 0 : i32
      %dma_wait3A_84 = tpu.memref_slice %arg6[%add3A_82, %dma_wait3A_83] : memref<125x80xi32, #tpu.memory_space<vmem>> -> memref<1x80xi32, #tpu.memory_space<vmem>>
      %dma_wait3A_85 = tpu.memref_squeeze %dma_wait3A_84 : memref<1x80xi32, #tpu.memory_space<vmem>> -> memref<80xi32, #tpu.memory_space<vmem>>
      %dma_wait3A_86 = arith.constant 0 : i32
      %dma_wait3A_87 = arith.constant 0 : i32
      %dma_wait3A_88 = tpu.memref_slice %arg13[%dma_wait3A_86, %dma_wait3A_87] : memref<10240x48xf32, #tpu.memory_space<vmem_shared>> -> memref<10240x48xf32, #tpu.memory_space<vmem_shared>>
      tpu.wait_indirect_dma semaphore(%arg16 : memref<!tpu.dma_semaphore, #tpu.memory_space<semaphore_mem>>) src(%dma_wait3A_88 : memref<10240x48xf32, #tpu.memory_space<vmem_shared>>) dst(%arg9 : memref<80x48xf32, #tpu.memory_space<vmem>>)
      "tpu.region"() ({
        %run_scoped3A = tpu.sem_alloc : memref<!tpu.dma_semaphore, #tpu.memory_space<semaphore_mem>>
        %dma_start3A_147 = arith.constant 0 : i32
        %dma_start3A_148 = tpu.memref_slice %arg7[%add3A_82, %dma_start3A_147] : memref<125x80xi32, #tpu.memory_space<vmem>> -> memref<1x80xi32, #tpu.memory_space<vmem>>
        %dma_start3A_149 = tpu.memref_squeeze %dma_start3A_148 : memref<1x80xi32, #tpu.memory_space<vmem>> -> memref<80xi32, #tpu.memory_space<vmem>>
        %dma_start3A_150 = arith.constant 0 : i32
        %dma_start3A_151 = arith.constant 0 : i32
        %dma_start3A_152 = tpu.memref_slice %arg14[%dma_start3A_150, %dma_start3A_151] : memref<10240x48xf32, #tpu.memory_space<vmem_shared>> -> memref<10240x48xf32, #tpu.memory_space<vmem_shared>>
        tpu.enqueue_indirect_dma source(%arg9 : memref<80x48xf32, #tpu.memory_space<vmem>>) target(%dma_start3A_152 : memref<10240x48xf32, #tpu.memory_space<vmem_shared>>) offsets(%dma_start3A_149 : memref<80xi32, #tpu.memory_space<vmem>>) semaphore(%run_scoped3A : memref<!tpu.dma_semaphore, #tpu.memory_space<semaphore_mem>>) {add = true}
        %dma_wait3A_153 = arith.constant 0 : i32
        %dma_wait3A_154 = tpu.memref_slice %arg7[%add3A_82, %dma_wait3A_153] : memref<125x80xi32, #tpu.memory_space<vmem>> -> memref<1x80xi32, #tpu.memory_space<vmem>>
        %dma_wait3A_155 = tpu.memref_squeeze %dma_wait3A_154 : memref<1x80xi32, #tpu.memory_space<vmem>> -> memref<80xi32, #tpu.memory_space<vmem>>
        %dma_wait3A_156 = arith.constant 0 : i32
        %dma_wait3A_157 = arith.constant 0 : i32
        %dma_wait3A_158 = tpu.memref_slice %arg14[%dma_wait3A_156, %dma_wait3A_157] : memref<10240x48xf32, #tpu.memory_space<vmem_shared>> -> memref<10240x48xf32, #tpu.memory_space<vmem_shared>>
        tpu.wait_indirect_dma semaphore(%run_scoped3A : memref<!tpu.dma_semaphore, #tpu.memory_space<semaphore_mem>>) src(%arg9 : memref<80x48xf32, #tpu.memory_space<vmem>>) dst(%dma_wait3A_158 : memref<10240x48xf32, #tpu.memory_space<vmem_shared>>)
        tpu.yield
      }) : () -> ()
      %add3A_89 = arith.constant 5 : i32
      %add3A_90 = arith.addi %add3A_82, %add3A_89 : i32
      %lt3A_91 = arith.constant 125 : i32
      %lt3A_92 = arith.cmpi slt, %add3A_90, %lt3A_91 : i32
      %convert_element_type3A_93 = arith.extui %lt3A_92 : i1 to i32
      %cond3A_94 = arith.constant 0 : i32
      %cond3A_95 = arith.cmpi ne, %convert_element_type3A_93, %cond3A_94 : i32
      scf.if %cond3A_95 {
        %add3A_147 = arith.constant 5 : i32
        %add3A_148 = arith.addi %add3A_82, %add3A_147 : i32
        %dma_start3A_149 = arith.constant 0 : i32
        %dma_start3A_150 = tpu.memref_slice %arg6[%add3A_148, %dma_start3A_149] : memref<125x80xi32, #tpu.memory_space<vmem>> -> memref<1x80xi32, #tpu.memory_space<vmem>>
        %dma_start3A_151 = tpu.memref_squeeze %dma_start3A_150 : memref<1x80xi32, #tpu.memory_space<vmem>> -> memref<80xi32, #tpu.memory_space<vmem>>
        %dma_start3A_152 = arith.constant 0 : i32
        %dma_start3A_153 = arith.constant 0 : i32
        %dma_start3A_154 = tpu.memref_slice %arg13[%dma_start3A_152, %dma_start3A_153] : memref<10240x48xf32, #tpu.memory_space<vmem_shared>> -> memref<10240x48xf32, #tpu.memory_space<vmem_shared>>
        tpu.enqueue_indirect_dma source(%dma_start3A_154 : memref<10240x48xf32, #tpu.memory_space<vmem_shared>>) target(%arg9 : memref<80x48xf32, #tpu.memory_space<vmem>>) offsets(%dma_start3A_151 : memref<80xi32, #tpu.memory_space<vmem>>) semaphore(%arg16 : memref<!tpu.dma_semaphore, #tpu.memory_space<semaphore_mem>>)
      } else {
      }
      %mul3A_96 = arith.constant 5 : i32
      %mul3A_97 = arith.muli %mul3A_96, %scan3A_65 : i32
      %add3A_98 = arith.constant 2 : i32
      %add3A_99 = arith.addi %mul3A_97, %add3A_98 : i32
      %dma_wait3A_100 = arith.constant 0 : i32
      %dma_wait3A_101 = tpu.memref_slice %arg6[%add3A_99, %dma_wait3A_100] : memref<125x80xi32, #tpu.memory_space<vmem>> -> memref<1x80xi32, #tpu.memory_space<vmem>>
      %dma_wait3A_102 = tpu.memref_squeeze %dma_wait3A_101 : memref<1x80xi32, #tpu.memory_space<vmem>> -> memref<80xi32, #tpu.memory_space<vmem>>
      %dma_wait3A_103 = arith.constant 0 : i32
      %dma_wait3A_104 = arith.constant 0 : i32
      %dma_wait3A_105 = tpu.memref_slice %arg13[%dma_wait3A_103, %dma_wait3A_104] : memref<10240x48xf32, #tpu.memory_space<vmem_shared>> -> memref<10240x48xf32, #tpu.memory_space<vmem_shared>>
      tpu.wait_indirect_dma semaphore(%arg17 : memref<!tpu.dma_semaphore, #tpu.memory_space<semaphore_mem>>) src(%dma_wait3A_105 : memref<10240x48xf32, #tpu.memory_space<vmem_shared>>) dst(%arg10 : memref<80x48xf32, #tpu.memory_space<vmem>>)
      "tpu.region"() ({
        %run_scoped3A = tpu.sem_alloc : memref<!tpu.dma_semaphore, #tpu.memory_space<semaphore_mem>>
        %dma_start3A_147 = arith.constant 0 : i32
        %dma_start3A_148 = tpu.memref_slice %arg7[%add3A_99, %dma_start3A_147] : memref<125x80xi32, #tpu.memory_space<vmem>> -> memref<1x80xi32, #tpu.memory_space<vmem>>
        %dma_start3A_149 = tpu.memref_squeeze %dma_start3A_148 : memref<1x80xi32, #tpu.memory_space<vmem>> -> memref<80xi32, #tpu.memory_space<vmem>>
        %dma_start3A_150 = arith.constant 0 : i32
        %dma_start3A_151 = arith.constant 0 : i32
        %dma_start3A_152 = tpu.memref_slice %arg14[%dma_start3A_150, %dma_start3A_151] : memref<10240x48xf32, #tpu.memory_space<vmem_shared>> -> memref<10240x48xf32, #tpu.memory_space<vmem_shared>>
        tpu.enqueue_indirect_dma source(%arg10 : memref<80x48xf32, #tpu.memory_space<vmem>>) target(%dma_start3A_152 : memref<10240x48xf32, #tpu.memory_space<vmem_shared>>) offsets(%dma_start3A_149 : memref<80xi32, #tpu.memory_space<vmem>>) semaphore(%run_scoped3A : memref<!tpu.dma_semaphore, #tpu.memory_space<semaphore_mem>>) {add = true}
        %dma_wait3A_153 = arith.constant 0 : i32
        %dma_wait3A_154 = tpu.memref_slice %arg7[%add3A_99, %dma_wait3A_153] : memref<125x80xi32, #tpu.memory_space<vmem>> -> memref<1x80xi32, #tpu.memory_space<vmem>>
        %dma_wait3A_155 = tpu.memref_squeeze %dma_wait3A_154 : memref<1x80xi32, #tpu.memory_space<vmem>> -> memref<80xi32, #tpu.memory_space<vmem>>
        %dma_wait3A_156 = arith.constant 0 : i32
        %dma_wait3A_157 = arith.constant 0 : i32
        %dma_wait3A_158 = tpu.memref_slice %arg14[%dma_wait3A_156, %dma_wait3A_157] : memref<10240x48xf32, #tpu.memory_space<vmem_shared>> -> memref<10240x48xf32, #tpu.memory_space<vmem_shared>>
        tpu.wait_indirect_dma semaphore(%run_scoped3A : memref<!tpu.dma_semaphore, #tpu.memory_space<semaphore_mem>>) src(%arg10 : memref<80x48xf32, #tpu.memory_space<vmem>>) dst(%dma_wait3A_158 : memref<10240x48xf32, #tpu.memory_space<vmem_shared>>)
        tpu.yield
      }) : () -> ()
      %add3A_106 = arith.constant 5 : i32
      %add3A_107 = arith.addi %add3A_99, %add3A_106 : i32
      %lt3A_108 = arith.constant 125 : i32
      %lt3A_109 = arith.cmpi slt, %add3A_107, %lt3A_108 : i32
      %convert_element_type3A_110 = arith.extui %lt3A_109 : i1 to i32
      %cond3A_111 = arith.constant 0 : i32
      %cond3A_112 = arith.cmpi ne, %convert_element_type3A_110, %cond3A_111 : i32
      scf.if %cond3A_112 {
        %add3A_147 = arith.constant 5 : i32
        %add3A_148 = arith.addi %add3A_99, %add3A_147 : i32
        %dma_start3A_149 = arith.constant 0 : i32
        %dma_start3A_150 = tpu.memref_slice %arg6[%add3A_148, %dma_start3A_149] : memref<125x80xi32, #tpu.memory_space<vmem>> -> memref<1x80xi32, #tpu.memory_space<vmem>>
        %dma_start3A_151 = tpu.memref_squeeze %dma_start3A_150 : memref<1x80xi32, #tpu.memory_space<vmem>> -> memref<80xi32, #tpu.memory_space<vmem>>
        %dma_start3A_152 = arith.constant 0 : i32
        %dma_start3A_153 = arith.constant 0 : i32
        %dma_start3A_154 = tpu.memref_slice %arg13[%dma_start3A_152, %dma_start3A_153] : memref<10240x48xf32, #tpu.memory_space<vmem_shared>> -> memref<10240x48xf32, #tpu.memory_space<vmem_shared>>
        tpu.enqueue_indirect_dma source(%dma_start3A_154 : memref<10240x48xf32, #tpu.memory_space<vmem_shared>>) target(%arg10 : memref<80x48xf32, #tpu.memory_space<vmem>>) offsets(%dma_start3A_151 : memref<80xi32, #tpu.memory_space<vmem>>) semaphore(%arg17 : memref<!tpu.dma_semaphore, #tpu.memory_space<semaphore_mem>>)
      } else {
      }
      %mul3A_113 = arith.constant 5 : i32
      %mul3A_114 = arith.muli %mul3A_113, %scan3A_65 : i32
      %add3A_115 = arith.constant 3 : i32
      %add3A_116 = arith.addi %mul3A_114, %add3A_115 : i32
      %dma_wait3A_117 = arith.constant 0 : i32
      %dma_wait3A_118 = tpu.memref_slice %arg6[%add3A_116, %dma_wait3A_117] : memref<125x80xi32, #tpu.memory_space<vmem>> -> memref<1x80xi32, #tpu.memory_space<vmem>>
      %dma_wait3A_119 = tpu.memref_squeeze %dma_wait3A_118 : memref<1x80xi32, #tpu.memory_space<vmem>> -> memref<80xi32, #tpu.memory_space<vmem>>
      %dma_wait3A_120 = arith.constant 0 : i32
      %dma_wait3A_121 = arith.constant 0 : i32
      %dma_wait3A_122 = tpu.memref_slice %arg13[%dma_wait3A_120, %dma_wait3A_121] : memref<10240x48xf32, #tpu.memory_space<vmem_shared>> -> memref<10240x48xf32, #tpu.memory_space<vmem_shared>>
      tpu.wait_indirect_dma semaphore(%arg18 : memref<!tpu.dma_semaphore, #tpu.memory_space<semaphore_mem>>) src(%dma_wait3A_122 : memref<10240x48xf32, #tpu.memory_space<vmem_shared>>) dst(%arg11 : memref<80x48xf32, #tpu.memory_space<vmem>>)
      "tpu.region"() ({
        %run_scoped3A = tpu.sem_alloc : memref<!tpu.dma_semaphore, #tpu.memory_space<semaphore_mem>>
        %dma_start3A_147 = arith.constant 0 : i32
        %dma_start3A_148 = tpu.memref_slice %arg7[%add3A_116, %dma_start3A_147] : memref<125x80xi32, #tpu.memory_space<vmem>> -> memref<1x80xi32, #tpu.memory_space<vmem>>
        %dma_start3A_149 = tpu.memref_squeeze %dma_start3A_148 : memref<1x80xi32, #tpu.memory_space<vmem>> -> memref<80xi32, #tpu.memory_space<vmem>>
        %dma_start3A_150 = arith.constant 0 : i32
        %dma_start3A_151 = arith.constant 0 : i32
        %dma_start3A_152 = tpu.memref_slice %arg14[%dma_start3A_150, %dma_start3A_151] : memref<10240x48xf32, #tpu.memory_space<vmem_shared>> -> memref<10240x48xf32, #tpu.memory_space<vmem_shared>>
        tpu.enqueue_indirect_dma source(%arg11 : memref<80x48xf32, #tpu.memory_space<vmem>>) target(%dma_start3A_152 : memref<10240x48xf32, #tpu.memory_space<vmem_shared>>) offsets(%dma_start3A_149 : memref<80xi32, #tpu.memory_space<vmem>>) semaphore(%run_scoped3A : memref<!tpu.dma_semaphore, #tpu.memory_space<semaphore_mem>>) {add = true}
        %dma_wait3A_153 = arith.constant 0 : i32
        %dma_wait3A_154 = tpu.memref_slice %arg7[%add3A_116, %dma_wait3A_153] : memref<125x80xi32, #tpu.memory_space<vmem>> -> memref<1x80xi32, #tpu.memory_space<vmem>>
        %dma_wait3A_155 = tpu.memref_squeeze %dma_wait3A_154 : memref<1x80xi32, #tpu.memory_space<vmem>> -> memref<80xi32, #tpu.memory_space<vmem>>
        %dma_wait3A_156 = arith.constant 0 : i32
        %dma_wait3A_157 = arith.constant 0 : i32
        %dma_wait3A_158 = tpu.memref_slice %arg14[%dma_wait3A_156, %dma_wait3A_157] : memref<10240x48xf32, #tpu.memory_space<vmem_shared>> -> memref<10240x48xf32, #tpu.memory_space<vmem_shared>>
        tpu.wait_indirect_dma semaphore(%run_scoped3A : memref<!tpu.dma_semaphore, #tpu.memory_space<semaphore_mem>>) src(%arg11 : memref<80x48xf32, #tpu.memory_space<vmem>>) dst(%dma_wait3A_158 : memref<10240x48xf32, #tpu.memory_space<vmem_shared>>)
        tpu.yield
      }) : () -> ()
      %add3A_123 = arith.constant 5 : i32
      %add3A_124 = arith.addi %add3A_116, %add3A_123 : i32
      %lt3A_125 = arith.constant 125 : i32
      %lt3A_126 = arith.cmpi slt, %add3A_124, %lt3A_125 : i32
      %convert_element_type3A_127 = arith.extui %lt3A_126 : i1 to i32
      %cond3A_128 = arith.constant 0 : i32
      %cond3A_129 = arith.cmpi ne, %convert_element_type3A_127, %cond3A_128 : i32
      scf.if %cond3A_129 {
        %add3A_147 = arith.constant 5 : i32
        %add3A_148 = arith.addi %add3A_116, %add3A_147 : i32
        %dma_start3A_149 = arith.constant 0 : i32
        %dma_start3A_150 = tpu.memref_slice %arg6[%add3A_148, %dma_start3A_149] : memref<125x80xi32, #tpu.memory_space<vmem>> -> memref<1x80xi32, #tpu.memory_space<vmem>>
        %dma_start3A_151 = tpu.memref_squeeze %dma_start3A_150 : memref<1x80xi32, #tpu.memory_space<vmem>> -> memref<80xi32, #tpu.memory_space<vmem>>
        %dma_start3A_152 = arith.constant 0 : i32
        %dma_start3A_153 = arith.constant 0 : i32
        %dma_start3A_154 = tpu.memref_slice %arg13[%dma_start3A_152, %dma_start3A_153] : memref<10240x48xf32, #tpu.memory_space<vmem_shared>> -> memref<10240x48xf32, #tpu.memory_space<vmem_shared>>
        tpu.enqueue_indirect_dma source(%dma_start3A_154 : memref<10240x48xf32, #tpu.memory_space<vmem_shared>>) target(%arg11 : memref<80x48xf32, #tpu.memory_space<vmem>>) offsets(%dma_start3A_151 : memref<80xi32, #tpu.memory_space<vmem>>) semaphore(%arg18 : memref<!tpu.dma_semaphore, #tpu.memory_space<semaphore_mem>>)
      } else {
      }
      %mul3A_130 = arith.constant 5 : i32
      %mul3A_131 = arith.muli %mul3A_130, %scan3A_65 : i32
      %add3A_132 = arith.constant 4 : i32
      %add3A_133 = arith.addi %mul3A_131, %add3A_132 : i32
      %dma_wait3A_134 = arith.constant 0 : i32
      %dma_wait3A_135 = tpu.memref_slice %arg6[%add3A_133, %dma_wait3A_134] : memref<125x80xi32, #tpu.memory_space<vmem>> -> memref<1x80xi32, #tpu.memory_space<vmem>>
      %dma_wait3A_136 = tpu.memref_squeeze %dma_wait3A_135 : memref<1x80xi32, #tpu.memory_space<vmem>> -> memref<80xi32, #tpu.memory_space<vmem>>
      %dma_wait3A_137 = arith.constant 0 : i32
      %dma_wait3A_138 = arith.constant 0 : i32
      %dma_wait3A_139 = tpu.memref_slice %arg13[%dma_wait3A_137, %dma_wait3A_138] : memref<10240x48xf32, #tpu.memory_space<vmem_shared>> -> memref<10240x48xf32, #tpu.memory_space<vmem_shared>>
      tpu.wait_indirect_dma semaphore(%arg19 : memref<!tpu.dma_semaphore, #tpu.memory_space<semaphore_mem>>) src(%dma_wait3A_139 : memref<10240x48xf32, #tpu.memory_space<vmem_shared>>) dst(%arg12 : memref<80x48xf32, #tpu.memory_space<vmem>>)
      "tpu.region"() ({
        %run_scoped3A = tpu.sem_alloc : memref<!tpu.dma_semaphore, #tpu.memory_space<semaphore_mem>>
        %dma_start3A_147 = arith.constant 0 : i32
        %dma_start3A_148 = tpu.memref_slice %arg7[%add3A_133, %dma_start3A_147] : memref<125x80xi32, #tpu.memory_space<vmem>> -> memref<1x80xi32, #tpu.memory_space<vmem>>
        %dma_start3A_149 = tpu.memref_squeeze %dma_start3A_148 : memref<1x80xi32, #tpu.memory_space<vmem>> -> memref<80xi32, #tpu.memory_space<vmem>>
        %dma_start3A_150 = arith.constant 0 : i32
        %dma_start3A_151 = arith.constant 0 : i32
        %dma_start3A_152 = tpu.memref_slice %arg14[%dma_start3A_150, %dma_start3A_151] : memref<10240x48xf32, #tpu.memory_space<vmem_shared>> -> memref<10240x48xf32, #tpu.memory_space<vmem_shared>>
        tpu.enqueue_indirect_dma source(%arg12 : memref<80x48xf32, #tpu.memory_space<vmem>>) target(%dma_start3A_152 : memref<10240x48xf32, #tpu.memory_space<vmem_shared>>) offsets(%dma_start3A_149 : memref<80xi32, #tpu.memory_space<vmem>>) semaphore(%run_scoped3A : memref<!tpu.dma_semaphore, #tpu.memory_space<semaphore_mem>>) {add = true}
        %dma_wait3A_153 = arith.constant 0 : i32
        %dma_wait3A_154 = tpu.memref_slice %arg7[%add3A_133, %dma_wait3A_153] : memref<125x80xi32, #tpu.memory_space<vmem>> -> memref<1x80xi32, #tpu.memory_space<vmem>>
        %dma_wait3A_155 = tpu.memref_squeeze %dma_wait3A_154 : memref<1x80xi32, #tpu.memory_space<vmem>> -> memref<80xi32, #tpu.memory_space<vmem>>
        %dma_wait3A_156 = arith.constant 0 : i32
        %dma_wait3A_157 = arith.constant 0 : i32
        %dma_wait3A_158 = tpu.memref_slice %arg14[%dma_wait3A_156, %dma_wait3A_157] : memref<10240x48xf32, #tpu.memory_space<vmem_shared>> -> memref<10240x48xf32, #tpu.memory_space<vmem_shared>>
        tpu.wait_indirect_dma semaphore(%run_scoped3A : memref<!tpu.dma_semaphore, #tpu.memory_space<semaphore_mem>>) src(%arg12 : memref<80x48xf32, #tpu.memory_space<vmem>>) dst(%dma_wait3A_158 : memref<10240x48xf32, #tpu.memory_space<vmem_shared>>)
        tpu.yield
      }) : () -> ()
      %add3A_140 = arith.constant 5 : i32
      %add3A_141 = arith.addi %add3A_133, %add3A_140 : i32
      %lt3A_142 = arith.constant 125 : i32
      %lt3A_143 = arith.cmpi slt, %add3A_141, %lt3A_142 : i32
      %convert_element_type3A_144 = arith.extui %lt3A_143 : i1 to i32
      %cond3A_145 = arith.constant 0 : i32
      %cond3A_146 = arith.cmpi ne, %convert_element_type3A_144, %cond3A_145 : i32
      scf.if %cond3A_146 {
        %add3A_147 = arith.constant 5 : i32
        %add3A_148 = arith.addi %add3A_133, %add3A_147 : i32
        %dma_start3A_149 = arith.constant 0 : i32
        %dma_start3A_150 = tpu.memref_slice %arg6[%add3A_148, %dma_start3A_149] : memref<125x80xi32, #tpu.memory_space<vmem>> -> memref<1x80xi32, #tpu.memory_space<vmem>>
        %dma_start3A_151 = tpu.memref_squeeze %dma_start3A_150 : memref<1x80xi32, #tpu.memory_space<vmem>> -> memref<80xi32, #tpu.memory_space<vmem>>
        %dma_start3A_152 = arith.constant 0 : i32
        %dma_start3A_153 = arith.constant 0 : i32
        %dma_start3A_154 = tpu.memref_slice %arg13[%dma_start3A_152, %dma_start3A_153] : memref<10240x48xf32, #tpu.memory_space<vmem_shared>> -> memref<10240x48xf32, #tpu.memory_space<vmem_shared>>
        tpu.enqueue_indirect_dma source(%dma_start3A_154 : memref<10240x48xf32, #tpu.memory_space<vmem_shared>>) target(%arg12 : memref<80x48xf32, #tpu.memory_space<vmem>>) offsets(%dma_start3A_151 : memref<80xi32, #tpu.memory_space<vmem>>) semaphore(%arg19 : memref<!tpu.dma_semaphore, #tpu.memory_space<semaphore_mem>>)
      } else {
      }
    }
    %scan3A_56 = arith.constant 25 : i32
    %barrier3A_57 = arith.constant 0 : index
    tpu.barrier barrier_id(%barrier3A_57)
    %mul3A_58 = arith.constant 640 : i32
    %mul3A_59 = arith.muli %arg1, %mul3A_58 : i32
    %mul3A_60 = arith.constant 10240 : i32
    %mul3A_61 = arith.muli %arg0, %mul3A_60 : i32
    %mul3A_62 = arith.constant 640 : i32
    %mul3A_63 = arith.muli %arg1, %mul3A_62 : i32
    %add3A_64 = arith.addi %mul3A_61, %mul3A_63 : i32
    "tpu.region"() ({
      %run_scoped3A = tpu.sem_alloc : memref<!tpu.dma_semaphore, #tpu.memory_space<semaphore_mem>>
      %dma_start3A_65 = arith.constant 0 : i32
      %dma_start3A_66 = tpu.memref_slice %arg5[%add3A_64, %dma_start3A_65] : memref<20480x48xf32, #tpu.memory_space<hbm>> -> memref<640x48xf32, #tpu.memory_space<hbm>>
      %dma_start3A_67 = arith.constant 0 : i32
      %dma_start3A_68 = tpu.memref_slice %arg14[%mul3A_59, %dma_start3A_67] : memref<10240x48xf32, #tpu.memory_space<vmem_shared>> -> memref<640x48xf32, #tpu.memory_space<vmem_shared>>
      tpu.enqueue_dma source(%dma_start3A_68 : memref<640x48xf32, #tpu.memory_space<vmem_shared>>) target(%dma_start3A_66 : memref<640x48xf32, #tpu.memory_space<hbm>>) target_semaphore(%run_scoped3A : memref<!tpu.dma_semaphore, #tpu.memory_space<semaphore_mem>>)
      %dma_wait3A = arith.constant 0 : i32
      %dma_wait3A_69 = tpu.memref_slice %arg5[%add3A_64, %dma_wait3A] : memref<20480x48xf32, #tpu.memory_space<hbm>> -> memref<640x48xf32, #tpu.memory_space<hbm>>
      %dma_wait3A_70 = arith.constant 0 : i32
      %dma_wait3A_71 = tpu.memref_slice %arg14[%mul3A_59, %dma_wait3A_70] : memref<10240x48xf32, #tpu.memory_space<vmem_shared>> -> memref<640x48xf32, #tpu.memory_space<vmem_shared>>
      tpu.wait_dma2 semaphore(%run_scoped3A : memref<!tpu.dma_semaphore, #tpu.memory_space<semaphore_mem>>) src(%dma_wait3A_71 : memref<640x48xf32, #tpu.memory_space<vmem_shared>>) dst(%dma_wait3A_69 : memref<640x48xf32, #tpu.memory_space<hbm>>)
      tpu.yield
    }) : () -> ()
    return
  }
}

module attributes {stable_mosaic.version = 14 : i64} {
  func.func @_tc_prep_body(%arg0: i32, %arg1: memref<32x10240xf32, #tpu.memory_space<vmem>>, %arg2: memref<10240x128xf32, #tpu.memory_space<vmem>>, %arg3: memref<10240x64xf32, #tpu.memory_space<vmem>>, %arg4: memref<10240x64xf32, #tpu.memory_space<vmem>>, %arg5: memref<10240x1xf32, #tpu.memory_space<vmem>>, %arg6: memref<10240x1xf32, #tpu.memory_space<vmem>>) attributes {dimension_semantics = [#tpu.dimension_semantics<arbitrary>], iteration_bounds = array<i64: 1>, scalar_prefetch = 0 : i64, scratch_operands = 0 : i64, tpu.core_type = #tpu.core_type<tc>, window_params = [{pipeline_mode = #tpu.pipeline_mode<synchronous>, transform_indices = @transform_0, window_bounds = array<i64: 32, 10240>}, {transform_indices = @transform_1, window_bounds = array<i64: 10240, 128>}, {pipeline_mode = #tpu.pipeline_mode<synchronous>, transform_indices = @transform_2, window_bounds = array<i64: 10240, 64>}, {pipeline_mode = #tpu.pipeline_mode<synchronous>, transform_indices = @transform_3, window_bounds = array<i64: 10240, 64>}, {pipeline_mode = #tpu.pipeline_mode<synchronous>, transform_indices = @transform_4, window_bounds = array<i64: 10240, 1>}, {pipeline_mode = #tpu.pipeline_mode<synchronous>, transform_indices = @transform_5, window_bounds = array<i64: 10240, 1>}]} {
    %get3A = arith.constant 0 : index
    %get3A_0 = arith.constant 0 : index
    %get3A_1 = vector.load %arg1[%get3A, %get3A_0] : memref<32x10240xf32, #tpu.memory_space<vmem>>, vector<32x10240xf32>
    %reduce_sum3A = arith.constant dense<0.000000e+00> : vector<10240xf32>
    %reduce_sum3A_2 = vector.multi_reduction <add>, %get3A_1, %reduce_sum3A [0] : vector<32x10240xf32> to vector<10240xf32>
    %broadcast_in_dim3A = vector.shape_cast %reduce_sum3A_2 : vector<10240xf32> to vector<1x10240xf32>
    %add3A = arith.constant 1.000000e+00 : f32
    %add3A_3 = vector.broadcast %add3A : f32 to vector<1x10240xf32>
    %add3A_4 = arith.addf %broadcast_in_dim3A, %add3A_3 : vector<1x10240xf32>
    %transpose3A = tpu.transpose %add3A_4, [1, 0] : vector<1x10240xf32> -> vector<10240x1xf32>
    %max3A = arith.constant 1.000000e+00 : f32
    %max3A_5 = vector.broadcast %max3A : f32 to vector<10240x1xf32>
    %max3A_6 = arith.maximumf %transpose3A, %max3A_5 : vector<10240x1xf32>
    %rsqrt3A = math.rsqrt %max3A_6 : vector<10240x1xf32>
    %iota3A = tpu.iota {dimensions = array<i32: 0>} : vector<10240x1xi32>
    %lt3A = arith.constant 10000 : i32
    %lt3A_7 = vector.broadcast %lt3A : i32 to vector<10240x1xi32>
    %lt3A_8 = arith.cmpi slt, %iota3A, %lt3A_7 : vector<10240x1xi32>
    %jit3A = arith.constant 0.000000e+00 : f32
    %broadcast_in_dim3A_9 = vector.broadcast %jit3A : f32 to vector<10240x1xf32>
    %select_n3A = arith.select %lt3A_8, %transpose3A, %broadcast_in_dim3A_9 : vector<10240x1xi1>, vector<10240x1xf32>
    %reduce_max3A = vector.shape_cast %select_n3A : vector<10240x1xf32> to vector<1x10240x1xf32>
    %reduce_max3A_10 = arith.constant dense<0xFF800000> : vector<1xf32>
    %reduce_max3A_11 = vector.multi_reduction <maximumf>, %reduce_max3A, %reduce_max3A_10 [1, 2] : vector<1x10240x1xf32> to vector<1xf32>
    %reduce_max3A_12 = vector.shape_cast %reduce_max3A_11 : vector<1xf32> to vector<1x1x1xf32>
    %reduce_max3A_13 = vector.extract %reduce_max3A_12[0, 0, 0] : f32 from vector<1x1x1xf32>
    %div3A = vector.broadcast %reduce_max3A_13 : f32 to vector<10240x1xf32>
    %div3A_14 = arith.divf %select_n3A, %div3A : vector<10240x1xf32>
    %get3A_15 = arith.constant 0 : index
    %get3A_16 = arith.constant 0 : index
    %get3A_17 = vector.load %arg2[%get3A_15, %get3A_16] : memref<10240x128xf32, #tpu.memory_space<vmem>>, vector<10240x128xf32>
    %mul3A = vector.broadcast %rsqrt3A : vector<10240x1xf32> to vector<10240x128xf32>
    %mul3A_18 = arith.mulf %get3A_17, %mul3A : vector<10240x128xf32>
    %slice3A = vector.extract_strided_slice %mul3A_18 {offsets = [0, 0], sizes = [10240, 64], strides = [1, 1]} : vector<10240x128xf32> to vector<10240x64xf32>
    %swap3A = arith.constant 0 : index
    %swap3A_19 = arith.constant 0 : index
    %swap3A_20 = vector.load %arg3[%swap3A, %swap3A_19] : memref<10240x64xf32, #tpu.memory_space<vmem>>, vector<10240x64xf32>
    tpu.vector_store %arg3[%swap3A, %swap3A_19], %slice3A {strides = array<i32>} : memref<10240x64xf32, #tpu.memory_space<vmem>>, vector<10240x64xf32>,
    %slice3A_21 = vector.extract_strided_slice %mul3A_18 {offsets = [0, 64], sizes = [10240, 64], strides = [1, 1]} : vector<10240x128xf32> to vector<10240x64xf32>
    %swap3A_22 = arith.constant 0 : index
    %swap3A_23 = arith.constant 0 : index
    %swap3A_24 = vector.load %arg4[%swap3A_22, %swap3A_23] : memref<10240x64xf32, #tpu.memory_space<vmem>>, vector<10240x64xf32>
    tpu.vector_store %arg4[%swap3A_22, %swap3A_23], %slice3A_21 {strides = array<i32>} : memref<10240x64xf32, #tpu.memory_space<vmem>>, vector<10240x64xf32>,
    %swap3A_25 = arith.constant 0 : index
    %swap3A_26 = arith.constant 0 : index
    %swap3A_27 = vector.load %arg5[%swap3A_25, %swap3A_26] : memref<10240x1xf32, #tpu.memory_space<vmem>>, vector<10240x1xf32>
    tpu.vector_store %arg5[%swap3A_25, %swap3A_26], %rsqrt3A {strides = array<i32>} : memref<10240x1xf32, #tpu.memory_space<vmem>>, vector<10240x1xf32>,
    %swap3A_28 = arith.constant 0 : index
    %swap3A_29 = arith.constant 0 : index
    %swap3A_30 = vector.load %arg6[%swap3A_28, %swap3A_29] : memref<10240x1xf32, #tpu.memory_space<vmem>>, vector<10240x1xf32>
    tpu.vector_store %arg6[%swap3A_28, %swap3A_29], %div3A_14 {strides = array<i32>} : memref<10240x1xf32, #tpu.memory_space<vmem>>, vector<10240x1xf32>,
    return
  }
  func.func @transform_0(%arg0: i32) -> (i32, i32) {
    %c0_i32 = arith.constant 0 : i32
    %c0_i32_0 = arith.constant 0 : i32
    %c0_i32_1 = arith.constant 0 : i32
    return %c0_i32, %c0_i32_0 : i32, i32
  }
  func.func @transform_1(%arg0: i32) -> (i32, i32) {
    %c0_i32 = arith.constant 0 : i32
    %c0_i32_0 = arith.constant 0 : i32
    %c0_i32_1 = arith.constant 0 : i32
    return %c0_i32, %c0_i32_0 : i32, i32
  }
  func.func @transform_2(%arg0: i32) -> (i32, i32) {
    %c0_i32 = arith.constant 0 : i32
    %c0_i32_0 = arith.constant 0 : i32
    %c0_i32_1 = arith.constant 0 : i32
    return %c0_i32, %c0_i32_0 : i32, i32
  }
  func.func @transform_3(%arg0: i32) -> (i32, i32) {
    %c0_i32 = arith.constant 0 : i32
    %c0_i32_0 = arith.constant 0 : i32
    %c0_i32_1 = arith.constant 0 : i32
    return %c0_i32, %c0_i32_0 : i32, i32
  }
  func.func @transform_4(%arg0: i32) -> (i32, i32) {
    %c0_i32 = arith.constant 0 : i32
    %c0_i32_0 = arith.constant 0 : i32
    %c0_i32_1 = arith.constant 0 : i32
    return %c0_i32, %c0_i32_0 : i32, i32
  }
  func.func @transform_5(%arg0: i32) -> (i32, i32) {
    %c0_i32 = arith.constant 0 : i32
    %c0_i32_0 = arith.constant 0 : i32
    %c0_i32_1 = arith.constant 0 : i32
    return %c0_i32, %c0_i32_0 : i32, i32
  }
}

module attributes {stable_mosaic.version = 14 : i64} {
  func.func @_tc_dense_body(%arg0: i32, %arg1: memref<1024x64xf32, #tpu.memory_space<vmem>>, %arg2: memref<1024x64xf32, #tpu.memory_space<vmem>>, %arg3: memref<1024x128xf32, #tpu.memory_space<vmem>>, %arg4: memref<1024x1xf32, #tpu.memory_space<vmem>>, %arg5: memref<1024x1xf32, #tpu.memory_space<vmem>>, %arg6: memref<128x256xf32, #tpu.memory_space<vmem>>, %arg7: memref<128x256xf32, #tpu.memory_space<vmem>>, %arg8: memref<1x256xf32, #tpu.memory_space<vmem>>, %arg9: memref<256x128xf32, #tpu.memory_space<vmem>>, %arg10: memref<8x16xf32, #tpu.memory_space<vmem>>, %arg11: memref<64x16xf32, #tpu.memory_space<vmem>>, %arg12: memref<272x48xf32, #tpu.memory_space<vmem>>, %arg13: memref<1024x272xf32, #tpu.memory_space<vmem>>, %arg14: memref<1024x48xf32, #tpu.memory_space<vmem>>) attributes {dimension_semantics = [#tpu.dimension_semantics<arbitrary>], iteration_bounds = array<i64: 10>, scalar_prefetch = 0 : i64, scratch_operands = 0 : i64, tpu.core_type = #tpu.core_type<tc>, window_params = [{transform_indices = @transform_0, window_bounds = array<i64: 1024, 64>}, {transform_indices = @transform_1, window_bounds = array<i64: 1024, 64>}, {transform_indices = @transform_2, window_bounds = array<i64: 1024, 128>}, {transform_indices = @transform_3, window_bounds = array<i64: 1024, 1>}, {transform_indices = @transform_4, window_bounds = array<i64: 1024, 1>}, {pipeline_mode = #tpu.pipeline_mode<synchronous>, transform_indices = @transform_5, window_bounds = array<i64: 128, 256>}, {pipeline_mode = #tpu.pipeline_mode<synchronous>, transform_indices = @transform_6, window_bounds = array<i64: 128, 256>}, {pipeline_mode = #tpu.pipeline_mode<synchronous>, transform_indices = @transform_7, window_bounds = array<i64: 1, 256>}, {pipeline_mode = #tpu.pipeline_mode<synchronous>, transform_indices = @transform_8, window_bounds = array<i64: 256, 128>}, {pipeline_mode = #tpu.pipeline_mode<synchronous>, transform_indices = @transform_9, window_bounds = array<i64: 8, 16>}, {pipeline_mode = #tpu.pipeline_mode<synchronous>, transform_indices = @transform_10, window_bounds = array<i64: 64, 16>}, {pipeline_mode = #tpu.pipeline_mode<synchronous>, transform_indices = @transform_11, window_bounds = array<i64: 272, 48>}, {transform_indices = @transform_12, window_bounds = array<i64: 1024, 272>}, {transform_indices = @transform_13, window_bounds = array<i64: 1024, 48>}]} {
    %get3A = arith.constant 0 : index
    %get3A_0 = arith.constant 0 : index
    %get3A_1 = vector.load %arg4[%get3A, %get3A_0] : memref<1024x1xf32, #tpu.memory_space<vmem>>, vector<1024x1xf32>
    %get3A_2 = arith.constant 0 : index
    %get3A_3 = arith.constant 0 : index
    %get3A_4 = vector.load %arg1[%get3A_2, %get3A_3] : memref<1024x64xf32, #tpu.memory_space<vmem>>, vector<1024x64xf32>
    %get3A_5 = arith.constant 0 : index
    %get3A_6 = arith.constant 0 : index
    %get3A_7 = vector.load %arg2[%get3A_5, %get3A_6] : memref<1024x64xf32, #tpu.memory_space<vmem>>, vector<1024x64xf32>
    %concatenate3A = tpu.concatenate %get3A_4, %get3A_7 in 1 : vector<1024x64xf32>, vector<1024x64xf32> -> vector<1024x128xf32>
    %get3A_8 = arith.constant 0 : index
    %get3A_9 = arith.constant 0 : index
    %get3A_10 = vector.load %arg3[%get3A_8, %get3A_9] : memref<1024x128xf32, #tpu.memory_space<vmem>>, vector<1024x128xf32>
    %mul3A = vector.broadcast %get3A_1 : vector<1024x1xf32> to vector<1024x128xf32>
    %mul3A_11 = arith.mulf %mul3A, %get3A_10 : vector<1024x128xf32>
    %add3A = arith.addf %concatenate3A, %mul3A_11 : vector<1024x128xf32>
    %mul3A_12 = vector.broadcast %get3A_1 : vector<1024x1xf32> to vector<1024x128xf32>
    %mul3A_13 = arith.mulf %mul3A_12, %add3A : vector<1024x128xf32>
    %get3A_14 = arith.constant 0 : index
    %get3A_15 = arith.constant 0 : index
    %get3A_16 = vector.load %arg6[%get3A_14, %get3A_15] : memref<128x256xf32, #tpu.memory_space<vmem>>, vector<128x256xf32>
    %dot_general3A = arith.constant dense<0.000000e+00> : vector<1024x256xf32>
    %dot_general3A_17 = tpu.matmul %mul3A_13, %get3A_16, %dot_general3A {dimension_numbers = #tpu.dot_dimension_numbers<[1], [0], [0], [1], [0, 0, 1, 1], [], []>, transpose_lhs_hint = false} : vector<1024x128xf32>, vector<128x256xf32>, vector<1024x256xf32> -> vector<1024x256xf32>
    %get3A_18 = arith.constant 0 : index
    %get3A_19 = arith.constant 0 : index
    %get3A_20 = vector.load %arg7[%get3A_18, %get3A_19] : memref<128x256xf32, #tpu.memory_space<vmem>>, vector<128x256xf32>
    %dot_general3A_21 = arith.constant dense<0.000000e+00> : vector<1024x256xf32>
    %dot_general3A_22 = tpu.matmul %mul3A_13, %get3A_20, %dot_general3A_21 {dimension_numbers = #tpu.dot_dimension_numbers<[1], [0], [0], [1], [0, 0, 1, 1], [], []>, transpose_lhs_hint = false} : vector<1024x128xf32>, vector<128x256xf32>, vector<1024x256xf32> -> vector<1024x256xf32>
    %get3A_23 = arith.constant 0 : index
    %get3A_24 = arith.constant 0 : index
    %get3A_25 = vector.load %arg8[%get3A_23, %get3A_24] : memref<1x256xf32, #tpu.memory_space<vmem>>, vector<1x256xf32>
    %add3A_26 = vector.broadcast %get3A_25 : vector<1x256xf32> to vector<1024x256xf32>
    %add3A_27 = arith.addf %dot_general3A_22, %add3A_26 : vector<1024x256xf32>
    %max3A = arith.constant 0.000000e+00 : f32
    %max3A_28 = vector.broadcast %max3A : f32 to vector<1024x256xf32>
    %max3A_29 = arith.maximumf %add3A_27, %max3A_28 : vector<1024x256xf32>
    %get3A_30 = arith.constant 0 : index
    %get3A_31 = arith.constant 0 : index
    %get3A_32 = vector.load %arg9[%get3A_30, %get3A_31] : memref<256x128xf32, #tpu.memory_space<vmem>>, vector<256x128xf32>
    %dot_general3A_33 = arith.constant dense<0.000000e+00> : vector<1024x128xf32>
    %dot_general3A_34 = tpu.matmul %dot_general3A_17, %get3A_32, %dot_general3A_33 {dimension_numbers = #tpu.dot_dimension_numbers<[1], [0], [0], [1], [0, 0, 1, 1], [], []>, transpose_lhs_hint = false} : vector<1024x256xf32>, vector<256x128xf32>, vector<1024x128xf32> -> vector<1024x128xf32>
    %mul3A_35 = arith.mulf %dot_general3A_17, %dot_general3A_17 : vector<1024x256xf32>
    %reduce_sum3A = arith.constant dense<0.000000e+00> : vector<1024xf32>
    %reduce_sum3A_36 = vector.multi_reduction <add>, %mul3A_35, %reduce_sum3A [1] : vector<1024x256xf32> to vector<1024xf32>
    %broadcast_in_dim3A = vector.shape_cast %reduce_sum3A_36 : vector<1024xf32> to vector<1024x1xf32>
    %mul3A_37 = arith.mulf %get3A_32, %get3A_32 : vector<256x128xf32>
    %reduce_sum3A_38 = arith.constant dense<0.000000e+00> : vector<128xf32>
    %reduce_sum3A_39 = vector.multi_reduction <add>, %mul3A_37, %reduce_sum3A_38 [0] : vector<256x128xf32> to vector<128xf32>
    %broadcast_in_dim3A_40 = vector.shape_cast %reduce_sum3A_39 : vector<128xf32> to vector<1x128xf32>
    %get3A_41 = arith.constant 0 : index
    %get3A_42 = arith.constant 0 : index
    %get3A_43 = vector.load %arg10[%get3A_41, %get3A_42] : memref<8x16xf32, #tpu.memory_space<vmem>>, vector<8x16xf32>
    %reduce_max3A = arith.constant dense<0xFF800000> : vector<16xf32>
    %reduce_max3A_44 = vector.multi_reduction <maximumf>, %get3A_43, %reduce_max3A [0] : vector<8x16xf32> to vector<16xf32>
    %broadcast_in_dim3A_45 = vector.shape_cast %reduce_max3A_44 : vector<16xf32> to vector<1x16xf32>
    %sub3A = vector.broadcast %broadcast_in_dim3A_45 : vector<1x16xf32> to vector<8x16xf32>
    %sub3A_46 = arith.subf %get3A_43, %sub3A : vector<8x16xf32>
    %exp3A = math.exp %sub3A_46 : vector<8x16xf32>
    %reduce_sum3A_47 = arith.constant dense<0.000000e+00> : vector<16xf32>
    %reduce_sum3A_48 = vector.multi_reduction <add>, %exp3A, %reduce_sum3A_47 [0] : vector<8x16xf32> to vector<16xf32>
    %broadcast_in_dim3A_49 = vector.shape_cast %reduce_sum3A_48 : vector<16xf32> to vector<1x16xf32>
    %div3A = vector.broadcast %broadcast_in_dim3A_49 : vector<1x16xf32> to vector<8x16xf32>
    %div3A_50 = arith.divf %exp3A, %div3A : vector<8x16xf32>
    %add3A_51 = arith.constant 9.99999996E-13 : f32
    %add3A_52 = vector.broadcast %add3A_51 : f32 to vector<8x16xf32>
    %add3A_53 = arith.addf %div3A_50, %add3A_52 : vector<8x16xf32>
    %log3A = math.log %add3A_53 : vector<8x16xf32>
    %slice3A = vector.extract_strided_slice %dot_general3A_34 {offsets = [0, 0], sizes = [1024, 16], strides = [1, 1]} : vector<1024x128xf32> to vector<1024x16xf32>
    %mul3A_54 = arith.constant 2.000000e+00 : f32
    %mul3A_55 = vector.broadcast %mul3A_54 : f32 to vector<1024x16xf32>
    %mul3A_56 = arith.mulf %mul3A_55, %slice3A : vector<1024x16xf32>
    %sub3A_57 = vector.broadcast %broadcast_in_dim3A : vector<1024x1xf32> to vector<1024x16xf32>
    %sub3A_58 = arith.subf %mul3A_56, %sub3A_57 : vector<1024x16xf32>
    %slice3A_59 = vector.extract_strided_slice %broadcast_in_dim3A_40 {offsets = [0, 0], sizes = [1, 16], strides = [1, 1]} : vector<1x128xf32> to vector<1x16xf32>
    %sub3A_60 = vector.broadcast %slice3A_59 : vector<1x16xf32> to vector<1024x16xf32>
    %sub3A_61 = arith.subf %sub3A_58, %sub3A_60 : vector<1024x16xf32>
    %slice3A_62 = vector.extract_strided_slice %log3A {offsets = [0, 0], sizes = [1, 16], strides = [1, 1]} : vector<8x16xf32> to vector<1x16xf32>
    %add3A_63 = vector.broadcast %slice3A_62 : vector<1x16xf32> to vector<1024x16xf32>
    %add3A_64 = arith.addf %sub3A_61, %add3A_63 : vector<1024x16xf32>
    %slice3A_65 = vector.extract_strided_slice %dot_general3A_34 {offsets = [0, 16], sizes = [1024, 16], strides = [1, 1]} : vector<1024x128xf32> to vector<1024x16xf32>
    %mul3A_66 = arith.constant 2.000000e+00 : f32
    %mul3A_67 = vector.broadcast %mul3A_66 : f32 to vector<1024x16xf32>
    %mul3A_68 = arith.mulf %mul3A_67, %slice3A_65 : vector<1024x16xf32>
    %sub3A_69 = vector.broadcast %broadcast_in_dim3A : vector<1024x1xf32> to vector<1024x16xf32>
    %sub3A_70 = arith.subf %mul3A_68, %sub3A_69 : vector<1024x16xf32>
    %slice3A_71 = vector.extract_strided_slice %broadcast_in_dim3A_40 {offsets = [0, 16], sizes = [1, 16], strides = [1, 1]} : vector<1x128xf32> to vector<1x16xf32>
    %sub3A_72 = vector.broadcast %slice3A_71 : vector<1x16xf32> to vector<1024x16xf32>
    %sub3A_73 = arith.subf %sub3A_70, %sub3A_72 : vector<1024x16xf32>
    %slice3A_74 = vector.extract_strided_slice %log3A {offsets = [1, 0], sizes = [1, 16], strides = [1, 1]} : vector<8x16xf32> to vector<1x16xf32>
    %add3A_75 = vector.broadcast %slice3A_74 : vector<1x16xf32> to vector<1024x16xf32>
    %add3A_76 = arith.addf %sub3A_73, %add3A_75 : vector<1024x16xf32>
    %slice3A_77 = vector.extract_strided_slice %dot_general3A_34 {offsets = [0, 32], sizes = [1024, 16], strides = [1, 1]} : vector<1024x128xf32> to vector<1024x16xf32>
    %mul3A_78 = arith.constant 2.000000e+00 : f32
    %mul3A_79 = vector.broadcast %mul3A_78 : f32 to vector<1024x16xf32>
    %mul3A_80 = arith.mulf %mul3A_79, %slice3A_77 : vector<1024x16xf32>
    %sub3A_81 = vector.broadcast %broadcast_in_dim3A : vector<1024x1xf32> to vector<1024x16xf32>
    %sub3A_82 = arith.subf %mul3A_80, %sub3A_81 : vector<1024x16xf32>
    %slice3A_83 = vector.extract_strided_slice %broadcast_in_dim3A_40 {offsets = [0, 32], sizes = [1, 16], strides = [1, 1]} : vector<1x128xf32> to vector<1x16xf32>
    %sub3A_84 = vector.broadcast %slice3A_83 : vector<1x16xf32> to vector<1024x16xf32>
    %sub3A_85 = arith.subf %sub3A_82, %sub3A_84 : vector<1024x16xf32>
    %slice3A_86 = vector.extract_strided_slice %log3A {offsets = [2, 0], sizes = [1, 16], strides = [1, 1]} : vector<8x16xf32> to vector<1x16xf32>
    %add3A_87 = vector.broadcast %slice3A_86 : vector<1x16xf32> to vector<1024x16xf32>
    %add3A_88 = arith.addf %sub3A_85, %add3A_87 : vector<1024x16xf32>
    %slice3A_89 = vector.extract_strided_slice %dot_general3A_34 {offsets = [0, 48], sizes = [1024, 16], strides = [1, 1]} : vector<1024x128xf32> to vector<1024x16xf32>
    %mul3A_90 = arith.constant 2.000000e+00 : f32
    %mul3A_91 = vector.broadcast %mul3A_90 : f32 to vector<1024x16xf32>
    %mul3A_92 = arith.mulf %mul3A_91, %slice3A_89 : vector<1024x16xf32>
    %sub3A_93 = vector.broadcast %broadcast_in_dim3A : vector<1024x1xf32> to vector<1024x16xf32>
    %sub3A_94 = arith.subf %mul3A_92, %sub3A_93 : vector<1024x16xf32>
    %slice3A_95 = vector.extract_strided_slice %broadcast_in_dim3A_40 {offsets = [0, 48], sizes = [1, 16], strides = [1, 1]} : vector<1x128xf32> to vector<1x16xf32>
    %sub3A_96 = vector.broadcast %slice3A_95 : vector<1x16xf32> to vector<1024x16xf32>
    %sub3A_97 = arith.subf %sub3A_94, %sub3A_96 : vector<1024x16xf32>
    %slice3A_98 = vector.extract_strided_slice %log3A {offsets = [3, 0], sizes = [1, 16], strides = [1, 1]} : vector<8x16xf32> to vector<1x16xf32>
    %add3A_99 = vector.broadcast %slice3A_98 : vector<1x16xf32> to vector<1024x16xf32>
    %add3A_100 = arith.addf %sub3A_97, %add3A_99 : vector<1024x16xf32>
    %slice3A_101 = vector.extract_strided_slice %dot_general3A_34 {offsets = [0, 64], sizes = [1024, 16], strides = [1, 1]} : vector<1024x128xf32> to vector<1024x16xf32>
    %mul3A_102 = arith.constant 2.000000e+00 : f32
    %mul3A_103 = vector.broadcast %mul3A_102 : f32 to vector<1024x16xf32>
    %mul3A_104 = arith.mulf %mul3A_103, %slice3A_101 : vector<1024x16xf32>
    %sub3A_105 = vector.broadcast %broadcast_in_dim3A : vector<1024x1xf32> to vector<1024x16xf32>
    %sub3A_106 = arith.subf %mul3A_104, %sub3A_105 : vector<1024x16xf32>
    %slice3A_107 = vector.extract_strided_slice %broadcast_in_dim3A_40 {offsets = [0, 64], sizes = [1, 16], strides = [1, 1]} : vector<1x128xf32> to vector<1x16xf32>
    %sub3A_108 = vector.broadcast %slice3A_107 : vector<1x16xf32> to vector<1024x16xf32>
    %sub3A_109 = arith.subf %sub3A_106, %sub3A_108 : vector<1024x16xf32>
    %slice3A_110 = vector.extract_strided_slice %log3A {offsets = [4, 0], sizes = [1, 16], strides = [1, 1]} : vector<8x16xf32> to vector<1x16xf32>
    %add3A_111 = vector.broadcast %slice3A_110 : vector<1x16xf32> to vector<1024x16xf32>
    %add3A_112 = arith.addf %sub3A_109, %add3A_111 : vector<1024x16xf32>
    %slice3A_113 = vector.extract_strided_slice %dot_general3A_34 {offsets = [0, 80], sizes = [1024, 16], strides = [1, 1]} : vector<1024x128xf32> to vector<1024x16xf32>
    %mul3A_114 = arith.constant 2.000000e+00 : f32
    %mul3A_115 = vector.broadcast %mul3A_114 : f32 to vector<1024x16xf32>
    %mul3A_116 = arith.mulf %mul3A_115, %slice3A_113 : vector<1024x16xf32>
    %sub3A_117 = vector.broadcast %broadcast_in_dim3A : vector<1024x1xf32> to vector<1024x16xf32>
    %sub3A_118 = arith.subf %mul3A_116, %sub3A_117 : vector<1024x16xf32>
    %slice3A_119 = vector.extract_strided_slice %broadcast_in_dim3A_40 {offsets = [0, 80], sizes = [1, 16], strides = [1, 1]} : vector<1x128xf32> to vector<1x16xf32>
    %sub3A_120 = vector.broadcast %slice3A_119 : vector<1x16xf32> to vector<1024x16xf32>
    %sub3A_121 = arith.subf %sub3A_118, %sub3A_120 : vector<1024x16xf32>
    %slice3A_122 = vector.extract_strided_slice %log3A {offsets = [5, 0], sizes = [1, 16], strides = [1, 1]} : vector<8x16xf32> to vector<1x16xf32>
    %add3A_123 = vector.broadcast %slice3A_122 : vector<1x16xf32> to vector<1024x16xf32>
    %add3A_124 = arith.addf %sub3A_121, %add3A_123 : vector<1024x16xf32>
    %slice3A_125 = vector.extract_strided_slice %dot_general3A_34 {offsets = [0, 96], sizes = [1024, 16], strides = [1, 1]} : vector<1024x128xf32> to vector<1024x16xf32>
    %mul3A_126 = arith.constant 2.000000e+00 : f32
    %mul3A_127 = vector.broadcast %mul3A_126 : f32 to vector<1024x16xf32>
    %mul3A_128 = arith.mulf %mul3A_127, %slice3A_125 : vector<1024x16xf32>
    %sub3A_129 = vector.broadcast %broadcast_in_dim3A : vector<1024x1xf32> to vector<1024x16xf32>
    %sub3A_130 = arith.subf %mul3A_128, %sub3A_129 : vector<1024x16xf32>
    %slice3A_131 = vector.extract_strided_slice %broadcast_in_dim3A_40 {offsets = [0, 96], sizes = [1, 16], strides = [1, 1]} : vector<1x128xf32> to vector<1x16xf32>
    %sub3A_132 = vector.broadcast %slice3A_131 : vector<1x16xf32> to vector<1024x16xf32>
    %sub3A_133 = arith.subf %sub3A_130, %sub3A_132 : vector<1024x16xf32>
    %slice3A_134 = vector.extract_strided_slice %log3A {offsets = [6, 0], sizes = [1, 16], strides = [1, 1]} : vector<8x16xf32> to vector<1x16xf32>
    %add3A_135 = vector.broadcast %slice3A_134 : vector<1x16xf32> to vector<1024x16xf32>
    %add3A_136 = arith.addf %sub3A_133, %add3A_135 : vector<1024x16xf32>
    %slice3A_137 = vector.extract_strided_slice %dot_general3A_34 {offsets = [0, 112], sizes = [1024, 16], strides = [1, 1]} : vector<1024x128xf32> to vector<1024x16xf32>
    %mul3A_138 = arith.constant 2.000000e+00 : f32
    %mul3A_139 = vector.broadcast %mul3A_138 : f32 to vector<1024x16xf32>
    %mul3A_140 = arith.mulf %mul3A_139, %slice3A_137 : vector<1024x16xf32>
    %sub3A_141 = vector.broadcast %broadcast_in_dim3A : vector<1024x1xf32> to vector<1024x16xf32>
    %sub3A_142 = arith.subf %mul3A_140, %sub3A_141 : vector<1024x16xf32>
    %slice3A_143 = vector.extract_strided_slice %broadcast_in_dim3A_40 {offsets = [0, 112], sizes = [1, 16], strides = [1, 1]} : vector<1x128xf32> to vector<1x16xf32>
    %sub3A_144 = vector.broadcast %slice3A_143 : vector<1x16xf32> to vector<1024x16xf32>
    %sub3A_145 = arith.subf %sub3A_142, %sub3A_144 : vector<1024x16xf32>
    %slice3A_146 = vector.extract_strided_slice %log3A {offsets = [7, 0], sizes = [1, 16], strides = [1, 1]} : vector<8x16xf32> to vector<1x16xf32>
    %add3A_147 = vector.broadcast %slice3A_146 : vector<1x16xf32> to vector<1024x16xf32>
    %add3A_148 = arith.addf %sub3A_145, %add3A_147 : vector<1024x16xf32>
    %max3A_149 = arith.maximumf %add3A_64, %add3A_76 : vector<1024x16xf32>
    %max3A_150 = arith.maximumf %max3A_149, %add3A_88 : vector<1024x16xf32>
    %max3A_151 = arith.maximumf %max3A_150, %add3A_100 : vector<1024x16xf32>
    %max3A_152 = arith.maximumf %max3A_151, %add3A_112 : vector<1024x16xf32>
    %max3A_153 = arith.maximumf %max3A_152, %add3A_124 : vector<1024x16xf32>
    %max3A_154 = arith.maximumf %max3A_153, %add3A_136 : vector<1024x16xf32>
    %max3A_155 = arith.maximumf %max3A_154, %add3A_148 : vector<1024x16xf32>
    %broadcast_in_dim3A_156 = arith.constant 0.000000e+00 : f32
    %broadcast_in_dim3A_157 = vector.broadcast %broadcast_in_dim3A_156 : f32 to vector<1024x16xf32>
    %sub3A_158 = arith.subf %add3A_64, %max3A_155 : vector<1024x16xf32>
    %exp3A_159 = math.exp %sub3A_158 : vector<1024x16xf32>
    %add3A_160 = arith.addf %broadcast_in_dim3A_157, %exp3A_159 : vector<1024x16xf32>
    %sub3A_161 = arith.subf %add3A_76, %max3A_155 : vector<1024x16xf32>
    %exp3A_162 = math.exp %sub3A_161 : vector<1024x16xf32>
    %add3A_163 = arith.addf %add3A_160, %exp3A_162 : vector<1024x16xf32>
    %sub3A_164 = arith.subf %add3A_88, %max3A_155 : vector<1024x16xf32>
    %exp3A_165 = math.exp %sub3A_164 : vector<1024x16xf32>
    %add3A_166 = arith.addf %add3A_163, %exp3A_165 : vector<1024x16xf32>
    %sub3A_167 = arith.subf %add3A_100, %max3A_155 : vector<1024x16xf32>
    %exp3A_168 = math.exp %sub3A_167 : vector<1024x16xf32>
    %add3A_169 = arith.addf %add3A_166, %exp3A_168 : vector<1024x16xf32>
    %sub3A_170 = arith.subf %add3A_112, %max3A_155 : vector<1024x16xf32>
    %exp3A_171 = math.exp %sub3A_170 : vector<1024x16xf32>
    %add3A_172 = arith.addf %add3A_169, %exp3A_171 : vector<1024x16xf32>
    %sub3A_173 = arith.subf %add3A_124, %max3A_155 : vector<1024x16xf32>
    %exp3A_174 = math.exp %sub3A_173 : vector<1024x16xf32>
    %add3A_175 = arith.addf %add3A_172, %exp3A_174 : vector<1024x16xf32>
    %sub3A_176 = arith.subf %add3A_136, %max3A_155 : vector<1024x16xf32>
    %exp3A_177 = math.exp %sub3A_176 : vector<1024x16xf32>
    %add3A_178 = arith.addf %add3A_175, %exp3A_177 : vector<1024x16xf32>
    %sub3A_179 = arith.subf %add3A_148, %max3A_155 : vector<1024x16xf32>
    %exp3A_180 = math.exp %sub3A_179 : vector<1024x16xf32>
    %add3A_181 = arith.addf %add3A_178, %exp3A_180 : vector<1024x16xf32>
    %log3A_182 = math.log %add3A_181 : vector<1024x16xf32>
    %add3A_183 = arith.addf %max3A_155, %log3A_182 : vector<1024x16xf32>
    %neg3A = arith.constant 0.000000e+00 : f32
    %neg3A_184 = vector.broadcast %neg3A : f32 to vector<1024x16xf32>
    %neg3A_185 = arith.subf %neg3A_184, %add3A_183 : vector<1024x16xf32>
    %get3A_186 = arith.constant 0 : index
    %get3A_187 = arith.constant 0 : index
    %get3A_188 = vector.load %arg11[%get3A_186, %get3A_187] : memref<64x16xf32, #tpu.memory_space<vmem>>, vector<64x16xf32>
    %logistic3A = arith.negf %get3A_188 : vector<64x16xf32>
    %logistic3A_189 = math.exp %logistic3A : vector<64x16xf32>
    %logistic3A_190 = arith.constant 1.000000e+00 : f32
    %logistic3A_191 = vector.broadcast %logistic3A_190 : f32 to vector<64x16xf32>
    %logistic3A_192 = arith.addf %logistic3A_191, %logistic3A_189 : vector<64x16xf32>
    %logistic3A_193 = arith.divf %logistic3A_191, %logistic3A_192 : vector<64x16xf32>
    %reduce_sum3A_194 = arith.constant dense<0.000000e+00> : vector<16xf32>
    %reduce_sum3A_195 = vector.multi_reduction <add>, %logistic3A_193, %reduce_sum3A_194 [0] : vector<64x16xf32> to vector<16xf32>
    %broadcast_in_dim3A_196 = vector.shape_cast %reduce_sum3A_195 : vector<16xf32> to vector<1x16xf32>
    %div3A_197 = arith.constant 6.400000e+01 : f32
    %div3A_198 = vector.broadcast %div3A_197 : f32 to vector<1x16xf32>
    %div3A_199 = arith.divf %broadcast_in_dim3A_196, %div3A_198 : vector<1x16xf32>
    %get3A_200 = arith.constant 0 : index
    %get3A_201 = arith.constant 0 : index
    %get3A_202 = vector.load %arg5[%get3A_200, %get3A_201] : memref<1024x1xf32, #tpu.memory_space<vmem>>, vector<1024x1xf32>
    %sub3A_203 = vector.broadcast %get3A_202 : vector<1024x1xf32> to vector<1024x16xf32>
    %sub3A_204 = vector.broadcast %div3A_199 : vector<1x16xf32> to vector<1024x16xf32>
    %sub3A_205 = arith.subf %sub3A_203, %sub3A_204 : vector<1024x16xf32>
    %integer_pow3A = arith.mulf %sub3A_205, %sub3A_205 : vector<1024x16xf32>
    %mul3A_206 = arith.constant 5.000000e-01 : f32
    %mul3A_207 = vector.broadcast %mul3A_206 : f32 to vector<1024x16xf32>
    %mul3A_208 = arith.mulf %mul3A_207, %neg3A_185 : vector<1024x16xf32>
    %mul3A_209 = arith.constant 5.000000e-01 : f32
    %mul3A_210 = vector.broadcast %mul3A_209 : f32 to vector<1024x16xf32>
    %mul3A_211 = arith.mulf %mul3A_210, %integer_pow3A : vector<1024x16xf32>
    %add3A_212 = arith.addf %mul3A_208, %mul3A_211 : vector<1024x16xf32>
    %concatenate3A_213 = tpu.concatenate %max3A_29, %add3A_212 in 1 : vector<1024x256xf32>, vector<1024x16xf32> -> vector<1024x272xf32>
    %swap3A = arith.constant 0 : index
    %swap3A_214 = arith.constant 0 : index
    %swap3A_215 = vector.load %arg13[%swap3A, %swap3A_214] : memref<1024x272xf32, #tpu.memory_space<vmem>>, vector<1024x272xf32>
    tpu.vector_store %arg13[%swap3A, %swap3A_214], %concatenate3A_213 {strides = array<i32>} : memref<1024x272xf32, #tpu.memory_space<vmem>>, vector<1024x272xf32>,
    %get3A_216 = arith.constant 0 : index
    %get3A_217 = arith.constant 0 : index
    %get3A_218 = vector.load %arg12[%get3A_216, %get3A_217] : memref<272x48xf32, #tpu.memory_space<vmem>>, vector<272x48xf32>
    %dot_general3A_219 = arith.constant dense<0.000000e+00> : vector<1024x48xf32>
    %dot_general3A_220 = tpu.matmul %concatenate3A_213, %get3A_218, %dot_general3A_219 {dimension_numbers = #tpu.dot_dimension_numbers<[1], [0], [0], [1], [0, 0, 1, 1], [], []>, transpose_lhs_hint = false} : vector<1024x272xf32>, vector<272x48xf32>, vector<1024x48xf32> -> vector<1024x48xf32>
    %mul3A_221 = vector.broadcast %get3A_1 : vector<1024x1xf32> to vector<1024x48xf32>
    %mul3A_222 = arith.mulf %mul3A_221, %dot_general3A_220 : vector<1024x48xf32>
    %swap3A_223 = arith.constant 0 : index
    %swap3A_224 = arith.constant 0 : index
    %swap3A_225 = vector.load %arg14[%swap3A_223, %swap3A_224] : memref<1024x48xf32, #tpu.memory_space<vmem>>, vector<1024x48xf32>
    tpu.vector_store %arg14[%swap3A_223, %swap3A_224], %mul3A_222 {strides = array<i32>} : memref<1024x48xf32, #tpu.memory_space<vmem>>, vector<1024x48xf32>,
    return
  }
  func.func @transform_0(%arg0: i32) -> (i32, i32) {
    %c0_i32 = arith.constant 0 : i32
    %c0_i32_0 = arith.constant 0 : i32
    return %arg0, %c0_i32 : i32, i32
  }
  func.func @transform_1(%arg0: i32) -> (i32, i32) {
    %add3A = arith.constant 10 : i32
    %add3A_0 = arith.addi %arg0, %add3A : i32
    %c0_i32 = arith.constant 0 : i32
    %c0_i32_1 = arith.constant 0 : i32
    return %add3A_0, %c0_i32 : i32, i32
  }
  func.func @transform_2(%arg0: i32) -> (i32, i32) {
    %c0_i32 = arith.constant 0 : i32
    %c0_i32_0 = arith.constant 0 : i32
    return %arg0, %c0_i32 : i32, i32
  }
  func.func @transform_3(%arg0: i32) -> (i32, i32) {
    %c0_i32 = arith.constant 0 : i32
    %c0_i32_0 = arith.constant 0 : i32
    return %arg0, %c0_i32 : i32, i32
  }
  func.func @transform_4(%arg0: i32) -> (i32, i32) {
    %c0_i32 = arith.constant 0 : i32
    %c0_i32_0 = arith.constant 0 : i32
    return %arg0, %c0_i32 : i32, i32
  }
  func.func @transform_5(%arg0: i32) -> (i32, i32) {
    %c0_i32 = arith.constant 0 : i32
    %c0_i32_0 = arith.constant 0 : i32
    %c0_i32_1 = arith.constant 0 : i32
    return %c0_i32, %c0_i32_0 : i32, i32
  }
  func.func @transform_6(%arg0: i32) -> (i32, i32) {
    %c0_i32 = arith.constant 0 : i32
    %c0_i32_0 = arith.constant 0 : i32
    %c0_i32_1 = arith.constant 0 : i32
    return %c0_i32, %c0_i32_0 : i32, i32
  }
  func.func @transform_7(%arg0: i32) -> (i32, i32) {
    %c0_i32 = arith.constant 0 : i32
    %c0_i32_0 = arith.constant 0 : i32
    %c0_i32_1 = arith.constant 0 : i32
    return %c0_i32, %c0_i32_0 : i32, i32
  }
  func.func @transform_8(%arg0: i32) -> (i32, i32) {
    %c0_i32 = arith.constant 0 : i32
    %c0_i32_0 = arith.constant 0 : i32
    %c0_i32_1 = arith.constant 0 : i32
    return %c0_i32, %c0_i32_0 : i32, i32
  }
  func.func @transform_9(%arg0: i32) -> (i32, i32) {
    %c0_i32 = arith.constant 0 : i32
    %c0_i32_0 = arith.constant 0 : i32
    %c0_i32_1 = arith.constant 0 : i32
    return %c0_i32, %c0_i32_0 : i32, i32
  }
  func.func @transform_10(%arg0: i32) -> (i32, i32) {
    %c0_i32 = arith.constant 0 : i32
    %c0_i32_0 = arith.constant 0 : i32
    %c0_i32_1 = arith.constant 0 : i32
    return %c0_i32, %c0_i32_0 : i32, i32
  }
  func.func @transform_11(%arg0: i32) -> (i32, i32) {
    %c0_i32 = arith.constant 0 : i32
    %c0_i32_0 = arith.constant 0 : i32
    %c0_i32_1 = arith.constant 0 : i32
    return %c0_i32, %c0_i32_0 : i32, i32
  }
  func.func @transform_12(%arg0: i32) -> (i32, i32) {
    %c0_i32 = arith.constant 0 : i32
    %c0_i32_0 = arith.constant 0 : i32
    return %arg0, %c0_i32 : i32, i32
  }
  func.func @transform_13(%arg0: i32) -> (i32, i32) {
    %c0_i32 = arith.constant 0 : i32
    %c0_i32_0 = arith.constant 0 : i32
    return %arg0, %c0_i32 : i32, i32
  }
}

module attributes {stable_mosaic.version = 14 : i64} {
  func.func @_tc_final_body(%arg0: i32, %arg1: memref<1024x48xf32, #tpu.memory_space<vmem>>, %arg2: memref<1024x48xf32, #tpu.memory_space<vmem>>, %arg3: memref<1024x48xf32, #tpu.memory_space<vmem>>, %arg4: memref<1024x1xf32, #tpu.memory_space<vmem>>, %arg5: memref<1x48xf32, #tpu.memory_space<vmem>>, %arg6: memref<1024x40xf32, #tpu.memory_space<vmem>>) attributes {dimension_semantics = [#tpu.dimension_semantics<arbitrary>], iteration_bounds = array<i64: 10>, scalar_prefetch = 0 : i64, scratch_operands = 0 : i64, tpu.core_type = #tpu.core_type<tc>, window_params = [{transform_indices = @transform_0, window_bounds = array<i64: 1024, 48>}, {transform_indices = @transform_1, window_bounds = array<i64: 1024, 48>}, {transform_indices = @transform_2, window_bounds = array<i64: 1024, 48>}, {transform_indices = @transform_3, window_bounds = array<i64: 1024, 1>}, {pipeline_mode = #tpu.pipeline_mode<synchronous>, transform_indices = @transform_4, window_bounds = array<i64: 1, 48>}, {transform_indices = @transform_5, window_bounds = array<i64: 1024, 40>}]} {
    %get3A = arith.constant 0 : index
    %get3A_0 = arith.constant 0 : index
    %get3A_1 = vector.load %arg4[%get3A, %get3A_0] : memref<1024x1xf32, #tpu.memory_space<vmem>>, vector<1024x1xf32>
    %get3A_2 = arith.constant 0 : index
    %get3A_3 = arith.constant 0 : index
    %get3A_4 = vector.load %arg1[%get3A_2, %get3A_3] : memref<1024x48xf32, #tpu.memory_space<vmem>>, vector<1024x48xf32>
    %get3A_5 = arith.constant 0 : index
    %get3A_6 = arith.constant 0 : index
    %get3A_7 = vector.load %arg2[%get3A_5, %get3A_6] : memref<1024x48xf32, #tpu.memory_space<vmem>>, vector<1024x48xf32>
    %add3A = arith.addf %get3A_4, %get3A_7 : vector<1024x48xf32>
    %get3A_8 = arith.constant 0 : index
    %get3A_9 = arith.constant 0 : index
    %get3A_10 = vector.load %arg3[%get3A_8, %get3A_9] : memref<1024x48xf32, #tpu.memory_space<vmem>>, vector<1024x48xf32>
    %add3A_11 = arith.addf %add3A, %get3A_10 : vector<1024x48xf32>
    %mul3A = vector.broadcast %get3A_1 : vector<1024x1xf32> to vector<1024x48xf32>
    %mul3A_12 = arith.mulf %mul3A, %add3A_11 : vector<1024x48xf32>
    %get3A_13 = arith.constant 0 : index
    %get3A_14 = arith.constant 0 : index
    %get3A_15 = vector.load %arg5[%get3A_13, %get3A_14] : memref<1x48xf32, #tpu.memory_space<vmem>>, vector<1x48xf32>
    %add3A_16 = vector.broadcast %get3A_15 : vector<1x48xf32> to vector<1024x48xf32>
    %add3A_17 = arith.addf %mul3A_12, %add3A_16 : vector<1024x48xf32>
    %slice3A = vector.extract_strided_slice %add3A_17 {offsets = [0, 0], sizes = [1024, 40], strides = [1, 1]} : vector<1024x48xf32> to vector<1024x40xf32>
    %swap3A = arith.constant 0 : index
    %swap3A_18 = arith.constant 0 : index
    %swap3A_19 = vector.load %arg6[%swap3A, %swap3A_18] : memref<1024x40xf32, #tpu.memory_space<vmem>>, vector<1024x40xf32>
    tpu.vector_store %arg6[%swap3A, %swap3A_18], %slice3A {strides = array<i32>} : memref<1024x40xf32, #tpu.memory_space<vmem>>, vector<1024x40xf32>,
    return
  }
  func.func @transform_0(%arg0: i32) -> (i32, i32) {
    %c0_i32 = arith.constant 0 : i32
    %c0_i32_0 = arith.constant 0 : i32
    return %arg0, %c0_i32 : i32, i32
  }
  func.func @transform_1(%arg0: i32) -> (i32, i32) {
    %add3A = arith.constant 10 : i32
    %add3A_0 = arith.addi %arg0, %add3A : i32
    %c0_i32 = arith.constant 0 : i32
    %c0_i32_1 = arith.constant 0 : i32
    return %add3A_0, %c0_i32 : i32, i32
  }
  func.func @transform_2(%arg0: i32) -> (i32, i32) {
    %c0_i32 = arith.constant 0 : i32
    %c0_i32_0 = arith.constant 0 : i32
    return %arg0, %c0_i32 : i32, i32
  }
  func.func @transform_3(%arg0: i32) -> (i32, i32) {
    %c0_i32 = arith.constant 0 : i32
    %c0_i32_0 = arith.constant 0 : i32
    return %arg0, %c0_i32 : i32, i32
  }
  func.func @transform_4(%arg0: i32) -> (i32, i32) {
    %c0_i32 = arith.constant 0 : i32
    %c0_i32_0 = arith.constant 0 : i32
    %c0_i32_1 = arith.constant 0 : i32
    return %c0_i32, %c0_i32_0 : i32, i32
  }
  func.func @transform_5(%arg0: i32) -> (i32, i32) {
    %c0_i32 = arith.constant 0 : i32
    %c0_i32_0 = arith.constant 0 : i32
    return %arg0, %c0_i32 : i32, i32
  }
}

</mosaic_0001>

<sc_bundles>
// kernel: kernel.11.cloned.1.call-start
scs
__scs_entry_jumppad:
0x0: {  	(pc) =	sbr.rel $0x88, $3  }
0x1: {  	(tag) =	ssettag $0x0;
	lr =	simm.s32 $0x1  }
0x2: {  	[smem:$0x3F97] =	sst lr;
	_ =	strace $0xD0000000  }
0x3: {  	_ = 	snop  }
0x4: {  	_ = 	snop  }
0x5: {  	_ = 	snop  }
0x6: {  	_ = 	snop  }
0x7: {  	_ = 	snop  }
__scs_overlays_trampoline_lowered:
0x8: {  	[smem:$0x3FA6] =	sst s0  }
0x9: {  	[smem:$0x3FA7] =	sst s1  }
0xa: {  	[smem:$0x3FA8] =	sst s2  }
0xb: {  	[smem:$0x3FA9] =	sst s3  }
0xc: {  	[smem:$0x3FAA] =	sst s4  }
0xd: {  	[smem:$0x3FAB] =	sst s5  }
0xe: {  	[smem:$0x3FAC] =	sst s6  }
0xf: {  	[smem:$0x3FAD] =	sst s7  }
0x10: {  	[smem:$0x3FAE] =	sst s8  }
0x11: {  	[smem:$0x3FAF] =	sst s9;
	s0 =	simm.s32 @!p0 $0x0  }
0x12: {  	s1 =	sld [smem:$0x3F95];
	s0 =	simm.s32 @p0 $0x1  }
0x13: {  	[smem:$0x3FB0] =	sst s0;
	s0 =	simm.s32 @!p1 $0x0  }
0x14: {  	s2 =	sld [smem:$0x3F94];
	s0 =	simm.s32 @p1 $0x1  }
0x15: {  	[smem:$0x3FB1] =	sst s0;
	s0 =	simm.s32 @!p2 $0x0  }
0x16: {  	s3 =	sld [smem:$0x3FDB];
	s0 =	simm.s32 @p2 $0x1  }
0x17: {  	s4 =	simm.s32 $0x1BF5;
	[smem:$0x3FB3] =	sst s0  }
0x18: {  	s0 =	sld [smem:$0x3F96];
	_ =	swait.ge [sflag:s4], $0x0  }
0x19: {  	s7 =	sld [smem:$0x3F97]  }
0x1a: {  	s8 =	sadd.s32 $0xFFFFE003, lr  }
0x1b: {  	s9 =	sadd.s32 $0xFFFFFEF7, lr;
	s5 =	simm.s32 $0xFFFFFFFF;
	p2 =	slt.u32 s8, $0xFFFFF086  }
0x1c: {  	p1 =	slt.u32 s9, $0xF7A;
	s5 =	simm.s32 @!p2 $0x0  }
0x1d: {  	s5 =	simm.s32 @p1 $0x1;
	p0 =	seq.s32 s7, s2  }
0x1e: {  	s7 =	smul.u32 @!p0 $0xF7A, s2;
	p2 =	seq.s32 @!p0 s5, $0x0  }
0x1f: {  	s9 =	smul.u32 $0xF7A, s1;
	s8 =	simm.s32 @!p0 $0x1BF5;
	p2 =	por !p2, p0  }
0x20: {  	[sflag:s8] =	ssyncset.s32 @!p0 $0xFFFFF086;
	s6 =	sadd.s32 @!p0 s3, s7;
	s7 =	simm.s32 @!p0 $0x108  }
0x21: {  	s3 =	sadd.s32 s3, s9;
	s6 =	sadd.s32 @!p0 $0x88, s6;
	s7 =	simm.s32 @p2 $0x1082  }
0x22: {  	[simem:s7], [sflag:s8] =	dma.local @!p0 [hbm:s6], $0xF7A  }
0x23: {  	s9 =	sor.u32 $0xD0000000, s2;
	s6 =	simm.s32 $0x108;
	_ =	swait.ge @!p0 [sflag:s8], $0x0  }
0x24: {  	s3 =	sadd.s32 $0x88, s3;
	s6 =	simm.s32 @!p1 $0x1082;
	[sflag:s4] =	ssyncset.s32 $0xFFFFF086  }
0x25: {  	[simem:s6], [sflag:s4] =	dma.local [hbm:s3], $0xF7A  }
0x26: {  	[smem:$0x3F97] =	sst s1;
	(tag) =	ssettag s2;
	_ =	strace s9  }
0x27: {  	s1 =	sld [smem:$0x3FA7]  }
0x28: {  	s2 =	sld [smem:$0x3FA8]  }
0x29: {  	s4 =	sld [smem:$0x3FAA]  }
0x2a: {  	p0 =	seq.s32 s5, $0x0;
	s5 =	sld [smem:$0x3FAB]  }
0x2b: {  	s6 =	sld [smem:$0x3FAC]  }
0x2c: {  	s7 =	sld [smem:$0x3FAD]  }
0x2d: {  	s3 =	simm.s32 $0x108;
	s8 =	sld [smem:$0x3FAE]  }
0x2e: {  	s3 =	simm.s32 @!p0 $0x1082;
	s9 =	sld [smem:$0x3FAF]  }
0x2f: {  	lr =	sadd.s32 s0, s3;
	s0 =	sld [smem:$0x3FA6]  }
0x30: {  	s3 =	sld [smem:$0x3FA9]  }
0x31: {  	[smem:$0x3FB2] =	sst s10  }
0x32: {  	s10 =	sld [smem:$0x3FB0];
	_ =	sdelay $0x3  }
0x33: {  	p0 =	seq.s32 s10, $0x1;
	s10 =	sld [smem:$0x3FB2];
	_ =	sdelay $0x3  }
0x34: {  	[smem:$0x3FB2] =	sst s10  }
0x35: {  	s10 =	sld [smem:$0x3FB1];
	_ =	sdelay $0x3  }
0x36: {  	p1 =	seq.s32 s10, $0x1;
	s10 =	sld [smem:$0x3FB2];
	_ =	sdelay $0x3  }
0x37: {  	[smem:$0x3FB2] =	sst s10  }
0x38: {  	s10 =	sld [smem:$0x3FB3]  }
0x39: {  	_ = 	snop;
	(pc) =	sbr.ind lr, $3  }
0x3a: {  	_ = 	snop  }
0x3b: {  	_ = 	snop  }
0x3c: {  	p2 =	seq.s32 s10, $0x1;
	s10 =	sld [smem:$0x3FB2]  }
0x3d: {  	_ =	shalt  }
0x3e: {  	_ =	shalt  }
0x3f: {  	_ =	shalt  }
0x40: {  	_ =	shalt  }
0x41: {  	_ =	shalt  }
0x42: {  	_ =	shalt  }
0x43: {  	_ =	shalt  }
0x44: {  	_ =	shalt  }
0x45: {  	_ =	shalt  }
0x46: {  	_ =	shalt  }
0x47: {  	_ =	shalt  }
0x48: {  	_ =	shalt  }
0x49: {  	_ =	shalt  }
0x4a: {  	_ =	shalt  }
0x4b: {  	_ =	shalt  }
0x4c: {  	_ =	shalt  }
0x4d: {  	_ =	shalt  }
0x4e: {  	_ =	shalt  }
0x4f: {  	_ =	shalt  }
0x50: {  	_ =	shalt  }
0x51: {  	_ =	shalt  }
0x52: {  	_ =	shalt  }
0x53: {  	_ =	shalt  }
0x54: {  	_ =	shalt  }
0x55: {  	_ =	shalt  }
0x56: {  	_ =	shalt  }
0x57: {  	_ =	shalt  }
0x58: {  	_ =	shalt  }
0x59: {  	_ =	shalt  }
0x5a: {  	_ =	shalt  }
0x5b: {  	_ =	shalt  }
0x5c: {  	_ =	shalt  }
0x5d: {  	_ =	shalt  }
0x5e: {  	_ =	shalt  }
0x5f: {  	_ =	shalt  }
0x60: {  	_ =	shalt  }
0x61: {  	_ =	shalt  }
0x62: {  	_ =	shalt  }
0x63: {  	_ =	shalt  }
0x64: {  	_ =	shalt  }
0x65: {  	_ =	shalt  }
0x66: {  	_ =	shalt  }
0x67: {  	_ =	shalt  }
0x68: {  	_ =	shalt  }
0x69: {  	_ =	shalt  }
0x6a: {  	_ =	shalt  }
0x6b: {  	_ =	shalt  }
0x6c: {  	_ =	shalt  }
0x6d: {  	_ =	shalt  }
0x6e: {  	_ =	shalt  }
0x6f: {  	_ =	shalt  }
0x70: {  	_ =	shalt  }
0x71: {  	_ =	shalt  }
0x72: {  	_ =	shalt  }
0x73: {  	_ =	shalt  }
0x74: {  	_ =	shalt  }
0x75: {  	_ =	shalt  }
0x76: {  	_ =	shalt  }
0x77: {  	_ =	shalt  }
0x78: {  	_ =	shalt  }
0x79: {  	_ =	shalt  }
0x7a: {  	_ =	shalt  }
0x7b: {  	_ =	shalt  }
0x7c: {  	_ =	shalt  }
0x7d: {  	_ =	shalt  }
0x7e: {  	_ =	shalt  }
0x7f: {  	_ =	shalt  }
0x80: {  	_ =	shalt  }
0x81: {  	_ =	shalt  }
0x82: {  	_ =	shalt  }
0x83: {  	_ =	shalt  }
0x84: {  	_ =	shalt  }
0x85: {  	_ =	shalt  }
0x86: {  	_ =	shalt  }
0x87: {  	_ =	shalt  }
.Lfunc_end0:
.L_simem_size_0:
called_computation.1_lowered:
.L_overlay_start_0:
0x88: {  	s2 =	sld [smem:$0x3FD9]  }
0x89: {  	s3 =	sld [smem:$0x3FFE];
	_ =	sdelay $0x1  }
0x8a: {  	s1 =	srdreg.scid  }
0x8b: {  	s0 =	sand.u32 $0x1, s1  }
0x8c: {  	s14 =	sshll.u32 s0, $0xA;
	s2 =	sadd.s32 s3, s2  }
0x8d: {  	s2 =	sadd.s32 s2, s14  }
0x8e: {  	[smem:$0x3FBE] =	sst s2  }
0x8f: {  	_ = 	snop  }
0x90: {  	s2 =	sld [smem:$0x3FD0];
	_ =	sdelay $0x2  }
0x91: {  	s15 =	simm.s32 $0xA;
	s4 =	simm.s32 $0x10  }
0x92: {  	[smem:s4], [sflag:s15] =	dma.local [hbm:s2], $0x1  }
0x93: {  	_ =	swait.eq [sflag:s15], $0x1  }
0x94: {  	[sflag:s15] =	ssyncset.done $0x0  }
0x95: {  	[sflag:s15] =	ssyncadd.s32 $0xFFFFFFFF  }
0x96: {  	s16 =	sld [smem:$0x11];
	(tm) =	ssettm $0x1  }
0x97: {  	s17 =	sld [smem:$0x3FFB];
	_ =	sdelay $0x3  }
0x98: {  	_ =	strace s17  }
0x99: {  	s3 =	sld [smem:$0x3FFC];
	_ =	sdelay $0x3  }
0x9a: {  	_ =	strace s3  }
0x9b: {  	s3 =	sld [smem:$0x3FFD];
	_ =	sdelay $0x3  }
0x9c: {  	_ =	strace s3  }
0x9d: {  	_ =	strace $0x8FFFFFFF  }
0x9e: {  	s18 =	sld [smem:$0x3FDB];
	_ =	sdelay $0x1  }
0x9f: {  	s19 =	simm.s32 $_scs_section_size  }
0xa0: {  	s5 =	simm.s32 $_size__tile_overlayer_lowered;
	s6 =	simm.s32 $_tile_overlayer_lowered  }
0xa1: {  	s22 =	simm.s32 $0x1BFF;
	s21 =	sshll.u32 s6, $0x1;
	s3 =	sadd.s32 s19, s18  }
0xa2: {  	s7 =	simm.s32 $0x0;
	s20 =	sshll.u32 s5, $0x1;
	s5 =	sadd.s32 s21, s3  }
0xa3: {  	[timem:s7], [sflag:s22] =	dma.local [hbm:s5], s20  }
0xa4: {  	_ =	swait.ge [sflag:s22], s20  }
0xa5: {  	s4 =	ssub.s32 $0x0, s20;
	[sflag:s22] =	ssyncset.done $0x0  }
0xa6: {  	[sflag:s22] =	ssyncadd.s32 s4;
	_ =	sdelay $0x1  }
0xa7: {  	s23 =	simm.s32 $0x1B8B  }
0xa8: {  	_ =	swait.ge [sflag:s23], $0x1  }
0xa9: {  	[sflag:s23] =	ssyncset.done $0x0  }
0xaa: {  	s25 =	simm.s32 $0x1B8E;
	s24 =	sld [smem:$0x3FFE];
	[sflag:s23] =	ssyncadd.s32 $0xFFFFFFFF  }
0xab: {  	s26 =	simm.s32 $execute0_lowered;
	[smem:$0x3FD2] =	sst s25  }
0xac: {  	s5 =	sshll.u32 s26, $0x1;
	_ =	strace $0x80000049;
	[dreg:$0x1] =	wrdreg $0xFFFFFFFF  }
0xad: {  	s28 =	simm.s32 $_size_execute0_lowered;
	s3 =	sadd.s32 s3, s5;
	[dreg:$0x0] =	wrdreg $0x0  }
0xae: {  	s5 =	sshll.u32 s28, $0x1;
	[dreg:$0x2] =	wrdreg s3  }
0xaf: {  	[dreg:$0x3] =	wrdreg s5  }
0xb0: {  	[dreg:$0x4] =	wrdreg $0xC0  }
0xb1: {  	_ =	task [dreg:s7], $0x5FFFF  }
0xb2: {  	[dreg:$0x1] =	wrdreg $0xFFFFFFFF  }
0xb3: {  	[dreg:$0x0] =	wrdreg $0x60  }
0xb4: {  	[dreg:$0x2] =	wrdreg s16  }
0xb5: {  	[dreg:$0x3] =	wrdreg s24  }
0xb6: {  	[dreg:$0x4] =	wrdreg $0x152200  }
0xb7: {  	[dreg:$0x5] =	wrdreg $0xB2200  }
0xb8: {  	[dreg:$0x6] =	wrdreg $0x9  }
0xb9: {  	_ =	task.clear_ibuf [dreg:s7], $0x7FFFF;
	_ =	strace $0x90000049  }
0xba: {  	s29 =	simm.s32 $0x9;
	_ =	strace $0x8000004B  }
0xbb: {  	_ =	swait.ge [sflag:s29], $0x1  }
0xbc: {  	[sflag:s29] =	ssyncadd.s32 $0xFFFFFFFF  }
0xbd: {  	_ =	strace $0x9000004B  }
0xbe: {  	_ =	sfence  }
0xbf: {  	s30 =	sld [smem:$0x0];
	_ =	sdelay $0x2  }
0xc0: {  	s31 =	sshll.u32 s1, $0xD;
	s1 =	sshrl.u32 s1, $0x2  }
0xc1: {  	s3 =	sand.u32 $0x4000, s31;
	s1 =	sadd.s32 s1, s30  }
0xc2: {  	s0 =	sor.u32 s3, s0;
	s1 =	sshll.u32 s1, $0x11  }
0xc3: {  	s0 =	sor.u32 s1, s0  }
0xc4: {  	s0 =	sadd.s32 $0x8F2B, s0  }
0xc5: {  	[sflag:s0] =	ssyncadd.remote.s32 $0x1  }
0xc6: {  	_ =	sfence.sel $0xFFFF  }
0xc7: {  	[dreg:$0x0] =	wrdreg $0xFFFFFFFF;
	(pc) =	sbr.abs _section_cstart, $3  }
0xc8: {  	[dreg:$0x1] =	wrdreg $0xFFFFFFFF  }
0xc9: {  	_ =	task.clear_ibuf [dreg:s7], $0x2FFFF;
	_ =	strace $0x9FFFFFFF  }
0xca: {  	(tm) =	ssettm $0x7FFFFFFF  }
0xcb: {  	_ =	shalt  }
tec
execute0_lowered:
.L_overlay_start_1:
0x0: {  	(tag) =	ssettag $0x1  }
0x1: {  	s0 =	rddreg [dreg:$0x0]  }
0x2: {  	s3 =	rddreg [dreg:$0x1];
	s13 =	stileid.u32  }
0x3: {  	s1 =	rddreg [dreg:$0x2];
	s8 =	smul.u32 $0x1400, s13  }
0x4: {  	s2 =	rddreg [dreg:$0x3];
	s12 =	smul.u32 $0xA000, s13  }
0x5: {  	s4 =	simm.s32 $0x0;
	s5 =	srdreg.scid;
	s25 =	smul.u32 $0x4E20, s13  }
0x6: {  	[smem:$0x7FF] =	sst s4;
	s26 =	smul.u32 $0x9C4, s13  }
0x7: {  	s5 =	sand.u32 $0x1, s5;
	s7 =	sadd.s32 $0x3F400, s3;
	s13 =	smul.u32 $0x28000, s13  }
0x8: {  	s9 =	sadd.s32 $0x3800, s3;
	s10 =	sadd.s32 $0xD600, s3;
	s6 =	smul.u32 $0x14000, s5  }
0x9: {  	_ =	strace $0x8000004A;
	s11 =	ssub.s32 $0x2, s5;
	p0 =	seq.s32 s5, $0x1  }
0xa: {  	s23 =	sshrl.u32 s11, $0x1;
	s5 =	sadd.s32 s12, s2;
	s12 =	sshrl.u32 s12, $0x3  }
0xb: {  	s14 =	sadd.s32 s9, s26;
	s0 =	smov.u32 @p0 s7;
	s6 =	sadd.s32 s8, s6  }
0xc: {  	s24 =	ssub.s32 s11, s23;
	[dreg:$0x5] =	wrdreg s14;
	s11 =	sadd.s32 s10, s26  }
0xd: {  	s8 =	sshrl.u32 s25, $0x3;
	s0 =	sadd.s32 s0, s12;
	[dreg:$0x6] =	wrdreg s11  }
0xe: {  	s26 =	sshrl.u32 s5, $0x3;
	s8 =	sadd.s32 $0x4E2, s8;
	[dreg:$0x16] =	wrdreg s0  }
0xf: {  	s11 =	sshrl.u32 s13, $0x2;
	s13 =	smax.u32 s24, $0x1;
	[dreg:$0x18] =	wrdreg s26  }
0x10: {  	s9 =	sadd.s32 s9, s8;
	[dreg:$0xa] =	wrdreg s13  }
0x11: {  	s3 =	sadd.s32 s6, s3;
	s8 =	sadd.s32 s10, s8;
	[dreg:$0x7] =	wrdreg s9  }
0x12: {  	s3 =	sadd.s32 $0x53400, s3;
	s10 =	sadd.s32 s11, s1;
	[dreg:$0x8] =	wrdreg s8  }
0x13: {  	s30 =	simm.s32 $0x4E20;
	[dreg:$0x9] =	wrdreg s3;
	s14 =	sadd.s32 $0xA00, s10  }
0x14: {  	s31 =	simm.s32 $0x6;
	s15 =	sadd.s32 $0x1400, s10;
	[dreg:$0xb] =	wrdreg s14  }
0x15: {  	s7 =	simm.s32 $0x7620;
	s16 =	sadd.s32 $0x1E00, s10;
	[dreg:$0xc] =	wrdreg s15  }
0x16: {  	s5 =	simm.s32 $0x6220;
	s17 =	sadd.s32 $0x2800, s10;
	[dreg:$0xd] =	wrdreg s16  }
0x17: {  	s12 =	simm.s32 $0x9E20;
	s18 =	sadd.s32 $0x3200, s10;
	[dreg:$0xe] =	wrdreg s17  }
0x18: {  	s6 =	simm.s32 $0xA0;
	s19 =	sadd.s32 $0x3C00, s10;
	[dreg:$0xf] =	wrdreg s18  }
0x19: {  	s11 =	simm.s32 $0x140;
	s20 =	sadd.s32 $0x4600, s10;
	[dreg:$0x10] =	wrdreg s19  }
0x1a: {  	s13 =	simm.s32 $0x1;
	s21 =	sadd.s32 $0x5000, s10;
	[dreg:$0x11] =	wrdreg s20  }
0x1b: {  	s22 =	sadd.s32 $0x5A00, s10;
	s23 =	sadd.s32 $0x6400, s10;
	[dreg:$0x12] =	wrdreg s21  }
0x1c: {  	s24 =	sadd.s32 $0x6E00, s10;
	s25 =	sadd.s32 $0x7800, s10;
	[dreg:$0x13] =	wrdreg s22  }
0x1d: {  	s26 =	sadd.s32 $0x8200, s10;
	s28 =	sadd.s32 $0x8C00, s10;
	[dreg:$0x14] =	wrdreg s23  }
0x1e: {  	s29 =	sadd.s32 $0x9600, s10;
	s3 =	simm.s32 $0x50;
	[dreg:$0x15] =	wrdreg s24  }
0x1f: {  	s8 =	simm.s32 $0xF0;
	s9 =	simm.s32 $0x8A20;
	[dreg:$0x17] =	wrdreg s25  }
0x20: {  	s14 =	simm.s32 $0x2;
	s15 =	simm.s32 $0x3;
	s16 =	simm.s32 $0x4  }
0x21: {  	s17 =	simm.s32 $0x5;
	s18 =	simm.s32 $0x4C90;
	s19 =	simm.s32 $0x4CE0  }
0x22: {  	v0 =	vimm.f32 $0.0e+00;
	s20 =	simm.s32 $0x4D30;
	s21 =	simm.s32 $0x4D80;
	s22 =	simm.s32 $0x4DD0  }
.LBB2_1:
0x23: {  	s23 =	simm.s32 $0x100;
	s0 =	simm.s32 $0x0  }
.LBB2_2:
0x24: {  	p0 =	sne.s32 s23, $0x4F00;
	[tilespmem:s0+$0x4E50] =	vst v0;
	s24 =	smov.u32 s23;
	s23 =	sadd.s32 $0x100, s23  }
.Ltmp0:
0x25: {  	[tilespmem:s0+$0x4E40] =	vst v0;
	(pc) =	sbr.rel @p0 .LBB2_2-.Ltmp0, $3  }
0x26: {  	[tilespmem:s0+$0x4E20] =	vst v0  }
0x27: {  	[tilespmem:s0+$0x4E30] =	vst v0;
	_ =	sdelay $0x1  }
0x28: {  	s0 =	sshra.s32 s24, $0x2  }
0x29: {  	[tilespmem:s0+$0x4E50] =	vst v0  }
0x2a: {  	[tilespmem:s0+$0x4E40] =	vst v0  }
0x2b: {  	[tilespmem:s0+$0x4E20] =	vst v0  }
0x2c: {  	[tilespmem:s0+$0x4E30] =	vst v0  }
0x2d: {  	[spmem:s10] =	stream.linear.scatter [tilespmem:s30], [sflag:$0x6], $0xA00, $0x38;
	[tilespmem:$0x1F220] =	vst v63  }
0x2e: {  	_ =	swait.ge [sflag:s31], $0xA00  }
0x2f: {  	[sflag:s31] =	ssyncset.done $0x0  }
0x30: {  	s24 =	rddreg [dreg:$0xb];
	[sflag:s31] =	ssyncadd.s32 $0xFFFFF600  }
0x31: {  	[spmem:s24] =	stream.linear.scatter [tilespmem:s30], [sflag:$0x6], $0xA00, $0x38;
	[tilespmem:$0x1F220] =	vst v63  }
0x32: {  	_ =	swait.ge [sflag:s31], $0xA00  }
0x33: {  	[sflag:s31] =	ssyncset.done $0x0  }
0x34: {  	s25 =	rddreg [dreg:$0xc];
	[sflag:s31] =	ssyncadd.s32 $0xFFFFF600  }
0x35: {  	[spmem:s25] =	stream.linear.scatter [tilespmem:s30], [sflag:$0x6], $0xA00, $0x38;
	[tilespmem:$0x1F220] =	vst v63  }
0x36: {  	_ =	swait.ge [sflag:s31], $0xA00  }
0x37: {  	[sflag:s31] =	ssyncset.done $0x0  }
0x38: {  	s23 =	rddreg [dreg:$0xd];
	[sflag:s31] =	ssyncadd.s32 $0xFFFFF600  }
0x39: {  	[spmem:s23] =	stream.linear.scatter [tilespmem:s30], [sflag:$0x6], $0xA00, $0x38;
	[tilespmem:$0x1F220] =	vst v63  }
0x3a: {  	_ =	swait.ge [sflag:s31], $0xA00  }
0x3b: {  	[sflag:s31] =	ssyncset.done $0x0  }
0x3c: {  	s24 =	rddreg [dreg:$0xe];
	[sflag:s31] =	ssyncadd.s32 $0xFFFFF600  }
0x3d: {  	[spmem:s24] =	stream.linear.scatter [tilespmem:s30], [sflag:$0x6], $0xA00, $0x38;
	[tilespmem:$0x1F220] =	vst v63  }
0x3e: {  	_ =	swait.ge [sflag:s31], $0xA00  }
0x3f: {  	[sflag:s31] =	ssyncset.done $0x0  }
0x40: {  	s25 =	rddreg [dreg:$0xf];
	[sflag:s31] =	ssyncadd.s32 $0xFFFFF600  }
0x41: {  	[spmem:s25] =	stream.linear.scatter [tilespmem:s30], [sflag:$0x6], $0xA00, $0x38;
	[tilespmem:$0x1F220] =	vst v63  }
0x42: {  	_ =	swait.ge [sflag:s31], $0xA00  }
0x43: {  	[sflag:s31] =	ssyncset.done $0x0  }
0x44: {  	s23 =	rddreg [dreg:$0x10];
	[sflag:s31] =	ssyncadd.s32 $0xFFFFF600  }
0x45: {  	[spmem:s23] =	stream.linear.scatter [tilespmem:s30], [sflag:$0x6], $0xA00, $0x38;
	[tilespmem:$0x1F220] =	vst v63  }
0x46: {  	_ =	swait.ge [sflag:s31], $0xA00  }
0x47: {  	[sflag:s31] =	ssyncset.done $0x0  }
0x48: {  	s24 =	rddreg [dreg:$0x11];
	[sflag:s31] =	ssyncadd.s32 $0xFFFFF600  }
0x49: {  	[spmem:s24] =	stream.linear.scatter [tilespmem:s30], [sflag:$0x6], $0xA00, $0x38;
	[tilespmem:$0x1F220] =	vst v63  }
0x4a: {  	_ =	swait.ge [sflag:s31], $0xA00  }
0x4b: {  	[sflag:s31] =	ssyncset.done $0x0  }
0x4c: {  	s25 =	rddreg [dreg:$0x12];
	[sflag:s31] =	ssyncadd.s32 $0xFFFFF600  }
0x4d: {  	[spmem:s25] =	stream.linear.scatter [tilespmem:s30], [sflag:$0x6], $0xA00, $0x38;
	[tilespmem:$0x1F220] =	vst v63  }
0x4e: {  	_ =	swait.ge [sflag:s31], $0xA00  }
0x4f: {  	[sflag:s31] =	ssyncset.done $0x0  }
0x50: {  	s23 =	rddreg [dreg:$0x13];
	[sflag:s31] =	ssyncadd.s32 $0xFFFFF600  }
0x51: {  	[spmem:s23] =	stream.linear.scatter [tilespmem:s30], [sflag:$0x6], $0xA00, $0x38;
	[tilespmem:$0x1F220] =	vst v63  }
0x52: {  	_ =	swait.ge [sflag:s31], $0xA00  }
0x53: {  	[sflag:s31] =	ssyncset.done $0x0  }
0x54: {  	s24 =	rddreg [dreg:$0x14];
	[sflag:s31] =	ssyncadd.s32 $0xFFFFF600  }
0x55: {  	[spmem:s24] =	stream.linear.scatter [tilespmem:s30], [sflag:$0x6], $0xA00, $0x38;
	[tilespmem:$0x1F220] =	vst v63  }
0x56: {  	_ =	swait.ge [sflag:s31], $0xA00  }
0x57: {  	[sflag:s31] =	ssyncset.done $0x0  }
0x58: {  	s25 =	rddreg [dreg:$0x15];
	[sflag:s31] =	ssyncadd.s32 $0xFFFFF600  }
0x59: {  	[spmem:s25] =	stream.linear.scatter [tilespmem:s30], [sflag:$0x6], $0xA00, $0x38;
	[tilespmem:$0x1F220] =	vst v63  }
0x5a: {  	_ =	swait.ge [sflag:s31], $0xA00  }
0x5b: {  	[sflag:s31] =	ssyncset.done $0x0  }
0x5c: {  	s23 =	rddreg [dreg:$0x17];
	[sflag:s31] =	ssyncadd.s32 $0xFFFFF600  }
0x5d: {  	[spmem:s23] =	stream.linear.scatter [tilespmem:s30], [sflag:$0x6], $0xA00, $0x38;
	[tilespmem:$0x1F220] =	vst v63  }
0x5e: {  	_ =	swait.ge [sflag:s31], $0xA00  }
0x5f: {  	[sflag:s31] =	ssyncset.done $0x0  }
0x60: {  	[sflag:s31] =	ssyncadd.s32 $0xFFFFF600  }
0x61: {  	[spmem:s26] =	stream.linear.scatter [tilespmem:s30], [sflag:$0x6], $0xA00, $0x38;
	[tilespmem:$0x1F220] =	vst v63  }
0x62: {  	_ =	swait.ge [sflag:s31], $0xA00  }
0x63: {  	[sflag:s31] =	ssyncset.done $0x0  }
0x64: {  	[sflag:s31] =	ssyncadd.s32 $0xFFFFF600  }
0x65: {  	[spmem:s28] =	stream.linear.scatter [tilespmem:s30], [sflag:$0x6], $0xA00, $0x38;
	[tilespmem:$0x1F220] =	vst v63  }
0x66: {  	_ =	swait.ge [sflag:s31], $0xA00  }
0x67: {  	[sflag:s31] =	ssyncset.done $0x0  }
0x68: {  	[sflag:s31] =	ssyncadd.s32 $0xFFFFF600  }
0x69: {  	[spmem:s29] =	stream.linear.scatter [tilespmem:s30], [sflag:$0x6], $0xA00, $0x38;
	[tilespmem:$0x1F220] =	vst v63  }
0x6a: {  	s24 =	stileid.u32;
	_ =	swait.ge [sflag:s31], $0xA00  }
0x6b: {  	s0 =	sshll.u32 s24, $0x6;
	[sflag:s31] =	ssyncset.done $0x0;
	s23 =	rddreg [dreg:$0x16]  }
0x6c: {  	s0 =	sor.u32 $0x1C06, s0;
	s24 =	rddreg [dreg:$0x18];
	[sflag:s31] =	ssyncadd.s32 $0xFFFFF600  }
0x6d: {  	[spmem:s24], [sflag:s0] =	dma.local [hbm:s23], $0x1400  }
0x6e: {  	_ =	swait.ge [sflag:s31], $0x1400  }
0x6f: {  	[sflag:s31] =	ssyncset.done $0x0  }
0x70: {  	[sflag:s31] =	ssyncadd.s32 $0xFFFFEC00  }
0x71: {  	[bflag:$0x0] =	sbarrier.arrive $0xFFFF  }
0x72: {  	s23 =	simm.s32 $0x0;
	s25 =	rddreg [dreg:$0x5]  }
0x73: {  	[tilespmem:s23], [sflag:$0x6] =	stream.linear.gather [hbm4b:s25+s23], $0x2710, $0x38;
	[tilespmem:$0x1F220] =	vst v63  }
0x74: {  	_ =	swait.ge [sflag:s31], $0x2710  }
0x75: {  	[sflag:s31] =	ssyncset.done $0x0  }
0x76: {  	s25 =	simm.s32 $0x2710;
	s24 =	rddreg [dreg:$0x6];
	[sflag:s31] =	ssyncadd.s32 $0xFFFFD8F0  }
0x77: {  	[tilespmem:s25], [sflag:$0x6] =	stream.linear.gather [hbm4b:s24+s23], $0x2710, $0x38;
	[tilespmem:$0x1F220] =	vst v63  }
0x78: {  	_ =	swait.ge [sflag:s31], $0x2710  }
0x79: {  	[sflag:s31] =	ssyncset.done $0x0  }
0x7a: {  	[sflag:s31] =	ssyncadd.s32 $0xFFFFD8F0  }
0x7b: {  	[tilespmem:s30], [sflag:$0x1] =	stream.indirect.gather [spmem:s2], $0x40, s23, s3, $0xb8;
	[tilespmem:$0x1F220] =	vst v63  }
0x7c: {  	_ = 	snop  }
0x7d: {  	[tilespmem:s5], [sflag:$0x2] =	stream.indirect.gather [spmem:s2], $0x40, s3, s3, $0xb8;
	[tilespmem:$0x1F220] =	vst v63  }
0x7e: {  	_ = 	snop  }
0x7f: {  	[tilespmem:s7], [sflag:$0x3] =	stream.indirect.gather [spmem:s2], $0x40, s6, s3, $0xb8;
	[tilespmem:$0x1F220] =	vst v63  }
0x80: {  	_ = 	snop  }
0x81: {  	[tilespmem:s9], [sflag:$0x4] =	stream.indirect.gather [spmem:s2], $0x40, s8, s3, $0xb8;
	[tilespmem:$0x1F220] =	vst v63  }
0x82: {  	_ = 	snop  }
0x83: {  	[tilespmem:s12], [sflag:$0x5] =	stream.indirect.gather [spmem:s2], $0x40, s11, s3, $0xb8;
	[tilespmem:$0x1F220] =	vst v63  }
0x84: {  	_ =	swait.ge [sflag:s13], $0x1400  }
0x85: {  	[sflag:s13] =	ssyncset.done $0x0  }
0x86: {  	s25 =	simm.s32 $0x2710;
	[sflag:s13] =	ssyncadd.s32 $0xFFFFEC00  }
0x87: {  	[spmem:s1] =	stream.indirect.scatter.add.f32 [tilespmem:s30], [sflag:$0x6], $0x40, s25, s3, $0xb8;
	[tilespmem:$0x1F220] =	vst v63  }
0x88: {  	_ =	swait.ge [sflag:s31], $0x1400  }
0x89: {  	[sflag:s31] =	ssyncset.done $0x0  }
0x8a: {  	s24 =	simm.s32 $0x190;
	[sflag:s31] =	ssyncadd.s32 $0xFFFFEC00  }
0x8b: {  	[tilespmem:s30], [sflag:$0x1] =	stream.indirect.gather [spmem:s2], $0x40, s24, s3, $0xb8;
	[tilespmem:$0x1F220] =	vst v63  }
0x8c: {  	_ =	swait.ge [sflag:s14], $0x1400  }
0x8d: {  	[sflag:s14] =	ssyncset.done $0x0  }
0x8e: {  	s25 =	simm.s32 $0x2760;
	[sflag:s14] =	ssyncadd.s32 $0xFFFFEC00  }
0x8f: {  	[spmem:s1] =	stream.indirect.scatter.add.f32 [tilespmem:s5], [sflag:$0x6], $0x40, s25, s3, $0xb8;
	[tilespmem:$0x1F220] =	vst v63  }
0x90: {  	_ =	swait.ge [sflag:s31], $0x1400  }
0x91: {  	[sflag:s31] =	ssyncset.done $0x0  }
0x92: {  	s24 =	simm.s32 $0x1E0;
	[sflag:s31] =	ssyncadd.s32 $0xFFFFEC00  }
0x93: {  	[tilespmem:s5], [sflag:$0x2] =	stream.indirect.gather [spmem:s2], $0x40, s24, s3, $0xb8;
	[tilespmem:$0x1F220] =	vst v63  }
0x94: {  	_ =	swait.ge [sflag:s15], $0x1400  }
0x95: {  	[sflag:s15] =	ssyncset.done $0x0  }
0x96: {  	s25 =	simm.s32 $0x27B0;
	[sflag:s15] =	ssyncadd.s32 $0xFFFFEC00  }
0x97: {  	[spmem:s1] =	stream.indirect.scatter.add.f32 [tilespmem:s7], [sflag:$0x6], $0x40, s25, s3, $0xb8;
	[tilespmem:$0x1F220] =	vst v63  }
0x98: {  	_ =	swait.ge [sflag:s31], $0x1400  }
0x99: {  	[sflag:s31] =	ssyncset.done $0x0  }
0x9a: {  	s24 =	simm.s32 $0x230;
	[sflag:s31] =	ssyncadd.s32 $0xFFFFEC00  }
0x9b: {  	[tilespmem:s7], [sflag:$0x3] =	stream.indirect.gather [spmem:s2], $0x40, s24, s3, $0xb8;
	[tilespmem:$0x1F220] =	vst v63  }
0x9c: {  	_ =	swait.ge [sflag:s16], $0x1400  }
0x9d: {  	[sflag:s16] =	ssyncset.done $0x0  }
0x9e: {  	s25 =	simm.s32 $0x2800;
	[sflag:s16] =	ssyncadd.s32 $0xFFFFEC00  }
0x9f: {  	[spmem:s1] =	stream.indirect.scatter.add.f32 [tilespmem:s9], [sflag:$0x6], $0x40, s25, s3, $0xb8;
	[tilespmem:$0x1F220] =	vst v63  }
0xa0: {  	_ =	swait.ge [sflag:s31], $0x1400  }
0xa1: {  	[sflag:s31] =	ssyncset.done $0x0  }
0xa2: {  	s24 =	simm.s32 $0x280;
	[sflag:s31] =	ssyncadd.s32 $0xFFFFEC00  }
0xa3: {  	[tilespmem:s9], [sflag:$0x4] =	stream.indirect.gather [spmem:s2], $0x40, s24, s3, $0xb8;
	[tilespmem:$0x1F220] =	vst v63  }
0xa4: {  	_ =	swait.ge [sflag:s17], $0x1400  }
0xa5: {  	[sflag:s17] =	ssyncset.done $0x0  }
0xa6: {  	s25 =	simm.s32 $0x2850;
	[sflag:s17] =	ssyncadd.s32 $0xFFFFEC00  }
0xa7: {  	[spmem:s1] =	stream.indirect.scatter.add.f32 [tilespmem:s12], [sflag:$0x6], $0x40, s25, s3, $0xb8;
	[tilespmem:$0x1F220] =	vst v63  }
0xa8: {  	_ =	swait.ge [sflag:s31], $0x1400  }
0xa9: {  	[sflag:s31] =	ssyncset.done $0x0  }
0xaa: {  	s23 =	simm.s32 $0x640;
	s24 =	simm.s32 $0x2D0;
	[sflag:s31] =	ssyncadd.s32 $0xFFFFEC00  }
.LBB2_4:
0xab: {  	[tilespmem:s12], [sflag:$0x5] =	stream.indirect.gather [spmem:s2], $0x40, s24, s3, $0xb8;
	[tilespmem:$0x1F220] =	vst v63  }
0xac: {  	s24 =	smov.u32 s23  }
0xad: {  	p0 =	sne.s32 s23, $0x8FC0;
	s23 =	sadd.s32 $0x640, s23;
	_ =	swait.ge [sflag:s13], $0x1400  }
0xae: {  	s24 =	sshra.s32 s24, $0x2;
	[sflag:s13] =	ssyncset.done $0x0  }
0xaf: {  	s25 =	sadd.s32 $0x2710, s24;
	[sflag:s13] =	ssyncadd.s32 $0xFFFFEC00  }
0xb0: {  	[spmem:s1] =	stream.indirect.scatter.add.f32 [tilespmem:s30], [sflag:$0x6], $0x40, s25, s3, $0xb8;
	[tilespmem:$0x1F220] =	vst v63  }
0xb1: {  	_ =	swait.ge [sflag:s31], $0x1400  }
0xb2: {  	[sflag:s31] =	ssyncset.done $0x0  }
0xb3: {  	s25 =	sadd.s32 $0x190, s24;
	[sflag:s31] =	ssyncadd.s32 $0xFFFFEC00  }
0xb4: {  	[tilespmem:s30], [sflag:$0x1] =	stream.indirect.gather [spmem:s2], $0x40, s25, s3, $0xb8;
	[tilespmem:$0x1F220] =	vst v63  }
0xb5: {  	_ =	swait.ge [sflag:s14], $0x1400  }
0xb6: {  	[sflag:s14] =	ssyncset.done $0x0  }
0xb7: {  	s25 =	sadd.s32 $0x2760, s24;
	[sflag:s14] =	ssyncadd.s32 $0xFFFFEC00  }
0xb8: {  	[spmem:s1] =	stream.indirect.scatter.add.f32 [tilespmem:s5], [sflag:$0x6], $0x40, s25, s3, $0xb8;
	[tilespmem:$0x1F220] =	vst v63  }
0xb9: {  	_ =	swait.ge [sflag:s31], $0x1400  }
0xba: {  	[sflag:s31] =	ssyncset.done $0x0  }
0xbb: {  	s25 =	sadd.s32 $0x1E0, s24;
	[sflag:s31] =	ssyncadd.s32 $0xFFFFEC00  }
0xbc: {  	[tilespmem:s5], [sflag:$0x2] =	stream.indirect.gather [spmem:s2], $0x40, s25, s3, $0xb8;
	[tilespmem:$0x1F220] =	vst v63  }
0xbd: {  	_ =	swait.ge [sflag:s15], $0x1400  }
0xbe: {  	[sflag:s15] =	ssyncset.done $0x0  }
0xbf: {  	s25 =	sadd.s32 $0x27B0, s24;
	[sflag:s15] =	ssyncadd.s32 $0xFFFFEC00  }
0xc0: {  	[spmem:s1] =	stream.indirect.scatter.add.f32 [tilespmem:s7], [sflag:$0x6], $0x40, s25, s3, $0xb8;
	[tilespmem:$0x1F220] =	vst v63  }
0xc1: {  	_ =	swait.ge [sflag:s31], $0x1400  }
0xc2: {  	[sflag:s31] =	ssyncset.done $0x0  }
0xc3: {  	s25 =	sadd.s32 $0x230, s24;
	[sflag:s31] =	ssyncadd.s32 $0xFFFFEC00  }
0xc4: {  	[tilespmem:s7], [sflag:$0x3] =	stream.indirect.gather [spmem:s2], $0x40, s25, s3, $0xb8;
	[tilespmem:$0x1F220] =	vst v63  }
0xc5: {  	_ =	swait.ge [sflag:s16], $0x1400  }
0xc6: {  	[sflag:s16] =	ssyncset.done $0x0  }
0xc7: {  	s25 =	sadd.s32 $0x2800, s24;
	[sflag:s16] =	ssyncadd.s32 $0xFFFFEC00  }
0xc8: {  	[spmem:s1] =	stream.indirect.scatter.add.f32 [tilespmem:s9], [sflag:$0x6], $0x40, s25, s3, $0xb8;
	[tilespmem:$0x1F220] =	vst v63  }
0xc9: {  	_ =	swait.ge [sflag:s31], $0x1400  }
0xca: {  	[sflag:s31] =	ssyncset.done $0x0  }
0xcb: {  	s25 =	sadd.s32 $0x280, s24;
	[sflag:s31] =	ssyncadd.s32 $0xFFFFEC00  }
0xcc: {  	[tilespmem:s9], [sflag:$0x4] =	stream.indirect.gather [spmem:s2], $0x40, s25, s3, $0xb8;
	[tilespmem:$0x1F220] =	vst v63  }
0xcd: {  	_ =	swait.ge [sflag:s17], $0x1400  }
0xce: {  	[sflag:s17] =	ssyncset.done $0x0  }
.Ltmp1:
0xcf: {  	s25 =	sadd.s32 $0x2850, s24;
	[sflag:s17] =	ssyncadd.s32 $0xFFFFEC00;
	(pc) =	sbr.rel @p0 .LBB2_4-.Ltmp1, $4  }
0xd0: {  	[spmem:s1] =	stream.indirect.scatter.add.f32 [tilespmem:s12], [sflag:$0x6], $0x40, s25, s3, $0xb8;
	[tilespmem:$0x1F220] =	vst v63  }
0xd1: {  	_ =	swait.ge [sflag:s31], $0x1400  }
0xd2: {  	[sflag:s31] =	ssyncset.done $0x0  }
0xd3: {  	s24 =	sadd.s32 $0x2D0, s24;
	[sflag:s31] =	ssyncadd.s32 $0xFFFFEC00  }
0xd4: {  	[tilespmem:s12], [sflag:$0x5] =	stream.indirect.gather [spmem:s2], $0x40, s24, s3, $0xb8;
	[tilespmem:$0x1F220] =	vst v63  }
0xd5: {  	_ =	swait.ge [sflag:s13], $0x1400  }
0xd6: {  	[sflag:s13] =	ssyncset.done $0x0  }
0xd7: {  	[sflag:s13] =	ssyncadd.s32 $0xFFFFEC00  }
0xd8: {  	[spmem:s1] =	stream.indirect.scatter.add.f32 [tilespmem:s30], [sflag:$0x6], $0x40, s18, s3, $0xb8;
	[tilespmem:$0x1F220] =	vst v63  }
0xd9: {  	_ =	swait.ge [sflag:s31], $0x1400  }
0xda: {  	[sflag:s31] =	ssyncset.done $0x0  }
0xdb: {  	[sflag:s31] =	ssyncadd.s32 $0xFFFFEC00  }
0xdc: {  	_ =	swait.ge [sflag:s14], $0x1400  }
0xdd: {  	[sflag:s14] =	ssyncset.done $0x0  }
0xde: {  	[sflag:s14] =	ssyncadd.s32 $0xFFFFEC00  }
0xdf: {  	[spmem:s1] =	stream.indirect.scatter.add.f32 [tilespmem:s5], [sflag:$0x6], $0x40, s19, s3, $0xb8;
	[tilespmem:$0x1F220] =	vst v63  }
0xe0: {  	_ =	swait.ge [sflag:s31], $0x1400  }
0xe1: {  	[sflag:s31] =	ssyncset.done $0x0  }
0xe2: {  	[sflag:s31] =	ssyncadd.s32 $0xFFFFEC00  }
0xe3: {  	_ =	swait.ge [sflag:s15], $0x1400  }
0xe4: {  	[sflag:s15] =	ssyncset.done $0x0  }
0xe5: {  	[sflag:s15] =	ssyncadd.s32 $0xFFFFEC00  }
0xe6: {  	[spmem:s1] =	stream.indirect.scatter.add.f32 [tilespmem:s7], [sflag:$0x6], $0x40, s20, s3, $0xb8;
	[tilespmem:$0x1F220] =	vst v63  }
0xe7: {  	_ =	swait.ge [sflag:s31], $0x1400  }
0xe8: {  	[sflag:s31] =	ssyncset.done $0x0  }
0xe9: {  	[sflag:s31] =	ssyncadd.s32 $0xFFFFEC00  }
0xea: {  	_ =	swait.ge [sflag:s16], $0x1400  }
0xeb: {  	[sflag:s16] =	ssyncset.done $0x0  }
0xec: {  	[sflag:s16] =	ssyncadd.s32 $0xFFFFEC00  }
0xed: {  	[spmem:s1] =	stream.indirect.scatter.add.f32 [tilespmem:s9], [sflag:$0x6], $0x40, s21, s3, $0xb8;
	[tilespmem:$0x1F220] =	vst v63  }
0xee: {  	_ =	swait.ge [sflag:s31], $0x1400  }
0xef: {  	[sflag:s31] =	ssyncset.done $0x0  }
0xf0: {  	[sflag:s31] =	ssyncadd.s32 $0xFFFFEC00  }
0xf1: {  	_ =	swait.ge [sflag:s17], $0x1400  }
0xf2: {  	[sflag:s17] =	ssyncset.done $0x0  }
0xf3: {  	[sflag:s17] =	ssyncadd.s32 $0xFFFFEC00  }
0xf4: {  	[spmem:s1] =	stream.indirect.scatter.add.f32 [tilespmem:s12], [sflag:$0x6], $0x40, s22, s3, $0xb8;
	[tilespmem:$0x1F220] =	vst v63  }
0xf5: {  	_ =	swait.ge [sflag:s31], $0x1400  }
0xf6: {  	[sflag:s31] =	ssyncset.done $0x0  }
0xf7: {  	s23 =	simm.s32 $0x0;
	s25 =	rddreg [dreg:$0x7];
	[sflag:s31] =	ssyncadd.s32 $0xFFFFEC00  }
0xf8: {  	[tilespmem:s23], [sflag:$0x6] =	stream.linear.gather [hbm4b:s25+s23], $0x2710, $0x38;
	[tilespmem:$0x1F220] =	vst v63  }
0xf9: {  	_ =	swait.ge [sflag:s31], $0x2710  }
0xfa: {  	[sflag:s31] =	ssyncset.done $0x0  }
0xfb: {  	s25 =	simm.s32 $0x2710;
	s24 =	rddreg [dreg:$0x8];
	[sflag:s31] =	ssyncadd.s32 $0xFFFFD8F0  }
0xfc: {  	[tilespmem:s25], [sflag:$0x6] =	stream.linear.gather [hbm4b:s24+s23], $0x2710, $0x38;
	[tilespmem:$0x1F220] =	vst v63  }
0xfd: {  	_ =	swait.ge [sflag:s31], $0x2710  }
0xfe: {  	[sflag:s31] =	ssyncset.done $0x0  }
0xff: {  	[sflag:s31] =	ssyncadd.s32 $0xFFFFD8F0  }
0x100: {  	[tilespmem:s30], [sflag:$0x1] =	stream.indirect.gather [spmem:s2], $0x40, s23, s3, $0xb8;
	[tilespmem:$0x1F220] =	vst v63  }
0x101: {  	_ = 	snop  }
0x102: {  	[tilespmem:s5], [sflag:$0x2] =	stream.indirect.gather [spmem:s2], $0x40, s3, s3, $0xb8;
	[tilespmem:$0x1F220] =	vst v63  }
0x103: {  	_ = 	snop  }
0x104: {  	[tilespmem:s7], [sflag:$0x3] =	stream.indirect.gather [spmem:s2], $0x40, s6, s3, $0xb8;
	[tilespmem:$0x1F220] =	vst v63  }
0x105: {  	_ = 	snop  }
0x106: {  	[tilespmem:s9], [sflag:$0x4] =	stream.indirect.gather [spmem:s2], $0x40, s8, s3, $0xb8;
	[tilespmem:$0x1F220] =	vst v63  }
0x107: {  	_ = 	snop  }
0x108: {  	[tilespmem:s12], [sflag:$0x5] =	stream.indirect.gather [spmem:s2], $0x40, s11, s3, $0xb8;
	[tilespmem:$0x1F220] =	vst v63  }
0x109: {  	_ =	swait.ge [sflag:s13], $0x1400  }
0x10a: {  	[sflag:s13] =	ssyncset.done $0x0  }
0x10b: {  	s25 =	simm.s32 $0x2710;
	[sflag:s13] =	ssyncadd.s32 $0xFFFFEC00  }
0x10c: {  	[spmem:s1] =	stream.indirect.scatter.add.f32 [tilespmem:s30], [sflag:$0x6], $0x40, s25, s3, $0xb8;
	[tilespmem:$0x1F220] =	vst v63  }
0x10d: {  	_ =	swait.ge [sflag:s31], $0x1400  }
0x10e: {  	[sflag:s31] =	ssyncset.done $0x0  }
0x10f: {  	s24 =	simm.s32 $0x190;
	[sflag:s31] =	ssyncadd.s32 $0xFFFFEC00  }
0x110: {  	[tilespmem:s30], [sflag:$0x1] =	stream.indirect.gather [spmem:s2], $0x40, s24, s3, $0xb8;
	[tilespmem:$0x1F220] =	vst v63  }
0x111: {  	_ =	swait.ge [sflag:s14], $0x1400  }
0x112: {  	[sflag:s14] =	ssyncset.done $0x0  }
0x113: {  	s25 =	simm.s32 $0x2760;
	[sflag:s14] =	ssyncadd.s32 $0xFFFFEC00  }
0x114: {  	[spmem:s1] =	stream.indirect.scatter.add.f32 [tilespmem:s5], [sflag:$0x6], $0x40, s25, s3, $0xb8;
	[tilespmem:$0x1F220] =	vst v63  }
0x115: {  	_ =	swait.ge [sflag:s31], $0x1400  }
0x116: {  	[sflag:s31] =	ssyncset.done $0x0  }
0x117: {  	s24 =	simm.s32 $0x1E0;
	[sflag:s31] =	ssyncadd.s32 $0xFFFFEC00  }
0x118: {  	[tilespmem:s5], [sflag:$0x2] =	stream.indirect.gather [spmem:s2], $0x40, s24, s3, $0xb8;
	[tilespmem:$0x1F220] =	vst v63  }
0x119: {  	_ =	swait.ge [sflag:s15], $0x1400  }
0x11a: {  	[sflag:s15] =	ssyncset.done $0x0  }
0x11b: {  	s25 =	simm.s32 $0x27B0;
	[sflag:s15] =	ssyncadd.s32 $0xFFFFEC00  }
0x11c: {  	[spmem:s1] =	stream.indirect.scatter.add.f32 [tilespmem:s7], [sflag:$0x6], $0x40, s25, s3, $0xb8;
	[tilespmem:$0x1F220] =	vst v63  }
0x11d: {  	_ =	swait.ge [sflag:s31], $0x1400  }
0x11e: {  	[sflag:s31] =	ssyncset.done $0x0  }
0x11f: {  	s24 =	simm.s32 $0x230;
	[sflag:s31] =	ssyncadd.s32 $0xFFFFEC00  }
0x120: {  	[tilespmem:s7], [sflag:$0x3] =	stream.indirect.gather [spmem:s2], $0x40, s24, s3, $0xb8;
	[tilespmem:$0x1F220] =	vst v63  }
0x121: {  	_ =	swait.ge [sflag:s16], $0x1400  }
0x122: {  	[sflag:s16] =	ssyncset.done $0x0  }
0x123: {  	s25 =	simm.s32 $0x2800;
	[sflag:s16] =	ssyncadd.s32 $0xFFFFEC00  }
0x124: {  	[spmem:s1] =	stream.indirect.scatter.add.f32 [tilespmem:s9], [sflag:$0x6], $0x40, s25, s3, $0xb8;
	[tilespmem:$0x1F220] =	vst v63  }
0x125: {  	_ =	swait.ge [sflag:s31], $0x1400  }
0x126: {  	[sflag:s31] =	ssyncset.done $0x0  }
0x127: {  	s24 =	simm.s32 $0x280;
	[sflag:s31] =	ssyncadd.s32 $0xFFFFEC00  }
0x128: {  	[tilespmem:s9], [sflag:$0x4] =	stream.indirect.gather [spmem:s2], $0x40, s24, s3, $0xb8;
	[tilespmem:$0x1F220] =	vst v63  }
0x129: {  	_ =	swait.ge [sflag:s17], $0x1400  }
0x12a: {  	[sflag:s17] =	ssyncset.done $0x0  }
0x12b: {  	s25 =	simm.s32 $0x2850;
	[sflag:s17] =	ssyncadd.s32 $0xFFFFEC00  }
0x12c: {  	[spmem:s1] =	stream.indirect.scatter.add.f32 [tilespmem:s12], [sflag:$0x6], $0x40, s25, s3, $0xb8;
	[tilespmem:$0x1F220] =	vst v63  }
0x12d: {  	_ =	swait.ge [sflag:s31], $0x1400  }
0x12e: {  	[sflag:s31] =	ssyncset.done $0x0  }
0x12f: {  	s23 =	simm.s32 $0x640;
	s24 =	simm.s32 $0x2D0;
	[sflag:s31] =	ssyncadd.s32 $0xFFFFEC00  }
.LBB2_6:
0x130: {  	[tilespmem:s12], [sflag:$0x5] =	stream.indirect.gather [spmem:s2], $0x40, s24, s3, $0xb8;
	[tilespmem:$0x1F220] =	vst v63  }
0x131: {  	s24 =	smov.u32 s23  }
0x132: {  	p0 =	sne.s32 s23, $0x8FC0;
	s23 =	sadd.s32 $0x640, s23;
	_ =	swait.ge [sflag:s13], $0x1400  }
0x133: {  	s24 =	sshra.s32 s24, $0x2;
	[sflag:s13] =	ssyncset.done $0x0  }
0x134: {  	s25 =	sadd.s32 $0x2710, s24;
	[sflag:s13] =	ssyncadd.s32 $0xFFFFEC00  }
0x135: {  	[spmem:s1] =	stream.indirect.scatter.add.f32 [tilespmem:s30], [sflag:$0x6], $0x40, s25, s3, $0xb8;
	[tilespmem:$0x1F220] =	vst v63  }
0x136: {  	_ =	swait.ge [sflag:s31], $0x1400  }
0x137: {  	[sflag:s31] =	ssyncset.done $0x0  }
0x138: {  	s25 =	sadd.s32 $0x190, s24;
	[sflag:s31] =	ssyncadd.s32 $0xFFFFEC00  }
0x139: {  	[tilespmem:s30], [sflag:$0x1] =	stream.indirect.gather [spmem:s2], $0x40, s25, s3, $0xb8;
	[tilespmem:$0x1F220] =	vst v63  }
0x13a: {  	_ =	swait.ge [sflag:s14], $0x1400  }
0x13b: {  	[sflag:s14] =	ssyncset.done $0x0  }
0x13c: {  	s25 =	sadd.s32 $0x2760, s24;
	[sflag:s14] =	ssyncadd.s32 $0xFFFFEC00  }
0x13d: {  	[spmem:s1] =	stream.indirect.scatter.add.f32 [tilespmem:s5], [sflag:$0x6], $0x40, s25, s3, $0xb8;
	[tilespmem:$0x1F220] =	vst v63  }
0x13e: {  	_ =	swait.ge [sflag:s31], $0x1400  }
0x13f: {  	[sflag:s31] =	ssyncset.done $0x0  }
0x140: {  	s25 =	sadd.s32 $0x1E0, s24;
	[sflag:s31] =	ssyncadd.s32 $0xFFFFEC00  }
0x141: {  	[tilespmem:s5], [sflag:$0x2] =	stream.indirect.gather [spmem:s2], $0x40, s25, s3, $0xb8;
	[tilespmem:$0x1F220] =	vst v63  }
0x142: {  	_ =	swait.ge [sflag:s15], $0x1400  }
0x143: {  	[sflag:s15] =	ssyncset.done $0x0  }
0x144: {  	s25 =	sadd.s32 $0x27B0, s24;
	[sflag:s15] =	ssyncadd.s32 $0xFFFFEC00  }
0x145: {  	[spmem:s1] =	stream.indirect.scatter.add.f32 [tilespmem:s7], [sflag:$0x6], $0x40, s25, s3, $0xb8;
	[tilespmem:$0x1F220] =	vst v63  }
0x146: {  	_ =	swait.ge [sflag:s31], $0x1400  }
0x147: {  	[sflag:s31] =	ssyncset.done $0x0  }
0x148: {  	s25 =	sadd.s32 $0x230, s24;
	[sflag:s31] =	ssyncadd.s32 $0xFFFFEC00  }
0x149: {  	[tilespmem:s7], [sflag:$0x3] =	stream.indirect.gather [spmem:s2], $0x40, s25, s3, $0xb8;
	[tilespmem:$0x1F220] =	vst v63  }
0x14a: {  	_ =	swait.ge [sflag:s16], $0x1400  }
0x14b: {  	[sflag:s16] =	ssyncset.done $0x0  }
0x14c: {  	s25 =	sadd.s32 $0x2800, s24;
	[sflag:s16] =	ssyncadd.s32 $0xFFFFEC00  }
0x14d: {  	[spmem:s1] =	stream.indirect.scatter.add.f32 [tilespmem:s9], [sflag:$0x6], $0x40, s25, s3, $0xb8;
	[tilespmem:$0x1F220] =	vst v63  }
0x14e: {  	_ =	swait.ge [sflag:s31], $0x1400  }
0x14f: {  	[sflag:s31] =	ssyncset.done $0x0  }
0x150: {  	s25 =	sadd.s32 $0x280, s24;
	[sflag:s31] =	ssyncadd.s32 $0xFFFFEC00  }
0x151: {  	[tilespmem:s9], [sflag:$0x4] =	stream.indirect.gather [spmem:s2], $0x40, s25, s3, $0xb8;
	[tilespmem:$0x1F220] =	vst v63  }
0x152: {  	_ =	swait.ge [sflag:s17], $0x1400  }
0x153: {  	[sflag:s17] =	ssyncset.done $0x0  }
.Ltmp2:
0x154: {  	s25 =	sadd.s32 $0x2850, s24;
	[sflag:s17] =	ssyncadd.s32 $0xFFFFEC00;
	(pc) =	sbr.rel @p0 .LBB2_6-.Ltmp2, $4  }
0x155: {  	[spmem:s1] =	stream.indirect.scatter.add.f32 [tilespmem:s12], [sflag:$0x6], $0x40, s25, s3, $0xb8;
	[tilespmem:$0x1F220] =	vst v63  }
0x156: {  	_ =	swait.ge [sflag:s31], $0x1400  }
0x157: {  	[sflag:s31] =	ssyncset.done $0x0  }
0x158: {  	s24 =	sadd.s32 $0x2D0, s24;
	[sflag:s31] =	ssyncadd.s32 $0xFFFFEC00  }
0x159: {  	[tilespmem:s12], [sflag:$0x5] =	stream.indirect.gather [spmem:s2], $0x40, s24, s3, $0xb8;
	[tilespmem:$0x1F220] =	vst v63  }
0x15a: {  	_ =	swait.ge [sflag:s13], $0x1400  }
0x15b: {  	[sflag:s13] =	ssyncset.done $0x0  }
0x15c: {  	[sflag:s13] =	ssyncadd.s32 $0xFFFFEC00  }
0x15d: {  	[spmem:s1] =	stream.indirect.scatter.add.f32 [tilespmem:s30], [sflag:$0x6], $0x40, s18, s3, $0xb8;
	[tilespmem:$0x1F220] =	vst v63  }
0x15e: {  	_ =	swait.ge [sflag:s31], $0x1400  }
0x15f: {  	[sflag:s31] =	ssyncset.done $0x0  }
0x160: {  	[sflag:s31] =	ssyncadd.s32 $0xFFFFEC00  }
0x161: {  	_ =	swait.ge [sflag:s14], $0x1400  }
0x162: {  	[sflag:s14] =	ssyncset.done $0x0  }
0x163: {  	[sflag:s14] =	ssyncadd.s32 $0xFFFFEC00  }
0x164: {  	[spmem:s1] =	stream.indirect.scatter.add.f32 [tilespmem:s5], [sflag:$0x6], $0x40, s19, s3, $0xb8;
	[tilespmem:$0x1F220] =	vst v63  }
0x165: {  	_ =	swait.ge [sflag:s31], $0x1400  }
0x166: {  	[sflag:s31] =	ssyncset.done $0x0  }
0x167: {  	[sflag:s31] =	ssyncadd.s32 $0xFFFFEC00  }
0x168: {  	_ =	swait.ge [sflag:s15], $0x1400  }
0x169: {  	[sflag:s15] =	ssyncset.done $0x0  }
0x16a: {  	[sflag:s15] =	ssyncadd.s32 $0xFFFFEC00  }
0x16b: {  	[spmem:s1] =	stream.indirect.scatter.add.f32 [tilespmem:s7], [sflag:$0x6], $0x40, s20, s3, $0xb8;
	[tilespmem:$0x1F220] =	vst v63  }
0x16c: {  	_ =	swait.ge [sflag:s31], $0x1400  }
0x16d: {  	[sflag:s31] =	ssyncset.done $0x0  }
0x16e: {  	[sflag:s31] =	ssyncadd.s32 $0xFFFFEC00  }
0x16f: {  	_ =	swait.ge [sflag:s16], $0x1400  }
0x170: {  	[sflag:s16] =	ssyncset.done $0x0  }
0x171: {  	[sflag:s16] =	ssyncadd.s32 $0xFFFFEC00  }
0x172: {  	[spmem:s1] =	stream.indirect.scatter.add.f32 [tilespmem:s9], [sflag:$0x6], $0x40, s21, s3, $0xb8;
	[tilespmem:$0x1F220] =	vst v63  }
0x173: {  	_ =	swait.ge [sflag:s31], $0x1400  }
0x174: {  	[sflag:s31] =	ssyncset.done $0x0  }
0x175: {  	[sflag:s31] =	ssyncadd.s32 $0xFFFFEC00  }
0x176: {  	_ =	swait.ge [sflag:s17], $0x1400  }
0x177: {  	[sflag:s17] =	ssyncset.done $0x0  }
0x178: {  	[sflag:s17] =	ssyncadd.s32 $0xFFFFEC00  }
0x179: {  	[spmem:s1] =	stream.indirect.scatter.add.f32 [tilespmem:s12], [sflag:$0x6], $0x40, s22, s3, $0xb8;
	[tilespmem:$0x1F220] =	vst v63  }
0x17a: {  	_ =	swait.ge [sflag:s31], $0x1400  }
0x17b: {  	[sflag:s31] =	ssyncset.done $0x0  }
0x17c: {  	[sflag:s31] =	ssyncadd.s32 $0xFFFFEC00  }
0x17d: {  	[bflag:$0x0] =	sbarrier.arrive $0xFFFF  }
0x17e: {  	s23 =	sshrl.u32 s10, $0x3;
	s25 =	rddreg [dreg:$0x9]  }
0x17f: {  	[hbm:s25], [sflag:s0] =	dma.local [spmem:s23], $0x1400  }
0x180: {  	_ =	swait.ge [sflag:s31], $0x1400  }
0x181: {  	s4 =	sadd.s32 $0x1, s4;
	s25 =	rddreg [dreg:$0xa]  }
0x182: {  	p0 =	sne.s32 s4, s25  }
.Ltmp3:
0x183: {  	_ = 	snop;
	(pc) =	sbr.rel @p0 .LBB2_1-.Ltmp3, $3  }
0x184: {  	_ =	sdelay $0x1  }
0x185: {  	[sflag:s31] =	ssyncset.done $0x0  }
0x186: {  	[sflag:s31] =	ssyncadd.s32 $0xFFFFEC00  }
0x187: {  	_ =	sfence.sel $0x180000  }
0x188: {  	[bflag:$0x0] =	sbarrier.arrive $0xFFFF  }
0x189: {  	_ =	strace $0x9000004A  }
0x18a: {  	s0 =	stileid.u32;
	[bflag:$0x2] =	sbarrier.arrive $0xFFFF  }
0x18b: {  	p0 =	sne.s32 s0, $0x0;
	s0 =	rddreg [dreg:$0x4]  }
0x18c: {  	s0 =	sadd.s32 @!p0 $0x100000, s0  }
0x18d: {  	[sflag:s0] =	ssyncadd.tile.s32 @!p0 $0x1;
	_ =	shalt  }
.Lfunc_end2:
_tile_overlayer_lowered:
.L_overlay_start_2:
0x18e: {  	(tag) =	ssettag $0x2  }
0x18f: {  	s0 =	rddreg [dreg:$0x0];
	s2 =	stileid.u32  }
0x190: {  	s1 =	rddreg [dreg:$0x1];
	p0 =	sne.s32 s2, $0x0  }
0x191: {  	s3 =	rddreg [dreg:$0x2];
	[bflag:$0x3] =	sbarrier.arrive $0xFFFF;
	s2 =	simm.s32 @!p0 $0x1C06  }
0x192: {  	[timem:s3], [sflag:s2] =	dma.local @!p0 [hbm:s0], s1  }
0x193: {  	s0 =	simm.s32 @!p0 $0x6  }
0x194: {  	_ =	swait.ge @!p0 [sflag:s0], s1  }
0x195: {  	s1 =	ssub.s32 @!p0 $0x0, s1;
	[sflag:s0] =	ssyncset.done @!p0 $0x0  }
0x196: {  	[sflag:s0] =	ssyncadd.s32 @!p0 s1  }
0x197: {  	[bflag:$0x3] =	sbarrier.arrive $0xFFFF  }
0x198: {  	_ =	shalt  }

// kernel: kernel.14.cloned.1.call-start
scs
__scs_entry_jumppad:
0x0: {  	(pc) =	sbr.rel $0x88, $3  }
0x1: {  	(tag) =	ssettag $0x0;
	lr =	simm.s32 $0x1  }
0x2: {  	[smem:$0x3F97] =	sst lr;
	_ =	strace $0xD0000000  }
0x3: {  	_ = 	snop  }
0x4: {  	_ = 	snop  }
0x5: {  	_ = 	snop  }
0x6: {  	_ = 	snop  }
0x7: {  	_ = 	snop  }
__scs_overlays_trampoline_lowered:
0x8: {  	[smem:$0x3FA6] =	sst s0  }
0x9: {  	[smem:$0x3FA7] =	sst s1  }
0xa: {  	[smem:$0x3FA8] =	sst s2  }
0xb: {  	[smem:$0x3FA9] =	sst s3  }
0xc: {  	[smem:$0x3FAA] =	sst s4  }
0xd: {  	[smem:$0x3FAB] =	sst s5  }
0xe: {  	[smem:$0x3FAC] =	sst s6  }
0xf: {  	[smem:$0x3FAD] =	sst s7  }
0x10: {  	[smem:$0x3FAE] =	sst s8  }
0x11: {  	[smem:$0x3FAF] =	sst s9;
	s0 =	simm.s32 @!p0 $0x0  }
0x12: {  	s1 =	sld [smem:$0x3F95];
	s0 =	simm.s32 @p0 $0x1  }
0x13: {  	[smem:$0x3FB0] =	sst s0;
	s0 =	simm.s32 @!p1 $0x0  }
0x14: {  	s2 =	sld [smem:$0x3F94];
	s0 =	simm.s32 @p1 $0x1  }
0x15: {  	[smem:$0x3FB1] =	sst s0;
	s0 =	simm.s32 @!p2 $0x0  }
0x16: {  	s3 =	sld [smem:$0x3FDB];
	s0 =	simm.s32 @p2 $0x1  }
0x17: {  	s4 =	simm.s32 $0x1BF5;
	[smem:$0x3FB3] =	sst s0  }
0x18: {  	s0 =	sld [smem:$0x3F96];
	_ =	swait.ge [sflag:s4], $0x0  }
0x19: {  	s7 =	sld [smem:$0x3F97]  }
0x1a: {  	s8 =	sadd.s32 $0xFFFFE003, lr  }
0x1b: {  	s9 =	sadd.s32 $0xFFFFFEF7, lr;
	s5 =	simm.s32 $0xFFFFFFFF;
	p2 =	slt.u32 s8, $0xFFFFF086  }
0x1c: {  	p1 =	slt.u32 s9, $0xF7A;
	s5 =	simm.s32 @!p2 $0x0  }
0x1d: {  	s5 =	simm.s32 @p1 $0x1;
	p0 =	seq.s32 s7, s2  }
0x1e: {  	s7 =	smul.u32 @!p0 $0xF7A, s2;
	p2 =	seq.s32 @!p0 s5, $0x0  }
0x1f: {  	s9 =	smul.u32 $0xF7A, s1;
	s8 =	simm.s32 @!p0 $0x1BF5;
	p2 =	por !p2, p0  }
0x20: {  	[sflag:s8] =	ssyncset.s32 @!p0 $0xFFFFF086;
	s6 =	sadd.s32 @!p0 s3, s7;
	s7 =	simm.s32 @!p0 $0x108  }
0x21: {  	s3 =	sadd.s32 s3, s9;
	s6 =	sadd.s32 @!p0 $0x88, s6;
	s7 =	simm.s32 @p2 $0x1082  }
0x22: {  	[simem:s7], [sflag:s8] =	dma.local @!p0 [hbm:s6], $0xF7A  }
0x23: {  	s9 =	sor.u32 $0xD0000000, s2;
	s6 =	simm.s32 $0x108;
	_ =	swait.ge @!p0 [sflag:s8], $0x0  }
0x24: {  	s3 =	sadd.s32 $0x88, s3;
	s6 =	simm.s32 @!p1 $0x1082;
	[sflag:s4] =	ssyncset.s32 $0xFFFFF086  }
0x25: {  	[simem:s6], [sflag:s4] =	dma.local [hbm:s3], $0xF7A  }
0x26: {  	[smem:$0x3F97] =	sst s1;
	(tag) =	ssettag s2;
	_ =	strace s9  }
0x27: {  	s1 =	sld [smem:$0x3FA7]  }
0x28: {  	s2 =	sld [smem:$0x3FA8]  }
0x29: {  	s4 =	sld [smem:$0x3FAA]  }
0x2a: {  	p0 =	seq.s32 s5, $0x0;
	s5 =	sld [smem:$0x3FAB]  }
0x2b: {  	s6 =	sld [smem:$0x3FAC]  }
0x2c: {  	s7 =	sld [smem:$0x3FAD]  }
0x2d: {  	s3 =	simm.s32 $0x108;
	s8 =	sld [smem:$0x3FAE]  }
0x2e: {  	s3 =	simm.s32 @!p0 $0x1082;
	s9 =	sld [smem:$0x3FAF]  }
0x2f: {  	lr =	sadd.s32 s0, s3;
	s0 =	sld [smem:$0x3FA6]  }
0x30: {  	s3 =	sld [smem:$0x3FA9]  }
0x31: {  	[smem:$0x3FB2] =	sst s10  }
0x32: {  	s10 =	sld [smem:$0x3FB0];
	_ =	sdelay $0x3  }
0x33: {  	p0 =	seq.s32 s10, $0x1;
	s10 =	sld [smem:$0x3FB2];
	_ =	sdelay $0x3  }
0x34: {  	[smem:$0x3FB2] =	sst s10  }
0x35: {  	s10 =	sld [smem:$0x3FB1];
	_ =	sdelay $0x3  }
0x36: {  	p1 =	seq.s32 s10, $0x1;
	s10 =	sld [smem:$0x3FB2];
	_ =	sdelay $0x3  }
0x37: {  	[smem:$0x3FB2] =	sst s10  }
0x38: {  	s10 =	sld [smem:$0x3FB3]  }
0x39: {  	_ = 	snop;
	(pc) =	sbr.ind lr, $3  }
0x3a: {  	_ = 	snop  }
0x3b: {  	_ = 	snop  }
0x3c: {  	p2 =	seq.s32 s10, $0x1;
	s10 =	sld [smem:$0x3FB2]  }
0x3d: {  	_ =	shalt  }
0x3e: {  	_ =	shalt  }
0x3f: {  	_ =	shalt  }
0x40: {  	_ =	shalt  }
0x41: {  	_ =	shalt  }
0x42: {  	_ =	shalt  }
0x43: {  	_ =	shalt  }
0x44: {  	_ =	shalt  }
0x45: {  	_ =	shalt  }
0x46: {  	_ =	shalt  }
0x47: {  	_ =	shalt  }
0x48: {  	_ =	shalt  }
0x49: {  	_ =	shalt  }
0x4a: {  	_ =	shalt  }
0x4b: {  	_ =	shalt  }
0x4c: {  	_ =	shalt  }
0x4d: {  	_ =	shalt  }
0x4e: {  	_ =	shalt  }
0x4f: {  	_ =	shalt  }
0x50: {  	_ =	shalt  }
0x51: {  	_ =	shalt  }
0x52: {  	_ =	shalt  }
0x53: {  	_ =	shalt  }
0x54: {  	_ =	shalt  }
0x55: {  	_ =	shalt  }
0x56: {  	_ =	shalt  }
0x57: {  	_ =	shalt  }
0x58: {  	_ =	shalt  }
0x59: {  	_ =	shalt  }
0x5a: {  	_ =	shalt  }
0x5b: {  	_ =	shalt  }
0x5c: {  	_ =	shalt  }
0x5d: {  	_ =	shalt  }
0x5e: {  	_ =	shalt  }
0x5f: {  	_ =	shalt  }
0x60: {  	_ =	shalt  }
0x61: {  	_ =	shalt  }
0x62: {  	_ =	shalt  }
0x63: {  	_ =	shalt  }
0x64: {  	_ =	shalt  }
0x65: {  	_ =	shalt  }
0x66: {  	_ =	shalt  }
0x67: {  	_ =	shalt  }
0x68: {  	_ =	shalt  }
0x69: {  	_ =	shalt  }
0x6a: {  	_ =	shalt  }
0x6b: {  	_ =	shalt  }
0x6c: {  	_ =	shalt  }
0x6d: {  	_ =	shalt  }
0x6e: {  	_ =	shalt  }
0x6f: {  	_ =	shalt  }
0x70: {  	_ =	shalt  }
0x71: {  	_ =	shalt  }
0x72: {  	_ =	shalt  }
0x73: {  	_ =	shalt  }
0x74: {  	_ =	shalt  }
0x75: {  	_ =	shalt  }
0x76: {  	_ =	shalt  }
0x77: {  	_ =	shalt  }
0x78: {  	_ =	shalt  }
0x79: {  	_ =	shalt  }
0x7a: {  	_ =	shalt  }
0x7b: {  	_ =	shalt  }
0x7c: {  	_ =	shalt  }
0x7d: {  	_ =	shalt  }
0x7e: {  	_ =	shalt  }
0x7f: {  	_ =	shalt  }
0x80: {  	_ =	shalt  }
0x81: {  	_ =	shalt  }
0x82: {  	_ =	shalt  }
0x83: {  	_ =	shalt  }
0x84: {  	_ =	shalt  }
0x85: {  	_ =	shalt  }
0x86: {  	_ =	shalt  }
0x87: {  	_ =	shalt  }
.Lfunc_end0:
.L_simem_size_0:
called_computation.2_lowered:
.L_overlay_start_0:
0x88: {  	s2 =	sld [smem:$0x3FD9]  }
0x89: {  	s3 =	sld [smem:$0x3FFE];
	_ =	sdelay $0x1  }
0x8a: {  	s1 =	srdreg.scid  }
0x8b: {  	s0 =	sand.u32 $0x1, s1  }
0x8c: {  	s16 =	sshll.u32 s0, $0xA;
	s2 =	sadd.s32 s3, s2  }
0x8d: {  	s2 =	sadd.s32 s2, s16  }
0x8e: {  	[smem:$0x3FBE] =	sst s2  }
0x8f: {  	_ = 	snop  }
0x90: {  	(tm) =	ssettm $0x1  }
0x91: {  	s17 =	sld [smem:$0x3FFB];
	_ =	sdelay $0x3  }
0x92: {  	_ =	strace s17  }
0x93: {  	s2 =	sld [smem:$0x3FFC];
	_ =	sdelay $0x3  }
0x94: {  	_ =	strace s2  }
0x95: {  	s2 =	sld [smem:$0x3FFD];
	_ =	sdelay $0x3  }
0x96: {  	_ =	strace s2  }
0x97: {  	_ =	strace $0x8FFFFFFF  }
0x98: {  	s18 =	sld [smem:$0x3FDB];
	_ =	sdelay $0x1  }
0x99: {  	s19 =	simm.s32 $_scs_section_size  }
0x9a: {  	s4 =	simm.s32 $_size__tile_overlayer_lowered;
	s5 =	simm.s32 $_tile_overlayer_lowered  }
0x9b: {  	s22 =	simm.s32 $0x1BFF;
	s21 =	sshll.u32 s5, $0x1;
	s2 =	sadd.s32 s19, s18  }
0x9c: {  	s6 =	simm.s32 $0x0;
	s20 =	sshll.u32 s4, $0x1;
	s4 =	sadd.s32 s21, s2  }
0x9d: {  	[timem:s6], [sflag:s22] =	dma.local [hbm:s4], s20  }
0x9e: {  	_ =	swait.ge [sflag:s22], s20  }
0x9f: {  	s3 =	ssub.s32 $0x0, s20;
	[sflag:s22] =	ssyncset.done $0x0  }
0xa0: {  	[sflag:s22] =	ssyncadd.s32 s3;
	_ =	sdelay $0x1  }
0xa1: {  	s23 =	simm.s32 $0x1B8B  }
0xa2: {  	_ =	swait.ge [sflag:s23], $0x1  }
0xa3: {  	[sflag:s23] =	ssyncset.done $0x0  }
0xa4: {  	s25 =	simm.s32 $0x1B8E;
	s24 =	sld [smem:$0x3FFE];
	[sflag:s23] =	ssyncadd.s32 $0xFFFFFFFF  }
0xa5: {  	s26 =	simm.s32 $execute0_lowered;
	[smem:$0x3FD2] =	sst s25  }
0xa6: {  	s4 =	sshll.u32 s26, $0x1;
	_ =	strace $0x8000004C;
	[dreg:$0x1] =	wrdreg $0xFFFFFFFF  }
0xa7: {  	s28 =	simm.s32 $_size_execute0_lowered;
	s2 =	sadd.s32 s2, s4;
	[dreg:$0x0] =	wrdreg $0x0  }
0xa8: {  	s4 =	sshll.u32 s28, $0x1;
	[dreg:$0x2] =	wrdreg s2  }
0xa9: {  	[dreg:$0x3] =	wrdreg s4  }
0xaa: {  	[dreg:$0x4] =	wrdreg $0xC0  }
0xab: {  	_ =	task [dreg:s6], $0x5FFFF  }
0xac: {  	[dreg:$0x1] =	wrdreg $0xFFFFFFFF  }
0xad: {  	[dreg:$0x0] =	wrdreg $0x60  }
0xae: {  	[dreg:$0x2] =	wrdreg s24  }
0xaf: {  	[dreg:$0x3] =	wrdreg $0x111200  }
0xb0: {  	[dreg:$0x4] =	wrdreg $0x99200  }
0xb1: {  	[dreg:$0x5] =	wrdreg $0x9  }
0xb2: {  	_ =	task.clear_ibuf [dreg:s6], $0x6FFFF;
	_ =	strace $0x9000004C  }
0xb3: {  	s29 =	simm.s32 $0x9;
	_ =	strace $0x8000004E  }
0xb4: {  	_ =	swait.ge [sflag:s29], $0x1  }
0xb5: {  	[sflag:s29] =	ssyncadd.s32 $0xFFFFFFFF  }
0xb6: {  	_ =	strace $0x9000004E  }
0xb7: {  	_ =	sfence  }
0xb8: {  	s30 =	sld [smem:$0x0];
	_ =	sdelay $0x2  }
0xb9: {  	s31 =	sshll.u32 s1, $0xD;
	s1 =	sshrl.u32 s1, $0x2  }
0xba: {  	s3 =	sand.u32 $0x4000, s31;
	s1 =	sadd.s32 s1, s30  }
0xbb: {  	s0 =	sor.u32 s3, s0;
	s1 =	sshll.u32 s1, $0x11  }
0xbc: {  	s0 =	sor.u32 s1, s0  }
0xbd: {  	s0 =	sadd.s32 $0x8F2B, s0  }
0xbe: {  	[sflag:s0] =	ssyncadd.remote.s32 $0x1  }
0xbf: {  	_ =	sfence.sel $0xFFFF  }
0xc0: {  	[dreg:$0x0] =	wrdreg $0xFFFFFFFF;
	(pc) =	sbr.abs _section_cstart, $3  }
0xc1: {  	[dreg:$0x1] =	wrdreg $0xFFFFFFFF  }
0xc2: {  	_ =	task.clear_ibuf [dreg:s6], $0x2FFFF;
	_ =	strace $0x9FFFFFFF  }
0xc3: {  	(tm) =	ssettm $0x7FFFFFFF  }
tec
execute0_lowered:
.L_overlay_start_1:
0x0: {  	(tag) =	ssettag $0x1  }
0x1: {  	s10 =	stileid.u32;
	s1 =	rddreg [dreg:$0x0]  }
0x2: {  	s0 =	srdreg.scid;
	s2 =	rddreg [dreg:$0x1]  }
0x3: {  	s29 =	simm.s32 $0x4E20;
	s30 =	simm.s32 $0x6;
	s5 =	smul.u32 $0x7800, s10  }
0x4: {  	s31 =	simm.s32 $0x6C20;
	s0 =	sand.u32 $0x1, s0;
	s7 =	smul.u32 $0xF00, s10  }
0x5: {  	s3 =	sshll.u32 s10, $0x1;
	s12 =	smul.u32 $0x1E000, s10;
	s10 =	simm.s32 $0x3  }
0x6: {  	s4 =	sor.u32 s0, s3;
	s3 =	rddreg [dreg:$0x2];
	s9 =	smul.u32 $0xF000, s0  }
0x7: {  	s0 =	ssub.s32 $0x2, s0;
	s6 =	smul.u32 $0x4E2, s4;
	s4 =	simm.s32 $0x0  }
0x8: {  	s8 =	sshrl.u32 s5, $0x3;
	s11 =	sshrl.u32 s0, $0x1;
	s13 =	sadd.s32 s5, s3  }
0x9: {  	s15 =	sshrl.u32 s12, $0x2;
	s16 =	sadd.s32 s5, s2;
	s5 =	simm.s32 $0x7B20  }
0xa: {  	s12 =	simm.s32 $0x5;
	[smem:$0x7FF] =	sst s4;
	s8 =	sadd.s32 s8, s1  }
0xb: {  	s7 =	sadd.s32 s7, s9;
	s0 =	ssub.s32 s0, s11;
	s9 =	sadd.s32 s15, s2  }
0xc: {  	s11 =	simm.s32 $0x4;
	_ =	strace $0x8000004D;
	s6 =	sadd.s32 s6, s1  }
0xd: {  	s1 =	sadd.s32 s7, s1;
	s8 =	sadd.s32 $0x8C800, s8;
	s0 =	smax.u32 s0, $0x1  }
0xe: {  	s21 =	sadd.s32 $0x780, s9;
	s22 =	sadd.s32 $0xF00, s9;
	[dreg:$0x4] =	wrdreg s8  }
0xf: {  	s23 =	sadd.s32 $0x1680, s9;
	s24 =	sadd.s32 $0x1E00, s9;
	[dreg:$0x8] =	wrdreg s0  }
0x10: {  	s25 =	sadd.s32 $0x2580, s9;
	s26 =	sadd.s32 $0x2D00, s9;
	[dreg:$0x9] =	wrdreg s21  }
0x11: {  	s17 =	sadd.s32 $0x3480, s9;
	s18 =	sadd.s32 $0x3C00, s9;
	[dreg:$0xa] =	wrdreg s22  }
0x12: {  	s19 =	sadd.s32 $0x4380, s9;
	s20 =	sadd.s32 $0x4B00, s9;
	[dreg:$0xb] =	wrdreg s23  }
0x13: {  	s28 =	sadd.s32 $0x7080, s9;
	s7 =	simm.s32 $0x1;
	[dreg:$0xc] =	wrdreg s24  }
0x14: {  	s14 =	sadd.s32 $0x3800, s6;
	s6 =	sadd.s32 $0xD600, s6;
	[dreg:$0xd] =	wrdreg s25  }
0x15: {  	s1 =	sadd.s32 $0x9B800, s1;
	[dreg:$0xe] =	wrdreg s26;
	s21 =	sadd.s32 $0x5280, s9  }
0x16: {  	s22 =	sadd.s32 $0x5A00, s9;
	s23 =	sadd.s32 $0x6180, s9;
	s24 =	sshrl.u32 s13, $0x3  }
0x17: {  	s25 =	sshrl.u32 s16, $0x3;
	s26 =	sadd.s32 $0x6900, s9;
	[dreg:$0x5] =	wrdreg s14  }
0x18: {  	s0 =	simm.s32 $0x5D20;
	s8 =	simm.s32 $0x2;
	[dreg:$0x6] =	wrdreg s6  }
0x19: {  	v0 =	vimm.f32 $0.0e+00;
	[dreg:$0x7] =	wrdreg s1;
	s1 =	simm.s32 $0x50;
	s6 =	simm.s32 $0x8A20  }
.LBB2_1:
0x1a: {  	s13 =	simm.s32 $0xC0;
	s14 =	simm.s32 $0x0  }
.LBB2_2:
0x1b: {  	p0 =	sne.s32 s13, $0x3B40;
	[tilespmem:s14+$0x4E40] =	vst v0;
	s15 =	smov.u32 s13;
	s13 =	sadd.s32 $0xC0, s13  }
.Ltmp0:
0x1c: {  	[tilespmem:s14+$0x4E20] =	vst v0;
	(pc) =	sbr.rel @p0 .LBB2_2-.Ltmp0, $2  }
0x1d: {  	[tilespmem:s14+$0x4E30] =	vst v0;
	_ =	sdelay $0x2  }
0x1e: {  	s14 =	sshra.s32 s15, $0x2  }
0x1f: {  	[tilespmem:s14+$0x4E40] =	vst v0  }
0x20: {  	[tilespmem:s14+$0x4E20] =	vst v0  }
0x21: {  	[tilespmem:s14+$0x4E30] =	vst v0  }
0x22: {  	[spmem:s9] =	stream.linear.scatter [tilespmem:s29], [sflag:$0x6], $0x780, $0x38;
	[tilespmem:$0x18920] =	vst v63  }
0x23: {  	_ =	swait.ge [sflag:s30], $0x780  }
0x24: {  	[sflag:s30] =	ssyncset.done $0x0  }
0x25: {  	s13 =	rddreg [dreg:$0x9];
	[sflag:s30] =	ssyncadd.s32 $0xFFFFF880  }
0x26: {  	[spmem:s13] =	stream.linear.scatter [tilespmem:s29], [sflag:$0x6], $0x780, $0x38;
	[tilespmem:$0x18920] =	vst v63  }
0x27: {  	_ =	swait.ge [sflag:s30], $0x780  }
0x28: {  	[sflag:s30] =	ssyncset.done $0x0  }
0x29: {  	s16 =	rddreg [dreg:$0xa];
	[sflag:s30] =	ssyncadd.s32 $0xFFFFF880  }
0x2a: {  	[spmem:s16] =	stream.linear.scatter [tilespmem:s29], [sflag:$0x6], $0x780, $0x38;
	[tilespmem:$0x18920] =	vst v63  }
0x2b: {  	_ =	swait.ge [sflag:s30], $0x780  }
0x2c: {  	[sflag:s30] =	ssyncset.done $0x0  }
0x2d: {  	s14 =	rddreg [dreg:$0xb];
	[sflag:s30] =	ssyncadd.s32 $0xFFFFF880  }
0x2e: {  	[spmem:s14] =	stream.linear.scatter [tilespmem:s29], [sflag:$0x6], $0x780, $0x38;
	[tilespmem:$0x18920] =	vst v63  }
0x2f: {  	_ =	swait.ge [sflag:s30], $0x780  }
0x30: {  	[sflag:s30] =	ssyncset.done $0x0  }
0x31: {  	s15 =	rddreg [dreg:$0xc];
	[sflag:s30] =	ssyncadd.s32 $0xFFFFF880  }
0x32: {  	[spmem:s15] =	stream.linear.scatter [tilespmem:s29], [sflag:$0x6], $0x780, $0x38;
	[tilespmem:$0x18920] =	vst v63  }
0x33: {  	_ =	swait.ge [sflag:s30], $0x780  }
0x34: {  	[sflag:s30] =	ssyncset.done $0x0  }
0x35: {  	s16 =	rddreg [dreg:$0xd];
	[sflag:s30] =	ssyncadd.s32 $0xFFFFF880  }
0x36: {  	[spmem:s16] =	stream.linear.scatter [tilespmem:s29], [sflag:$0x6], $0x780, $0x38;
	[tilespmem:$0x18920] =	vst v63  }
0x37: {  	_ =	swait.ge [sflag:s30], $0x780  }
0x38: {  	[sflag:s30] =	ssyncset.done $0x0  }
0x39: {  	s14 =	rddreg [dreg:$0xe];
	[sflag:s30] =	ssyncadd.s32 $0xFFFFF880  }
0x3a: {  	[spmem:s14] =	stream.linear.scatter [tilespmem:s29], [sflag:$0x6], $0x780, $0x38;
	[tilespmem:$0x18920] =	vst v63  }
0x3b: {  	_ =	swait.ge [sflag:s30], $0x780  }
0x3c: {  	[sflag:s30] =	ssyncset.done $0x0  }
0x3d: {  	[sflag:s30] =	ssyncadd.s32 $0xFFFFF880  }
0x3e: {  	[spmem:s17] =	stream.linear.scatter [tilespmem:s29], [sflag:$0x6], $0x780, $0x38;
	[tilespmem:$0x18920] =	vst v63  }
0x3f: {  	_ =	swait.ge [sflag:s30], $0x780  }
0x40: {  	[sflag:s30] =	ssyncset.done $0x0  }
0x41: {  	[sflag:s30] =	ssyncadd.s32 $0xFFFFF880  }
0x42: {  	[spmem:s18] =	stream.linear.scatter [tilespmem:s29], [sflag:$0x6], $0x780, $0x38;
	[tilespmem:$0x18920] =	vst v63  }
0x43: {  	_ =	swait.ge [sflag:s30], $0x780  }
0x44: {  	[sflag:s30] =	ssyncset.done $0x0  }
0x45: {  	[sflag:s30] =	ssyncadd.s32 $0xFFFFF880  }
0x46: {  	[spmem:s19] =	stream.linear.scatter [tilespmem:s29], [sflag:$0x6], $0x780, $0x38;
	[tilespmem:$0x18920] =	vst v63  }
0x47: {  	_ =	swait.ge [sflag:s30], $0x780  }
0x48: {  	[sflag:s30] =	ssyncset.done $0x0  }
0x49: {  	[sflag:s30] =	ssyncadd.s32 $0xFFFFF880  }
0x4a: {  	[spmem:s20] =	stream.linear.scatter [tilespmem:s29], [sflag:$0x6], $0x780, $0x38;
	[tilespmem:$0x18920] =	vst v63  }
0x4b: {  	_ =	swait.ge [sflag:s30], $0x780  }
0x4c: {  	[sflag:s30] =	ssyncset.done $0x0  }
0x4d: {  	[sflag:s30] =	ssyncadd.s32 $0xFFFFF880  }
0x4e: {  	[spmem:s21] =	stream.linear.scatter [tilespmem:s29], [sflag:$0x6], $0x780, $0x38;
	[tilespmem:$0x18920] =	vst v63  }
0x4f: {  	_ =	swait.ge [sflag:s30], $0x780  }
0x50: {  	[sflag:s30] =	ssyncset.done $0x0  }
0x51: {  	[sflag:s30] =	ssyncadd.s32 $0xFFFFF880  }
0x52: {  	[spmem:s22] =	stream.linear.scatter [tilespmem:s29], [sflag:$0x6], $0x780, $0x38;
	[tilespmem:$0x18920] =	vst v63  }
0x53: {  	_ =	swait.ge [sflag:s30], $0x780  }
0x54: {  	[sflag:s30] =	ssyncset.done $0x0  }
0x55: {  	[sflag:s30] =	ssyncadd.s32 $0xFFFFF880  }
0x56: {  	[spmem:s23] =	stream.linear.scatter [tilespmem:s29], [sflag:$0x6], $0x780, $0x38;
	[tilespmem:$0x18920] =	vst v63  }
0x57: {  	_ =	swait.ge [sflag:s30], $0x780  }
0x58: {  	[sflag:s30] =	ssyncset.done $0x0  }
0x59: {  	[sflag:s30] =	ssyncadd.s32 $0xFFFFF880  }
0x5a: {  	[spmem:s26] =	stream.linear.scatter [tilespmem:s29], [sflag:$0x6], $0x780, $0x38;
	[tilespmem:$0x18920] =	vst v63  }
0x5b: {  	_ =	swait.ge [sflag:s30], $0x780  }
0x5c: {  	[sflag:s30] =	ssyncset.done $0x0  }
0x5d: {  	[sflag:s30] =	ssyncadd.s32 $0xFFFFF880  }
0x5e: {  	[spmem:s28] =	stream.linear.scatter [tilespmem:s29], [sflag:$0x6], $0x780, $0x38;
	[tilespmem:$0x18920] =	vst v63  }
0x5f: {  	s15 =	stileid.u32;
	_ =	swait.ge [sflag:s30], $0x780  }
0x60: {  	s13 =	sshll.u32 s15, $0x6;
	[sflag:s30] =	ssyncset.done $0x0  }
0x61: {  	s13 =	sor.u32 $0x1C06, s13;
	s16 =	rddreg [dreg:$0x4];
	[sflag:s30] =	ssyncadd.s32 $0xFFFFF880  }
0x62: {  	[spmem:s24], [sflag:s13] =	dma.local [hbm:s16], $0xF00  }
0x63: {  	_ =	swait.ge [sflag:s30], $0xF00  }
0x64: {  	[sflag:s30] =	ssyncset.done $0x0  }
0x65: {  	s14 =	simm.s32 $0x0;
	s15 =	rddreg [dreg:$0x5];
	[sflag:s30] =	ssyncadd.s32 $0xFFFFF100  }
0x66: {  	[tilespmem:s14], [sflag:$0x6] =	stream.linear.gather [hbm4b:s15+s14], $0x2710, $0x38;
	[tilespmem:$0x18920] =	vst v63  }
0x67: {  	_ =	swait.ge [sflag:s30], $0x2710  }
0x68: {  	[sflag:s30] =	ssyncset.done $0x0  }
0x69: {  	s16 =	simm.s32 $0x2710;
	s15 =	rddreg [dreg:$0x6];
	[sflag:s30] =	ssyncadd.s32 $0xFFFFD8F0  }
0x6a: {  	[tilespmem:s16], [sflag:$0x6] =	stream.linear.gather [hbm4b:s15+s14], $0x2710, $0x38;
	[tilespmem:$0x18920] =	vst v63  }
0x6b: {  	_ =	swait.ge [sflag:s30], $0x2710  }
0x6c: {  	[sflag:s30] =	ssyncset.done $0x0  }
0x6d: {  	[sflag:s30] =	ssyncadd.s32 $0xFFFFD8F0  }
0x6e: {  	[bflag:$0x0] =	sbarrier.arrive $0xFFFF  }
0x6f: {  	[tilespmem:s29], [sflag:$0x1] =	stream.indirect.gather [spmem:s3], $0x30, s14, s1, $0xb8;
	[tilespmem:$0x18920] =	vst v63  }
0x70: {  	_ = 	snop  }
0x71: {  	[tilespmem:s0], [sflag:$0x2] =	stream.indirect.gather [spmem:s3], $0x30, s1, s1, $0xb8;
	[tilespmem:$0x18920] =	vst v63  }
0x72: {  	s15 =	simm.s32 $0xA0  }
0x73: {  	[tilespmem:s31], [sflag:$0x3] =	stream.indirect.gather [spmem:s3], $0x30, s15, s1, $0xb8;
	[tilespmem:$0x18920] =	vst v63  }
0x74: {  	s16 =	simm.s32 $0xF0  }
0x75: {  	[tilespmem:s5], [sflag:$0x4] =	stream.indirect.gather [spmem:s3], $0x30, s16, s1, $0xb8;
	[tilespmem:$0x18920] =	vst v63  }
0x76: {  	s15 =	simm.s32 $0x140  }
0x77: {  	[tilespmem:s6], [sflag:$0x5] =	stream.indirect.gather [spmem:s3], $0x30, s15, s1, $0xb8;
	[tilespmem:$0x18920] =	vst v63  }
0x78: {  	_ =	swait.ge [sflag:s7], $0xF00  }
0x79: {  	[sflag:s7] =	ssyncset.done $0x0  }
0x7a: {  	s16 =	simm.s32 $0x2710;
	[sflag:s7] =	ssyncadd.s32 $0xFFFFF100  }
0x7b: {  	[spmem:s2] =	stream.indirect.scatter.add.f32 [tilespmem:s29], [sflag:$0x6], $0x30, s16, s1, $0xb8;
	[tilespmem:$0x18920] =	vst v63  }
0x7c: {  	_ =	swait.ge [sflag:s30], $0xF00  }
0x7d: {  	[sflag:s30] =	ssyncset.done $0x0  }
0x7e: {  	s15 =	simm.s32 $0x190;
	[sflag:s30] =	ssyncadd.s32 $0xFFFFF100  }
0x7f: {  	[tilespmem:s29], [sflag:$0x1] =	stream.indirect.gather [spmem:s3], $0x30, s15, s1, $0xb8;
	[tilespmem:$0x18920] =	vst v63  }
0x80: {  	_ =	swait.ge [sflag:s8], $0xF00  }
0x81: {  	[sflag:s8] =	ssyncset.done $0x0  }
0x82: {  	s16 =	simm.s32 $0x2760;
	[sflag:s8] =	ssyncadd.s32 $0xFFFFF100  }
0x83: {  	[spmem:s2] =	stream.indirect.scatter.add.f32 [tilespmem:s0], [sflag:$0x6], $0x30, s16, s1, $0xb8;
	[tilespmem:$0x18920] =	vst v63  }
0x84: {  	_ =	swait.ge [sflag:s30], $0xF00  }
0x85: {  	[sflag:s30] =	ssyncset.done $0x0  }
0x86: {  	s15 =	simm.s32 $0x1E0;
	[sflag:s30] =	ssyncadd.s32 $0xFFFFF100  }
0x87: {  	[tilespmem:s0], [sflag:$0x2] =	stream.indirect.gather [spmem:s3], $0x30, s15, s1, $0xb8;
	[tilespmem:$0x18920] =	vst v63  }
0x88: {  	_ =	swait.ge [sflag:s10], $0xF00  }
0x89: {  	[sflag:s10] =	ssyncset.done $0x0  }
0x8a: {  	s16 =	simm.s32 $0x27B0;
	[sflag:s10] =	ssyncadd.s32 $0xFFFFF100  }
0x8b: {  	[spmem:s2] =	stream.indirect.scatter.add.f32 [tilespmem:s31], [sflag:$0x6], $0x30, s16, s1, $0xb8;
	[tilespmem:$0x18920] =	vst v63  }
0x8c: {  	_ =	swait.ge [sflag:s30], $0xF00  }
0x8d: {  	[sflag:s30] =	ssyncset.done $0x0  }
0x8e: {  	s15 =	simm.s32 $0x230;
	[sflag:s30] =	ssyncadd.s32 $0xFFFFF100  }
0x8f: {  	[tilespmem:s31], [sflag:$0x3] =	stream.indirect.gather [spmem:s3], $0x30, s15, s1, $0xb8;
	[tilespmem:$0x18920] =	vst v63  }
0x90: {  	_ =	swait.ge [sflag:s11], $0xF00  }
0x91: {  	[sflag:s11] =	ssyncset.done $0x0  }
0x92: {  	s16 =	simm.s32 $0x2800;
	[sflag:s11] =	ssyncadd.s32 $0xFFFFF100  }
0x93: {  	[spmem:s2] =	stream.indirect.scatter.add.f32 [tilespmem:s5], [sflag:$0x6], $0x30, s16, s1, $0xb8;
	[tilespmem:$0x18920] =	vst v63  }
0x94: {  	_ =	swait.ge [sflag:s30], $0xF00  }
0x95: {  	[sflag:s30] =	ssyncset.done $0x0  }
0x96: {  	s15 =	simm.s32 $0x280;
	[sflag:s30] =	ssyncadd.s32 $0xFFFFF100  }
0x97: {  	[tilespmem:s5], [sflag:$0x4] =	stream.indirect.gather [spmem:s3], $0x30, s15, s1, $0xb8;
	[tilespmem:$0x18920] =	vst v63  }
0x98: {  	_ =	swait.ge [sflag:s12], $0xF00  }
0x99: {  	[sflag:s12] =	ssyncset.done $0x0  }
0x9a: {  	s16 =	simm.s32 $0x2850;
	[sflag:s12] =	ssyncadd.s32 $0xFFFFF100  }
0x9b: {  	[spmem:s2] =	stream.indirect.scatter.add.f32 [tilespmem:s6], [sflag:$0x6], $0x30, s16, s1, $0xb8;
	[tilespmem:$0x18920] =	vst v63  }
0x9c: {  	_ =	swait.ge [sflag:s30], $0xF00  }
0x9d: {  	[sflag:s30] =	ssyncset.done $0x0  }
0x9e: {  	s14 =	simm.s32 $0x640;
	s15 =	simm.s32 $0x2D0;
	[sflag:s30] =	ssyncadd.s32 $0xFFFFF100  }
.LBB2_4:
0x9f: {  	[tilespmem:s6], [sflag:$0x5] =	stream.indirect.gather [spmem:s3], $0x30, s15, s1, $0xb8;
	[tilespmem:$0x18920] =	vst v63  }
0xa0: {  	s15 =	smov.u32 s14  }
0xa1: {  	p0 =	sne.s32 s14, $0x8FC0;
	s14 =	sadd.s32 $0x640, s14;
	_ =	swait.ge [sflag:s7], $0xF00  }
0xa2: {  	s15 =	sshra.s32 s15, $0x2;
	[sflag:s7] =	ssyncset.done $0x0  }
0xa3: {  	s16 =	sadd.s32 $0x2710, s15;
	[sflag:s7] =	ssyncadd.s32 $0xFFFFF100  }
0xa4: {  	[spmem:s2] =	stream.indirect.scatter.add.f32 [tilespmem:s29], [sflag:$0x6], $0x30, s16, s1, $0xb8;
	[tilespmem:$0x18920] =	vst v63  }
0xa5: {  	_ =	swait.ge [sflag:s30], $0xF00  }
0xa6: {  	[sflag:s30] =	ssyncset.done $0x0  }
0xa7: {  	s16 =	sadd.s32 $0x190, s15;
	[sflag:s30] =	ssyncadd.s32 $0xFFFFF100  }
0xa8: {  	[tilespmem:s29], [sflag:$0x1] =	stream.indirect.gather [spmem:s3], $0x30, s16, s1, $0xb8;
	[tilespmem:$0x18920] =	vst v63  }
0xa9: {  	_ =	swait.ge [sflag:s8], $0xF00  }
0xaa: {  	[sflag:s8] =	ssyncset.done $0x0  }
0xab: {  	s16 =	sadd.s32 $0x2760, s15;
	[sflag:s8] =	ssyncadd.s32 $0xFFFFF100  }
0xac: {  	[spmem:s2] =	stream.indirect.scatter.add.f32 [tilespmem:s0], [sflag:$0x6], $0x30, s16, s1, $0xb8;
	[tilespmem:$0x18920] =	vst v63  }
0xad: {  	_ =	swait.ge [sflag:s30], $0xF00  }
0xae: {  	[sflag:s30] =	ssyncset.done $0x0  }
0xaf: {  	s16 =	sadd.s32 $0x1E0, s15;
	[sflag:s30] =	ssyncadd.s32 $0xFFFFF100  }
0xb0: {  	[tilespmem:s0], [sflag:$0x2] =	stream.indirect.gather [spmem:s3], $0x30, s16, s1, $0xb8;
	[tilespmem:$0x18920] =	vst v63  }
0xb1: {  	_ =	swait.ge [sflag:s10], $0xF00  }
0xb2: {  	[sflag:s10] =	ssyncset.done $0x0  }
0xb3: {  	s16 =	sadd.s32 $0x27B0, s15;
	[sflag:s10] =	ssyncadd.s32 $0xFFFFF100  }
0xb4: {  	[spmem:s2] =	stream.indirect.scatter.add.f32 [tilespmem:s31], [sflag:$0x6], $0x30, s16, s1, $0xb8;
	[tilespmem:$0x18920] =	vst v63  }
0xb5: {  	_ =	swait.ge [sflag:s30], $0xF00  }
0xb6: {  	[sflag:s30] =	ssyncset.done $0x0  }
0xb7: {  	s16 =	sadd.s32 $0x230, s15;
	[sflag:s30] =	ssyncadd.s32 $0xFFFFF100  }
0xb8: {  	[tilespmem:s31], [sflag:$0x3] =	stream.indirect.gather [spmem:s3], $0x30, s16, s1, $0xb8;
	[tilespmem:$0x18920] =	vst v63  }
0xb9: {  	_ =	swait.ge [sflag:s11], $0xF00  }
0xba: {  	[sflag:s11] =	ssyncset.done $0x0  }
0xbb: {  	s16 =	sadd.s32 $0x2800, s15;
	[sflag:s11] =	ssyncadd.s32 $0xFFFFF100  }
0xbc: {  	[spmem:s2] =	stream.indirect.scatter.add.f32 [tilespmem:s5], [sflag:$0x6], $0x30, s16, s1, $0xb8;
	[tilespmem:$0x18920] =	vst v63  }
0xbd: {  	_ =	swait.ge [sflag:s30], $0xF00  }
0xbe: {  	[sflag:s30] =	ssyncset.done $0x0  }
0xbf: {  	s16 =	sadd.s32 $0x280, s15;
	[sflag:s30] =	ssyncadd.s32 $0xFFFFF100  }
0xc0: {  	[tilespmem:s5], [sflag:$0x4] =	stream.indirect.gather [spmem:s3], $0x30, s16, s1, $0xb8;
	[tilespmem:$0x18920] =	vst v63  }
0xc1: {  	_ =	swait.ge [sflag:s12], $0xF00  }
0xc2: {  	[sflag:s12] =	ssyncset.done $0x0  }
.Ltmp1:
0xc3: {  	s16 =	sadd.s32 $0x2850, s15;
	[sflag:s12] =	ssyncadd.s32 $0xFFFFF100;
	(pc) =	sbr.rel @p0 .LBB2_4-.Ltmp1, $4  }
0xc4: {  	[spmem:s2] =	stream.indirect.scatter.add.f32 [tilespmem:s6], [sflag:$0x6], $0x30, s16, s1, $0xb8;
	[tilespmem:$0x18920] =	vst v63  }
0xc5: {  	_ =	swait.ge [sflag:s30], $0xF00  }
0xc6: {  	[sflag:s30] =	ssyncset.done $0x0  }
0xc7: {  	s15 =	sadd.s32 $0x2D0, s15;
	[sflag:s30] =	ssyncadd.s32 $0xFFFFF100  }
0xc8: {  	[tilespmem:s6], [sflag:$0x5] =	stream.indirect.gather [spmem:s3], $0x30, s15, s1, $0xb8;
	[tilespmem:$0x18920] =	vst v63  }
0xc9: {  	_ =	swait.ge [sflag:s7], $0xF00  }
0xca: {  	[sflag:s7] =	ssyncset.done $0x0  }
0xcb: {  	s14 =	simm.s32 $0x4C90;
	[sflag:s7] =	ssyncadd.s32 $0xFFFFF100  }
0xcc: {  	[spmem:s2] =	stream.indirect.scatter.add.f32 [tilespmem:s29], [sflag:$0x6], $0x30, s14, s1, $0xb8;
	[tilespmem:$0x18920] =	vst v63  }
0xcd: {  	_ =	swait.ge [sflag:s30], $0xF00  }
0xce: {  	[sflag:s30] =	ssyncset.done $0x0  }
0xcf: {  	[sflag:s30] =	ssyncadd.s32 $0xFFFFF100  }
0xd0: {  	_ =	swait.ge [sflag:s8], $0xF00  }
0xd1: {  	[sflag:s8] =	ssyncset.done $0x0  }
0xd2: {  	s15 =	simm.s32 $0x4CE0;
	[sflag:s8] =	ssyncadd.s32 $0xFFFFF100  }
0xd3: {  	[spmem:s2] =	stream.indirect.scatter.add.f32 [tilespmem:s0], [sflag:$0x6], $0x30, s15, s1, $0xb8;
	[tilespmem:$0x18920] =	vst v63  }
0xd4: {  	_ =	swait.ge [sflag:s30], $0xF00  }
0xd5: {  	[sflag:s30] =	ssyncset.done $0x0  }
0xd6: {  	[sflag:s30] =	ssyncadd.s32 $0xFFFFF100  }
0xd7: {  	_ =	swait.ge [sflag:s10], $0xF00  }
0xd8: {  	[sflag:s10] =	ssyncset.done $0x0  }
0xd9: {  	s16 =	simm.s32 $0x4D30;
	[sflag:s10] =	ssyncadd.s32 $0xFFFFF100  }
0xda: {  	[spmem:s2] =	stream.indirect.scatter.add.f32 [tilespmem:s31], [sflag:$0x6], $0x30, s16, s1, $0xb8;
	[tilespmem:$0x18920] =	vst v63  }
0xdb: {  	_ =	swait.ge [sflag:s30], $0xF00  }
0xdc: {  	[sflag:s30] =	ssyncset.done $0x0  }
0xdd: {  	[sflag:s30] =	ssyncadd.s32 $0xFFFFF100  }
0xde: {  	_ =	swait.ge [sflag:s11], $0xF00  }
0xdf: {  	[sflag:s11] =	ssyncset.done $0x0  }
0xe0: {  	s15 =	simm.s32 $0x4D80;
	[sflag:s11] =	ssyncadd.s32 $0xFFFFF100  }
0xe1: {  	[spmem:s2] =	stream.indirect.scatter.add.f32 [tilespmem:s5], [sflag:$0x6], $0x30, s15, s1, $0xb8;
	[tilespmem:$0x18920] =	vst v63  }
0xe2: {  	_ =	swait.ge [sflag:s30], $0xF00  }
0xe3: {  	[sflag:s30] =	ssyncset.done $0x0  }
0xe4: {  	[sflag:s30] =	ssyncadd.s32 $0xFFFFF100  }
0xe5: {  	_ =	swait.ge [sflag:s12], $0xF00  }
0xe6: {  	[sflag:s12] =	ssyncset.done $0x0  }
0xe7: {  	s16 =	simm.s32 $0x4DD0;
	[sflag:s12] =	ssyncadd.s32 $0xFFFFF100  }
0xe8: {  	[spmem:s2] =	stream.indirect.scatter.add.f32 [tilespmem:s6], [sflag:$0x6], $0x30, s16, s1, $0xb8;
	[tilespmem:$0x18920] =	vst v63  }
0xe9: {  	_ =	swait.ge [sflag:s30], $0xF00  }
0xea: {  	[sflag:s30] =	ssyncset.done $0x0  }
0xeb: {  	[sflag:s30] =	ssyncadd.s32 $0xFFFFF100  }
0xec: {  	[bflag:$0x0] =	sbarrier.arrive $0xFFFF  }
0xed: {  	s15 =	rddreg [dreg:$0x7]  }
0xee: {  	[hbm:s15], [sflag:s13] =	dma.local [spmem:s25], $0xF00  }
0xef: {  	_ =	swait.ge [sflag:s30], $0xF00  }
0xf0: {  	s4 =	sadd.s32 $0x1, s4;
	s16 =	rddreg [dreg:$0x8]  }
0xf1: {  	p0 =	sne.s32 s4, s16  }
.Ltmp2:
0xf2: {  	_ = 	snop;
	(pc) =	sbr.rel @p0 .LBB2_1-.Ltmp2, $3  }
0xf3: {  	_ =	sdelay $0x1  }
0xf4: {  	[sflag:s30] =	ssyncset.done $0x0  }
0xf5: {  	[sflag:s30] =	ssyncadd.s32 $0xFFFFF100  }
0xf6: {  	_ =	sfence.sel $0x180000  }
0xf7: {  	[bflag:$0x0] =	sbarrier.arrive $0xFFFF  }
0xf8: {  	_ =	strace $0x9000004D  }
0xf9: {  	s0 =	stileid.u32;
	[bflag:$0x2] =	sbarrier.arrive $0xFFFF  }
0xfa: {  	p0 =	sne.s32 s0, $0x0;
	s0 =	rddreg [dreg:$0x3]  }
0xfb: {  	s0 =	sadd.s32 @!p0 $0x100000, s0  }
0xfc: {  	[sflag:s0] =	ssyncadd.tile.s32 @!p0 $0x1;
	_ =	shalt  }
.Lfunc_end2:
_tile_overlayer_lowered:
.L_overlay_start_2:
0xfd: {  	(tag) =	ssettag $0x2  }
0xfe: {  	s0 =	rddreg [dreg:$0x0];
	s2 =	stileid.u32  }
0xff: {  	s1 =	rddreg [dreg:$0x1];
	p0 =	sne.s32 s2, $0x0  }
0x100: {  	s3 =	rddreg [dreg:$0x2];
	[bflag:$0x3] =	sbarrier.arrive $0xFFFF;
	s2 =	simm.s32 @!p0 $0x1C06  }
0x101: {  	[timem:s3], [sflag:s2] =	dma.local @!p0 [hbm:s0], s1  }
0x102: {  	s0 =	simm.s32 @!p0 $0x6  }
0x103: {  	_ =	swait.ge @!p0 [sflag:s0], s1  }
0x104: {  	s1 =	ssub.s32 @!p0 $0x0, s1;
	[sflag:s0] =	ssyncset.done @!p0 $0x0  }
0x105: {  	[sflag:s0] =	ssyncadd.s32 @!p0 s1  }
0x106: {  	[bflag:$0x3] =	sbarrier.arrive $0xFFFF  }
0x107: {  	_ =	shalt  }

// kernel: kernel.8.cloned.1.call-start
scs
__scs_entry_jumppad:
0x0: {  	(pc) =	sbr.rel $0x88, $3  }
0x1: {  	(tag) =	ssettag $0x0;
	lr =	simm.s32 $0x1  }
0x2: {  	[smem:$0x3F97] =	sst lr;
	_ =	strace $0xD0000000  }
0x3: {  	_ = 	snop  }
0x4: {  	_ = 	snop  }
0x5: {  	_ = 	snop  }
0x6: {  	_ = 	snop  }
0x7: {  	_ = 	snop  }
__scs_overlays_trampoline_lowered:
0x8: {  	[smem:$0x3FA6] =	sst s0  }
0x9: {  	[smem:$0x3FA7] =	sst s1  }
0xa: {  	[smem:$0x3FA8] =	sst s2  }
0xb: {  	[smem:$0x3FA9] =	sst s3  }
0xc: {  	[smem:$0x3FAA] =	sst s4  }
0xd: {  	[smem:$0x3FAB] =	sst s5  }
0xe: {  	[smem:$0x3FAC] =	sst s6  }
0xf: {  	[smem:$0x3FAD] =	sst s7  }
0x10: {  	[smem:$0x3FAE] =	sst s8  }
0x11: {  	[smem:$0x3FAF] =	sst s9;
	s0 =	simm.s32 @!p0 $0x0  }
0x12: {  	s1 =	sld [smem:$0x3F95];
	s0 =	simm.s32 @p0 $0x1  }
0x13: {  	[smem:$0x3FB0] =	sst s0;
	s0 =	simm.s32 @!p1 $0x0  }
0x14: {  	s2 =	sld [smem:$0x3F94];
	s0 =	simm.s32 @p1 $0x1  }
0x15: {  	[smem:$0x3FB1] =	sst s0;
	s0 =	simm.s32 @!p2 $0x0  }
0x16: {  	s3 =	sld [smem:$0x3FDB];
	s0 =	simm.s32 @p2 $0x1  }
0x17: {  	s4 =	simm.s32 $0x1BF5;
	[smem:$0x3FB3] =	sst s0  }
0x18: {  	s0 =	sld [smem:$0x3F96];
	_ =	swait.ge [sflag:s4], $0x0  }
0x19: {  	s7 =	sld [smem:$0x3F97]  }
0x1a: {  	s8 =	sadd.s32 $0xFFFFE003, lr  }
0x1b: {  	s9 =	sadd.s32 $0xFFFFFEF7, lr;
	s5 =	simm.s32 $0xFFFFFFFF;
	p2 =	slt.u32 s8, $0xFFFFF086  }
0x1c: {  	p1 =	slt.u32 s9, $0xF7A;
	s5 =	simm.s32 @!p2 $0x0  }
0x1d: {  	s5 =	simm.s32 @p1 $0x1;
	p0 =	seq.s32 s7, s2  }
0x1e: {  	s7 =	smul.u32 @!p0 $0xF7A, s2;
	p2 =	seq.s32 @!p0 s5, $0x0  }
0x1f: {  	s9 =	smul.u32 $0xF7A, s1;
	s8 =	simm.s32 @!p0 $0x1BF5;
	p2 =	por !p2, p0  }
0x20: {  	[sflag:s8] =	ssyncset.s32 @!p0 $0xFFFFF086;
	s6 =	sadd.s32 @!p0 s3, s7;
	s7 =	simm.s32 @!p0 $0x108  }
0x21: {  	s3 =	sadd.s32 s3, s9;
	s6 =	sadd.s32 @!p0 $0x88, s6;
	s7 =	simm.s32 @p2 $0x1082  }
0x22: {  	[simem:s7], [sflag:s8] =	dma.local @!p0 [hbm:s6], $0xF7A  }
0x23: {  	s9 =	sor.u32 $0xD0000000, s2;
	s6 =	simm.s32 $0x108;
	_ =	swait.ge @!p0 [sflag:s8], $0x0  }
0x24: {  	s3 =	sadd.s32 $0x88, s3;
	s6 =	simm.s32 @!p1 $0x1082;
	[sflag:s4] =	ssyncset.s32 $0xFFFFF086  }
0x25: {  	[simem:s6], [sflag:s4] =	dma.local [hbm:s3], $0xF7A  }
0x26: {  	[smem:$0x3F97] =	sst s1;
	(tag) =	ssettag s2;
	_ =	strace s9  }
0x27: {  	s1 =	sld [smem:$0x3FA7]  }
0x28: {  	s2 =	sld [smem:$0x3FA8]  }
0x29: {  	s4 =	sld [smem:$0x3FAA]  }
0x2a: {  	p0 =	seq.s32 s5, $0x0;
	s5 =	sld [smem:$0x3FAB]  }
0x2b: {  	s6 =	sld [smem:$0x3FAC]  }
0x2c: {  	s7 =	sld [smem:$0x3FAD]  }
0x2d: {  	s3 =	simm.s32 $0x108;
	s8 =	sld [smem:$0x3FAE]  }
0x2e: {  	s3 =	simm.s32 @!p0 $0x1082;
	s9 =	sld [smem:$0x3FAF]  }
0x2f: {  	lr =	sadd.s32 s0, s3;
	s0 =	sld [smem:$0x3FA6]  }
0x30: {  	s3 =	sld [smem:$0x3FA9]  }
0x31: {  	[smem:$0x3FB2] =	sst s10  }
0x32: {  	s10 =	sld [smem:$0x3FB0];
	_ =	sdelay $0x3  }
0x33: {  	p0 =	seq.s32 s10, $0x1;
	s10 =	sld [smem:$0x3FB2];
	_ =	sdelay $0x3  }
0x34: {  	[smem:$0x3FB2] =	sst s10  }
0x35: {  	s10 =	sld [smem:$0x3FB1];
	_ =	sdelay $0x3  }
0x36: {  	p1 =	seq.s32 s10, $0x1;
	s10 =	sld [smem:$0x3FB2];
	_ =	sdelay $0x3  }
0x37: {  	[smem:$0x3FB2] =	sst s10  }
0x38: {  	s10 =	sld [smem:$0x3FB3]  }
0x39: {  	_ = 	snop;
	(pc) =	sbr.ind lr, $3  }
0x3a: {  	_ = 	snop  }
0x3b: {  	_ = 	snop  }
0x3c: {  	p2 =	seq.s32 s10, $0x1;
	s10 =	sld [smem:$0x3FB2]  }
0x3d: {  	_ =	shalt  }
0x3e: {  	_ =	shalt  }
0x3f: {  	_ =	shalt  }
0x40: {  	_ =	shalt  }
0x41: {  	_ =	shalt  }
0x42: {  	_ =	shalt  }
0x43: {  	_ =	shalt  }
0x44: {  	_ =	shalt  }
0x45: {  	_ =	shalt  }
0x46: {  	_ =	shalt  }
0x47: {  	_ =	shalt  }
0x48: {  	_ =	shalt  }
0x49: {  	_ =	shalt  }
0x4a: {  	_ =	shalt  }
0x4b: {  	_ =	shalt  }
0x4c: {  	_ =	shalt  }
0x4d: {  	_ =	shalt  }
0x4e: {  	_ =	shalt  }
0x4f: {  	_ =	shalt  }
0x50: {  	_ =	shalt  }
0x51: {  	_ =	shalt  }
0x52: {  	_ =	shalt  }
0x53: {  	_ =	shalt  }
0x54: {  	_ =	shalt  }
0x55: {  	_ =	shalt  }
0x56: {  	_ =	shalt  }
0x57: {  	_ =	shalt  }
0x58: {  	_ =	shalt  }
0x59: {  	_ =	shalt  }
0x5a: {  	_ =	shalt  }
0x5b: {  	_ =	shalt  }
0x5c: {  	_ =	shalt  }
0x5d: {  	_ =	shalt  }
0x5e: {  	_ =	shalt  }
0x5f: {  	_ =	shalt  }
0x60: {  	_ =	shalt  }
0x61: {  	_ =	shalt  }
0x62: {  	_ =	shalt  }
0x63: {  	_ =	shalt  }
0x64: {  	_ =	shalt  }
0x65: {  	_ =	shalt  }
0x66: {  	_ =	shalt  }
0x67: {  	_ =	shalt  }
0x68: {  	_ =	shalt  }
0x69: {  	_ =	shalt  }
0x6a: {  	_ =	shalt  }
0x6b: {  	_ =	shalt  }
0x6c: {  	_ =	shalt  }
0x6d: {  	_ =	shalt  }
0x6e: {  	_ =	shalt  }
0x6f: {  	_ =	shalt  }
0x70: {  	_ =	shalt  }
0x71: {  	_ =	shalt  }
0x72: {  	_ =	shalt  }
0x73: {  	_ =	shalt  }
0x74: {  	_ =	shalt  }
0x75: {  	_ =	shalt  }
0x76: {  	_ =	shalt  }
0x77: {  	_ =	shalt  }
0x78: {  	_ =	shalt  }
0x79: {  	_ =	shalt  }
0x7a: {  	_ =	shalt  }
0x7b: {  	_ =	shalt  }
0x7c: {  	_ =	shalt  }
0x7d: {  	_ =	shalt  }
0x7e: {  	_ =	shalt  }
0x7f: {  	_ =	shalt  }
0x80: {  	_ =	shalt  }
0x81: {  	_ =	shalt  }
0x82: {  	_ =	shalt  }
0x83: {  	_ =	shalt  }
0x84: {  	_ =	shalt  }
0x85: {  	_ =	shalt  }
0x86: {  	_ =	shalt  }
0x87: {  	_ =	shalt  }
.Lfunc_end0:
.L_simem_size_0:
called_computation_lowered:
.L_overlay_start_0:
0x88: {  	s2 =	sld [smem:$0x3FD9]  }
0x89: {  	s3 =	sld [smem:$0x3FFE];
	_ =	sdelay $0x1  }
0x8a: {  	s1 =	srdreg.scid  }
0x8b: {  	s0 =	sand.u32 $0x1, s1  }
0x8c: {  	s14 =	sshll.u32 s0, $0xA;
	s2 =	sadd.s32 s3, s2  }
0x8d: {  	s2 =	sadd.s32 s2, s14  }
0x8e: {  	[smem:$0x3FBE] =	sst s2  }
0x8f: {  	_ = 	snop  }
0x90: {  	s2 =	sld [smem:$0x3FD0];
	_ =	sdelay $0x2  }
0x91: {  	s15 =	simm.s32 $0xA;
	s4 =	simm.s32 $0x10  }
0x92: {  	[smem:s4], [sflag:s15] =	dma.local [hbm:s2], $0x1  }
0x93: {  	_ =	swait.eq [sflag:s15], $0x1  }
0x94: {  	[sflag:s15] =	ssyncset.done $0x0  }
0x95: {  	[sflag:s15] =	ssyncadd.s32 $0xFFFFFFFF  }
0x96: {  	s16 =	sld [smem:$0x10];
	(tm) =	ssettm $0x1  }
0x97: {  	s17 =	sld [smem:$0x3FFB];
	_ =	sdelay $0x3  }
0x98: {  	_ =	strace s17  }
0x99: {  	s3 =	sld [smem:$0x3FFC];
	_ =	sdelay $0x3  }
0x9a: {  	_ =	strace s3  }
0x9b: {  	s3 =	sld [smem:$0x3FFD];
	_ =	sdelay $0x3  }
0x9c: {  	_ =	strace s3  }
0x9d: {  	_ =	strace $0x8FFFFFFF  }
0x9e: {  	s18 =	sld [smem:$0x3FDB];
	_ =	sdelay $0x1  }
0x9f: {  	s19 =	simm.s32 $_scs_section_size  }
0xa0: {  	s5 =	simm.s32 $_size__tile_overlayer_lowered;
	s6 =	simm.s32 $_tile_overlayer_lowered  }
0xa1: {  	s22 =	simm.s32 $0x1BFF;
	s21 =	sshll.u32 s6, $0x1;
	s3 =	sadd.s32 s19, s18  }
0xa2: {  	s7 =	simm.s32 $0x0;
	s20 =	sshll.u32 s5, $0x1;
	s5 =	sadd.s32 s21, s3  }
0xa3: {  	[timem:s7], [sflag:s22] =	dma.local [hbm:s5], s20  }
0xa4: {  	_ =	swait.ge [sflag:s22], s20  }
0xa5: {  	s4 =	ssub.s32 $0x0, s20;
	[sflag:s22] =	ssyncset.done $0x0  }
0xa6: {  	[sflag:s22] =	ssyncadd.s32 s4;
	_ =	sdelay $0x1  }
0xa7: {  	s23 =	simm.s32 $0x1B8B  }
0xa8: {  	_ =	swait.ge [sflag:s23], $0x1  }
0xa9: {  	[sflag:s23] =	ssyncset.done $0x0  }
0xaa: {  	s25 =	simm.s32 $0x1B8E;
	s24 =	sld [smem:$0x3FFE];
	[sflag:s23] =	ssyncadd.s32 $0xFFFFFFFF  }
0xab: {  	s26 =	simm.s32 $execute0_lowered;
	[smem:$0x3FD2] =	sst s25  }
0xac: {  	s5 =	sshll.u32 s26, $0x1;
	_ =	strace $0x80000046;
	[dreg:$0x1] =	wrdreg $0xFFFFFFFF  }
0xad: {  	s28 =	simm.s32 $_size_execute0_lowered;
	s3 =	sadd.s32 s3, s5;
	[dreg:$0x0] =	wrdreg $0x0  }
0xae: {  	s5 =	sshll.u32 s28, $0x1;
	[dreg:$0x2] =	wrdreg s3  }
0xaf: {  	[dreg:$0x3] =	wrdreg s5  }
0xb0: {  	[dreg:$0x4] =	wrdreg $0xC0  }
0xb1: {  	_ =	task [dreg:s7], $0x5FFFF  }
0xb2: {  	[dreg:$0x1] =	wrdreg $0xFFFFFFFF  }
0xb3: {  	[dreg:$0x0] =	wrdreg $0x60  }
0xb4: {  	[dreg:$0x2] =	wrdreg s24  }
0xb5: {  	[dreg:$0x3] =	wrdreg s16  }
0xb6: {  	[dreg:$0x4] =	wrdreg $0x9  }
0xb7: {  	_ =	task.clear_ibuf [dreg:s7], $0x5FFFF;
	_ =	strace $0x90000046  }
0xb8: {  	s29 =	simm.s32 $0x9;
	_ =	strace $0x80000048  }
0xb9: {  	_ =	swait.ge [sflag:s29], $0x1  }
0xba: {  	[sflag:s29] =	ssyncadd.s32 $0xFFFFFFFF  }
0xbb: {  	_ =	strace $0x90000048  }
0xbc: {  	_ =	sfence  }
0xbd: {  	s30 =	sld [smem:$0x0];
	_ =	sdelay $0x2  }
0xbe: {  	s31 =	sshll.u32 s1, $0xD;
	s1 =	sshrl.u32 s1, $0x2  }
0xbf: {  	s3 =	sand.u32 $0x4000, s31;
	s1 =	sadd.s32 s1, s30  }
0xc0: {  	s0 =	sor.u32 s3, s0;
	s1 =	sshll.u32 s1, $0x11  }
0xc1: {  	s0 =	sor.u32 s1, s0  }
0xc2: {  	s0 =	sadd.s32 $0x8F2B, s0  }
0xc3: {  	[sflag:s0] =	ssyncadd.remote.s32 $0x1  }
0xc4: {  	_ =	sfence.sel $0xFFFF  }
0xc5: {  	[dreg:$0x0] =	wrdreg $0xFFFFFFFF;
	(pc) =	sbr.abs _section_cstart, $3  }
0xc6: {  	[dreg:$0x1] =	wrdreg $0xFFFFFFFF  }
0xc7: {  	_ =	task.clear_ibuf [dreg:s7], $0x2FFFF;
	_ =	strace $0x9FFFFFFF  }
0xc8: {  	(tm) =	ssettm $0x7FFFFFFF  }
0xc9: {  	_ =	shalt  }
tec
execute0_lowered:
.L_overlay_start_1:
0x0: {  	(tag) =	ssettag $0x1  }
0x1: {  	s3 =	rddreg [dreg:$0x0]  }
0x2: {  	s1 =	srdreg.scid;
	s0 =	stileid.u32  }
0x3: {  	s4 =	rddreg [dreg:$0x1];
	s5 =	sand.u32 $0x1, s1;
	s2 =	sshll.u32 s0, $0x1  }
0x4: {  	s1 =	rddreg [dreg:$0x2];
	s6 =	sor.u32 s5, s2  }
0x5: {  	s2 =	simm.s32 $0x0;
	s5 =	ssub.s32 $0x2, s5;
	s7 =	smul.u32 $0x4E2, s6  }
0x6: {  	[smem:$0x7FF] =	sst s2;
	s8 =	sshrl.u32 s5, $0x1;
	s6 =	smul.u32 $0x500, s6  }
0x7: {  	_ =	strace $0x80000047;
	s5 =	ssub.s32 s5, s8;
	s8 =	simm.s32 $0x0  }
0x8: {  	s3 =	sadd.s32 s7, s3;
	s4 =	sadd.s32 s4, s6;
	s5 =	smax.u32 s5, $0x1  }
0x9: {  	v0 =	vimm.f32 $0.0e+00;
	v1 =	vimm.f32 $1.000000000e+00;
	s6 =	simm.s32 $0x1;
	s7 =	simm.s32 $0x2710;
	s3 =	sadd.s32 $0xD600, s3  }
.LBB2_1:
0xa: {  	s9 =	simm.s32 $0x40;
	s10 =	simm.s32 $0x0  }
.LBB2_2:
0xb: {  	p0 =	sne.s32 s9, $0x9FC0;
	[tilespmem:s10+$0x2710] =	vst v0;
	s10 =	smov.u32 s9;
	s9 =	sadd.s32 $0x40, s9  }
.Ltmp0:
0xc: {  	(pc) =	sbr.rel @p0 .LBB2_2-.Ltmp0, $2  }
0xd: {  	_ =	sdelay $0x2  }
0xe: {  	s10 =	sshra.s32 s10, $0x2  }
0xf: {  	[tilespmem:s10+$0x2710] =	vst v0;
	s9 =	simm.s32 $0x0  }
0x10: {  	[tilespmem:s9], [sflag:$0x1] =	stream.linear.gather [hbm4b:s3+s9], $0x2710, $0x38;
	[tilespmem:$0x4F10] =	vst v63  }
0x11: {  	_ =	swait.ge [sflag:s6], $0x2710  }
0x12: {  	[sflag:s6] =	ssyncset.done $0x0  }
0x13: {  	s10 =	simm.s32 $0x0;
	s9 =	simm.s32 $0x40;
	[sflag:s6] =	ssyncadd.s32 $0xFFFFD8F0  }
.LBB2_4:
0x14: {  	p0 =	sne.s32 s9, $0x9C00;
	v2 =	vld [tilespmem:s10+$0x0];
	_ =	sdelay $0x3  }
.Ltmp1:
0x15: {  	(pc) =	sbr.rel @p0 .LBB2_4-.Ltmp1, $2  }
0x16: {  	_ =	sdelay $0x2  }
0x17: {  	s10 =	sshra.s32 s9, $0x2;
	s9 =	sadd.s32 $0x40, s9;
	[tilespmem:v2+s7+$0x0] =	vst.idx.add.f32.msk $0xffff, v1  }
0x18: {  	v2 =	vld [tilespmem:s10+$0x0];
	_ =	sdelay $0x5  }
0x19: {  	s8 =	sadd.s32 $0x1, s8  }
0x1a: {  	p0 =	sne.s32 s8, s5  }
.Ltmp2:
0x1b: {  	[tilespmem:v2+s7+$0x0] =	vst.idx.add.f32.msk $0xffff, v1;
	(pc) =	sbr.rel @p0 .LBB2_1-.Ltmp2, $4  }
0x1c: {  	[hbm4b:s4+s2] =	stream.linear.scatter [tilespmem:s7], [sflag:$0x1], $0x2800, $0x38;
	[tilespmem:$0x4F10] =	vst v63  }
0x1d: {  	_ =	swait.ge [sflag:s6], $0x2800  }
0x1e: {  	[sflag:s6] =	ssyncset.done $0x0  }
0x1f: {  	[sflag:s6] =	ssyncadd.s32 $0xFFFFD800  }
0x20: {  	_ =	sfence.sel $0x180000  }
0x21: {  	[bflag:$0x0] =	sbarrier.arrive $0xFFFF  }
0x22: {  	p0 =	sne.s32 s0, $0x0;
	_ =	strace $0x90000047  }
0x23: {  	s0 =	sadd.s32 @!p0 $0x100000, s1;
	[bflag:$0x2] =	sbarrier.arrive $0xFFFF  }
0x24: {  	[sflag:s0] =	ssyncadd.tile.s32 @!p0 $0x1;
	_ =	shalt  }
.Lfunc_end2:
_tile_overlayer_lowered:
.L_overlay_start_2:
0x25: {  	(tag) =	ssettag $0x2  }
0x26: {  	s0 =	rddreg [dreg:$0x0];
	s2 =	stileid.u32  }
0x27: {  	s1 =	rddreg [dreg:$0x1];
	p0 =	sne.s32 s2, $0x0  }
0x28: {  	s3 =	rddreg [dreg:$0x2];
	[bflag:$0x3] =	sbarrier.arrive $0xFFFF;
	s2 =	simm.s32 @!p0 $0x1C01  }
0x29: {  	[timem:s3], [sflag:s2] =	dma.local @!p0 [hbm:s0], s1  }
0x2a: {  	s0 =	simm.s32 @!p0 $0x1  }
0x2b: {  	_ =	swait.ge @!p0 [sflag:s0], s1  }
0x2c: {  	s1 =	ssub.s32 @!p0 $0x0, s1;
	[sflag:s0] =	ssyncset.done @!p0 $0x0  }
0x2d: {  	[sflag:s0] =	ssyncadd.s32 @!p0 s1  }
0x2e: {  	[bflag:$0x3] =	sbarrier.arrive $0xFFFF  }
0x2f: {  	_ =	shalt  }

</sc_bundles>
